<compile_context>
chip_gen: v7x
topology: tpu7x:2x2x1
jax: 0.10.2.dev20260603
libtpu: 0.0.44.dev20260713+nightly
codegen_flags: <defaults>
</compile_context>

<pallas_src>
import functools

import jax
import jax.numpy as jnp
from jax import lax
from jax.experimental import pallas as pl
from jax.experimental.pallas import tpu as pltpu
from jax.experimental.pallas import tpu_sc as plsc

N = 10000
E = 320000
NFEAT = 128
NHID = 128
NCLASS = 40
NMEM = 8

NC = 2
NS = 16
NW = NC * NS
EW = E // NW
K = 80
CHUNKS = EW // K
NBUF = 3
RPT = 624
RPT_LAST = N - (NS - 1) * RPT
DPASS = 64

BLK = 2000
GRID = N // BLK


def _seg_sum_body(h_hbm, ei_hbm, zeros_hbm, out_hbm,
                  src_v, dst_v, rows0, rows1, rows2, acc, *gsems):
    rows = [rows0, rows1, rows2]
    cid = lax.axis_index("c")
    sid = lax.axis_index("s")
    wid = cid * NS + sid

    @pl.when(sid < NS - 1)
    def _():
        pltpu.sync_copy(zeros_hbm.at[pl.ds(sid * RPT, RPT)],
                        acc.at[pl.ds(sid * RPT, RPT)])

    @pl.when(sid == NS - 1)
    def _():
        pltpu.sync_copy(zeros_hbm.at[pl.ds((NS - 1) * RPT, RPT_LAST)],
                        acc.at[pl.ds((NS - 1) * RPT, RPT_LAST)])

    plsc.subcore_barrier()

    for lo in range(0, CHUNKS, DPASS):
        npass = min(DPASS, CHUNKS - lo)
        pltpu.sync_copy(ei_hbm.at[0, wid, pl.ds(lo, npass)],
                        src_v.at[pl.ds(0, npass)])
        pltpu.sync_copy(ei_hbm.at[1, wid, pl.ds(lo, npass)],
                        dst_v.at[pl.ds(0, npass)])
        for b in range(NBUF):
            pltpu.async_copy(h_hbm.at[src_v.at[b]], rows[b], gsems[b])

        def step(jj, carry):
            for b in range(NBUF):
                r = jj * NBUF + b
                pltpu.make_async_copy(h_hbm.at[src_v.at[r]],
                                      rows[b], gsems[b]).wait()
                pltpu.sync_copy(rows[b], acc.at[dst_v.at[r]], add=True)

                @pl.when(r + NBUF < npass)
                def _():
                    pltpu.async_copy(h_hbm.at[src_v.at[r + NBUF]],
                                     rows[b], gsems[b])
            return carry

        lax.fori_loop(0, npass // NBUF, step, 0)
        for r in range((npass // NBUF) * NBUF, npass):
            b = r % NBUF
            pltpu.make_async_copy(h_hbm.at[src_v.at[r]],
                                  rows[b], gsems[b]).wait()
            pltpu.sync_copy(rows[b], acc.at[dst_v.at[r]], add=True)
    plsc.subcore_barrier()

    @pl.when(sid < NS - 1)
    def _():
        pltpu.sync_copy(acc.at[pl.ds(sid * RPT, RPT)],
                        out_hbm.at[cid, pl.ds(sid * RPT, RPT)])

    @pl.when(sid == NS - 1)
    def _():
        pltpu.sync_copy(acc.at[pl.ds((NS - 1) * RPT, RPT_LAST)],
                        out_hbm.at[cid, pl.ds((NS - 1) * RPT, RPT_LAST)])


_seg_sum = functools.partial(
    pl.kernel,
    _seg_sum_body,
    out_type=jax.ShapeDtypeStruct((NC, N, NHID), jnp.float32),
    mesh=plsc.VectorSubcoreMesh(core_axis_name="c", subcore_axis_name="s"),
    scratch_types=[
        pltpu.VMEM((DPASS, K), jnp.int32),
        pltpu.VMEM((DPASS, K), jnp.int32),
        pltpu.VMEM((K, NHID), jnp.float32),
        pltpu.VMEM((K, NHID), jnp.float32),
        pltpu.VMEM((K, NHID), jnp.float32),
        pltpu.VMEM_SHARED((N, NHID), jnp.float32),
    ] + [pltpu.SemaphoreType.DMA] * NBUF,
)()


def _pre_body(x_ref, w_ref, b_ref, o_ref):
    o_ref[...] = x_ref[...] @ w_ref[...] + b_ref[...]


def _mem_attend(u, mem):
    s = lax.dot_general(u, mem, (((1,), (1,)), ((), ())))
    s = s - jnp.max(s, axis=-1, keepdims=True)
    e = jnp.exp(s)
    p = e / jnp.sum(e, axis=-1, keepdims=True)
    return p @ mem


def _layer_body(h_ref, pp_ref, wpre_ref, w1_ref, b1_ref,
                w2_ref, b2_ref, mem_ref, o_ref):
    h = h_ref[...]
    aggx = pp_ref[0] + pp_ref[1]
    agg = aggx @ wpre_ref[...]
    t = h @ w1_ref[:NHID] + agg @ w1_ref[NHID:] + b1_ref[...]
    t = jnp.maximum(t, 0.0)
    u = t @ w2_ref[...] + b2_ref[...]
    u = jnp.maximum(u, 0.0)
    o_ref[...] = _mem_attend(u, mem_ref[...])


def _final_body(h_ref, pp_ref, w1_ref, b1_ref,
                w2_ref, b2_ref, mem_ref,
                wl_ref, bl_ref, o_ref):
    h = h_ref[...]
    agg = pp_ref[0] + pp_ref[1]
    t = h @ w1_ref[:NHID] + agg @ w1_ref[NHID:] + b1_ref[...]
    t = jnp.maximum(t, 0.0)
    u = t @ w2_ref[...] + b2_ref[...]
    u = jnp.maximum(u, 0.0)
    h2 = _mem_attend(u, mem_ref[...])
    y = h @ wl_ref[:NHID] + h2 @ wl_ref[NHID:] + bl_ref[...]
    m = jnp.max(y, axis=-1, keepdims=True)
    z = y - m
    o_ref[...] = z - jnp.log(jnp.sum(jnp.exp(z), axis=-1, keepdims=True))


def _row_spec(cols):
    return pl.BlockSpec((BLK, cols), lambda i: (i, 0))


def _part_spec():
    return pl.BlockSpec((NC, BLK, NHID), lambda i: (0, i, 0))


def _full_spec(rows, cols):
    return pl.BlockSpec((rows, cols), lambda i: (0, 0))


def kernel(x, edge_index, W_pre, b_pre, W1_0, b1_0, W2_0, b2_0, mem_0,
           W1_1, b1_1, W2_1, b2_1, mem_1, W_lin, b_lin):
    ei = edge_index.astype(jnp.int32).reshape(2, NW, CHUNKS, K)
    zeros = jnp.zeros((N, NHID), jnp.float32)

    pre = pl.pallas_call(
        _pre_body,
        grid=(GRID,),
        in_specs=[_row_spec(NFEAT), _full_spec(NFEAT, NHID), _full_spec(1, NHID)],
        out_specs=_row_spec(NHID),
        out_shape=jax.ShapeDtypeStruct((N, NHID), jnp.float32),
    )
    layer = pl.pallas_call(
        _layer_body,
        grid=(GRID,),
        in_specs=[
            _row_spec(NHID), _part_spec(),
            _full_spec(NFEAT, NHID),
            _full_spec(2 * NHID, NHID), _full_spec(1, NHID),
            _full_spec(NHID, NHID), _full_spec(1, NHID),
            _full_spec(NMEM, NHID),
        ],
        out_specs=_row_spec(NHID),
        out_shape=jax.ShapeDtypeStruct((N, NHID), jnp.float32),
    )

    final = pl.pallas_call(
        _final_body,
        grid=(GRID,),
        in_specs=[
            _row_spec(NHID), _part_spec(),
            _full_spec(2 * NHID, NHID), _full_spec(1, NHID),
            _full_spec(NHID, NHID), _full_spec(1, NHID),
            _full_spec(NMEM, NHID),
            _full_spec(2 * NHID, NCLASS), _full_spec(1, NCLASS),
        ],
        out_specs=_row_spec(NCLASS),
        out_shape=jax.ShapeDtypeStruct((N, NCLASS), jnp.float32),
    )

    part0 = _seg_sum(x, ei, zeros)
    h0 = pre(x, W_pre, b_pre.reshape(1, NHID))
    h1 = layer(h0, part0, W_pre, W1_0, b1_0.reshape(1, NHID),
               W2_0, b2_0.reshape(1, NHID), mem_0)

    part1 = _seg_sum(h1, ei, zeros)
    out = final(h1, part1, W1_1, b1_1.reshape(1, NHID),
                W2_1, b2_1.reshape(1, NHID), mem_1,
                W_lin, b_lin.reshape(1, NCLASS))
    return out

# --- scband reference (transcript-rebuilt; emitter-appended) ---
"""Pipeline reference for scband-struct-gnn-5471788335198 (READ-ONLY COPY).

The authoritative reference and input builder live on the scoring server;
editing this copy changes nothing except your own understanding.
"""

import jax, jax.numpy as jnp
import numpy as np

N = 10000
E = 320000
NFEAT = 128
NHID = 128
NCLASS = 40
NMEM = 8

def setup_inputs(seed: int = 0) -> dict:
    key = jax.random.key(seed)
    ks = jax.random.split(key, 20)
    inp = {}
    inp['x'] = jax.random.normal(ks[0], (N, NFEAT), dtype=jnp.float32)
    inp['edge_index'] = jax.random.randint(ks[1], (2, E), 0, N, dtype=jnp.int64)
    # pre_conv: Linear(nfeat, nhid)
    inp['W_pre'] = jax.random.normal(ks[2], (NFEAT, NHID), dtype=jnp.float32) * 0.05
    inp['b_pre'] = jnp.zeros((NHID,), dtype=jnp.float32)
    # layer 0: MLP(2*nhid -> nhid -> nhid), memory[8, nhid]
    inp['W1_0'] = jax.random.normal(ks[3], (2 * NHID, NHID), dtype=jnp.float32) * 0.05
    inp['b1_0'] = jnp.zeros((NHID,), dtype=jnp.float32)
    inp['W2_0'] = jax.random.normal(ks[4], (NHID, NHID), dtype=jnp.float32) * 0.05
    inp['b2_0'] = jnp.zeros((NHID,), dtype=jnp.float32)
    inp['mem_0'] = jax.random.normal(ks[5], (NMEM, NHID), dtype=jnp.float32)
    # layer 1
    inp['W1_1'] = jax.random.normal(ks[6], (2 * NHID, NHID), dtype=jnp.float32) * 0.05
    inp['b1_1'] = jnp.zeros((NHID,), dtype=jnp.float32)
    inp['W2_1'] = jax.random.normal(ks[7], (NHID, NHID), dtype=jnp.float32) * 0.05
    inp['b2_1'] = jnp.zeros((NHID,), dtype=jnp.float32)
    inp['mem_1'] = jax.random.normal(ks[8], (NMEM, NHID), dtype=jnp.float32)
    # final classifier: Linear(nhid*nlayer, nclass) since res=True
    inp['W_lin'] = jax.random.normal(ks[9], (2 * NHID, NCLASS), dtype=jnp.float32) * 0.05
    inp['b_lin'] = jnp.zeros((NCLASS,), dtype=jnp.float32)
    return inp


def _struct_conv(x, edge_index, W1, b1, W2, b2):
    # StructConv: aggregate neighbor messages (scatter-add by dst), concat with self, MLP
    src = edge_index[0]
    dst = edge_index[1]
    msgs = jnp.take(x, src, axis=0)
    agg = jax.ops.segment_sum(msgs, dst, num_segments=N)
    h = jnp.concatenate([x, agg], axis=-1)
    h = jax.nn.relu(h @ W1 + b1)
    h = h @ W2 + b2
    return h


def _mem_cell(x, mem):
    # MemModule with dot-product attention ('dp'), use_key=False: keys == values == memory
    sim = jax.nn.softmax(x @ mem.T, axis=-1)
    x_out = sim @ mem
    return x_out, sim


def reference(x, edge_index, W_pre, b_pre, W1_0, b1_0, W2_0, b2_0, mem_0,
              W1_1, b1_1, W2_1, b2_1, mem_1, W_lin, b_lin):
    # pre_conv
    h = x @ W_pre + b_pre
    xs = []
    # layer 0
    h = _struct_conv(h, edge_index, W1_0, b1_0, W2_0, b2_0)
    h = jax.nn.relu(h)
    h, _sim0 = _mem_cell(h, mem_0)
    xs.append(h)
    # layer 1
    h = _struct_conv(h, edge_index, W1_1, b1_1, W2_1, b2_1)
    h = jax.nn.relu(h)
    h, _sim1 = _mem_cell(h, mem_1)
    xs.append(h)
    # residual concat + classifier
    hcat = jnp.concatenate(xs, axis=-1)
    y = hcat @ W_lin + b_lin
    return jax.nn.log_softmax(y, axis=1)

if __name__ == "__main__":
    import jax
    _d = setup_inputs()
    print(jax.jit(kernel)(*tuple(_d.values())))

</pallas_src>

<mosaic_0001>
#map = affine_map<(d0, d1) -> (0, 0)>
#map1 = affine_map<(d0, d1) -> (0, 0, 0, 0)>
#map2 = affine_map<(d0, d1) -> (0, 0, 0)>
module attributes {stable_mosaic.version = 14 : i64} {
  func.func @_seg_sum_body(%arg0: i32, %arg1: i32, %arg2: memref<10000x128xf32, #tpu.memory_space<hbm>>, %arg3: memref<2x32x125x80xi32, #tpu.memory_space<hbm>>, %arg4: memref<10000x128xf32, #tpu.memory_space<hbm>>, %arg5: memref<2x10000x128xf32, #tpu.memory_space<hbm>>, %arg6: memref<64x80xi32, #tpu.memory_space<vmem>>, %arg7: memref<64x80xi32, #tpu.memory_space<vmem>>, %arg8: memref<80x128xf32, #tpu.memory_space<vmem>>, %arg9: memref<80x128xf32, #tpu.memory_space<vmem>>, %arg10: memref<80x128xf32, #tpu.memory_space<vmem>>, %arg11: memref<10000x128xf32, #tpu.memory_space<vmem_shared>>, %arg12: memref<!tpu.dma_semaphore, #tpu.memory_space<semaphore_mem>>, %arg13: memref<!tpu.dma_semaphore, #tpu.memory_space<semaphore_mem>>, %arg14: memref<!tpu.dma_semaphore, #tpu.memory_space<semaphore_mem>>) attributes {dimension_semantics = [#tpu.dimension_semantics<core_parallel>, #tpu.dimension_semantics<subcore_parallel>], iteration_bounds = array<i64: 2, 16>, scalar_prefetch = 0 : i64, scratch_operands = 9 : i64, tpu.core_type = #tpu.core_type<sc_vector_subcore>, window_params = [{transform_indices = #map}, {transform_indices = #map1}, {transform_indices = #map}, {transform_indices = #map2}]} {
    %mul3A = arith.constant 16 : i32
    %mul3A_0 = arith.muli %arg0, %mul3A : i32
    %add3A = arith.addi %mul3A_0, %arg1 : i32
    %lt3A = arith.constant 15 : i32
    %lt3A_1 = arith.cmpi slt, %arg1, %lt3A : i32
    %convert_element_type3A = arith.extui %lt3A_1 : i1 to i32
    %cond3A = arith.constant 0 : i32
    %cond3A_2 = arith.cmpi ne, %convert_element_type3A, %cond3A : i32
    scf.if %cond3A_2 {
      %mul3A_88 = arith.constant 624 : i32
      %mul3A_89 = arith.muli %arg1, %mul3A_88 : i32
      %mul3A_90 = arith.constant 624 : i32
      %mul3A_91 = arith.muli %arg1, %mul3A_90 : i32
      "tpu.region"() ({
        %run_scoped3A_92 = tpu.sem_alloc : memref<!tpu.dma_semaphore, #tpu.memory_space<semaphore_mem>>
        %dma_start3A_93 = arith.constant 0 : i32
        %dma_start3A_94 = tpu.memref_slice %arg11[%mul3A_91, %dma_start3A_93] : memref<10000x128xf32, #tpu.memory_space<vmem_shared>> -> memref<624x128xf32, #tpu.memory_space<vmem_shared>>
        %dma_start3A_95 = arith.constant 0 : i32
        %dma_start3A_96 = tpu.memref_slice %arg4[%mul3A_89, %dma_start3A_95] : memref<10000x128xf32, #tpu.memory_space<hbm>> -> memref<624x128xf32, #tpu.memory_space<hbm>>
        tpu.enqueue_dma source(%dma_start3A_96 : memref<624x128xf32, #tpu.memory_space<hbm>>) target(%dma_start3A_94 : memref<624x128xf32, #tpu.memory_space<vmem_shared>>) target_semaphore(%run_scoped3A_92 : memref<!tpu.dma_semaphore, #tpu.memory_space<semaphore_mem>>)
        %dma_wait3A_97 = arith.constant 0 : i32
        %dma_wait3A_98 = tpu.memref_slice %arg11[%mul3A_91, %dma_wait3A_97] : memref<10000x128xf32, #tpu.memory_space<vmem_shared>> -> memref<624x128xf32, #tpu.memory_space<vmem_shared>>
        %dma_wait3A_99 = arith.constant 0 : i32
        %dma_wait3A_100 = tpu.memref_slice %arg4[%mul3A_89, %dma_wait3A_99] : memref<10000x128xf32, #tpu.memory_space<hbm>> -> memref<624x128xf32, #tpu.memory_space<hbm>>
        tpu.wait_dma2 semaphore(%run_scoped3A_92 : memref<!tpu.dma_semaphore, #tpu.memory_space<semaphore_mem>>) src(%dma_wait3A_100 : memref<624x128xf32, #tpu.memory_space<hbm>>) dst(%dma_wait3A_98 : memref<624x128xf32, #tpu.memory_space<vmem_shared>>)
        tpu.yield
      }) : () -> ()
    } else {
    }
    %eq3A = arith.constant 15 : i32
    %eq3A_3 = arith.cmpi eq, %arg1, %eq3A : i32
    %convert_element_type3A_4 = arith.extui %eq3A_3 : i1 to i32
    %cond3A_5 = arith.constant 0 : i32
    %cond3A_6 = arith.cmpi ne, %convert_element_type3A_4, %cond3A_5 : i32
    scf.if %cond3A_6 {
      "tpu.region"() ({
        %run_scoped3A_88 = tpu.sem_alloc : memref<!tpu.dma_semaphore, #tpu.memory_space<semaphore_mem>>
        %dma_start3A_89 = arith.constant 9360 : i32
        %dma_start3A_90 = arith.constant 0 : i32
        %dma_start3A_91 = tpu.memref_slice %arg11[%dma_start3A_89, %dma_start3A_90] : memref<10000x128xf32, #tpu.memory_space<vmem_shared>> -> memref<640x128xf32, #tpu.memory_space<vmem_shared>>
        %dma_start3A_92 = arith.constant 9360 : i32
        %dma_start3A_93 = arith.constant 0 : i32
        %dma_start3A_94 = tpu.memref_slice %arg4[%dma_start3A_92, %dma_start3A_93] : memref<10000x128xf32, #tpu.memory_space<hbm>> -> memref<640x128xf32, #tpu.memory_space<hbm>>
        tpu.enqueue_dma source(%dma_start3A_94 : memref<640x128xf32, #tpu.memory_space<hbm>>) target(%dma_start3A_91 : memref<640x128xf32, #tpu.memory_space<vmem_shared>>) target_semaphore(%run_scoped3A_88 : memref<!tpu.dma_semaphore, #tpu.memory_space<semaphore_mem>>)
        %dma_wait3A_95 = arith.constant 9360 : i32
        %dma_wait3A_96 = arith.constant 0 : i32
        %dma_wait3A_97 = tpu.memref_slice %arg11[%dma_wait3A_95, %dma_wait3A_96] : memref<10000x128xf32, #tpu.memory_space<vmem_shared>> -> memref<640x128xf32, #tpu.memory_space<vmem_shared>>
        %dma_wait3A_98 = arith.constant 9360 : i32
        %dma_wait3A_99 = arith.constant 0 : i32
        %dma_wait3A_100 = tpu.memref_slice %arg4[%dma_wait3A_98, %dma_wait3A_99] : memref<10000x128xf32, #tpu.memory_space<hbm>> -> memref<640x128xf32, #tpu.memory_space<hbm>>
        tpu.wait_dma2 semaphore(%run_scoped3A_88 : memref<!tpu.dma_semaphore, #tpu.memory_space<semaphore_mem>>) src(%dma_wait3A_100 : memref<640x128xf32, #tpu.memory_space<hbm>>) dst(%dma_wait3A_97 : memref<640x128xf32, #tpu.memory_space<vmem_shared>>)
        tpu.yield
      }) : () -> ()
    } else {
    }
    %barrier3A = arith.constant 0 : index
    tpu.barrier barrier_id(%barrier3A)
    %run_scoped3A = arith.constant 0 : i32
    "tpu.region"() ({
      %run_scoped3A_88 = tpu.sem_alloc : memref<!tpu.dma_semaphore, #tpu.memory_space<semaphore_mem>>
      %dma_start3A_89 = arith.constant 0 : i32
      %dma_start3A_90 = arith.constant 0 : i32
      %dma_start3A_91 = tpu.memref_slice %arg6[%dma_start3A_89, %dma_start3A_90] : memref<64x80xi32, #tpu.memory_space<vmem>> -> memref<64x80xi32, #tpu.memory_space<vmem>>
      %dma_start3A_92 = arith.constant 0 : i32
      %dma_start3A_93 = arith.constant 0 : i32
      %dma_start3A_94 = tpu.memref_slice %arg3[%run_scoped3A, %add3A, %dma_start3A_92, %dma_start3A_93] : memref<2x32x125x80xi32, #tpu.memory_space<hbm>> -> memref<1x1x64x80xi32, #tpu.memory_space<hbm>>
      %dma_start3A_95 = tpu.memref_squeeze %dma_start3A_94 : memref<1x1x64x80xi32, #tpu.memory_space<hbm>> -> memref<64x80xi32, #tpu.memory_space<hbm>>
      %dma_start3A_96 = arith.constant 0 : i32
      %dma_start3A_97 = arith.constant 0 : i32
      %dma_start3A_98 = tpu.memref_slice %arg6[%dma_start3A_96, %dma_start3A_97] : memref<64x80xi32, #tpu.memory_space<vmem>> -> memref<64x80xi32, #tpu.memory_space<vmem>>
      %dma_start3A_99 = arith.constant 0 : i32
      %dma_start3A_100 = arith.constant 0 : i32
      %dma_start3A_101 = tpu.memref_slice %arg3[%run_scoped3A, %add3A, %dma_start3A_99, %dma_start3A_100] : memref<2x32x125x80xi32, #tpu.memory_space<hbm>> -> memref<1x1x64x80xi32, #tpu.memory_space<hbm>>
      %dma_start3A_102 = tpu.memref_squeeze %dma_start3A_101 : memref<1x1x64x80xi32, #tpu.memory_space<hbm>> -> memref<64x80xi32, #tpu.memory_space<hbm>>
      tpu.enqueue_dma source(%dma_start3A_102 : memref<64x80xi32, #tpu.memory_space<hbm>>) target(%dma_start3A_98 : memref<64x80xi32, #tpu.memory_space<vmem>>) target_semaphore(%run_scoped3A_88 : memref<!tpu.dma_semaphore, #tpu.memory_space<semaphore_mem>>)
      %dma_wait3A_103 = arith.constant 0 : i32
      %dma_wait3A_104 = arith.constant 0 : i32
      %dma_wait3A_105 = tpu.memref_slice %arg6[%dma_wait3A_103, %dma_wait3A_104] : memref<64x80xi32, #tpu.memory_space<vmem>> -> memref<64x80xi32, #tpu.memory_space<vmem>>
      %dma_wait3A_106 = arith.constant 0 : i32
      %dma_wait3A_107 = arith.constant 0 : i32
      %dma_wait3A_108 = tpu.memref_slice %arg3[%run_scoped3A, %add3A, %dma_wait3A_106, %dma_wait3A_107] : memref<2x32x125x80xi32, #tpu.memory_space<hbm>> -> memref<1x1x64x80xi32, #tpu.memory_space<hbm>>
      %dma_wait3A_109 = tpu.memref_squeeze %dma_wait3A_108 : memref<1x1x64x80xi32, #tpu.memory_space<hbm>> -> memref<64x80xi32, #tpu.memory_space<hbm>>
      %dma_wait3A_110 = arith.constant 0 : i32
      %dma_wait3A_111 = arith.constant 0 : i32
      %dma_wait3A_112 = tpu.memref_slice %arg6[%dma_wait3A_110, %dma_wait3A_111] : memref<64x80xi32, #tpu.memory_space<vmem>> -> memref<64x80xi32, #tpu.memory_space<vmem>>
      %dma_wait3A_113 = arith.constant 0 : i32
      %dma_wait3A_114 = arith.constant 0 : i32
      %dma_wait3A_115 = tpu.memref_slice %arg3[%run_scoped3A, %add3A, %dma_wait3A_113, %dma_wait3A_114] : memref<2x32x125x80xi32, #tpu.memory_space<hbm>> -> memref<1x1x64x80xi32, #tpu.memory_space<hbm>>
      %dma_wait3A_116 = tpu.memref_squeeze %dma_wait3A_115 : memref<1x1x64x80xi32, #tpu.memory_space<hbm>> -> memref<64x80xi32, #tpu.memory_space<hbm>>
      tpu.wait_dma2 semaphore(%run_scoped3A_88 : memref<!tpu.dma_semaphore, #tpu.memory_space<semaphore_mem>>) src(%dma_wait3A_116 : memref<64x80xi32, #tpu.memory_space<hbm>>) dst(%dma_wait3A_112 : memref<64x80xi32, #tpu.memory_space<vmem>>)
      tpu.yield
    }) : () -> ()
    %run_scoped3A_7 = arith.constant 1 : i32
    "tpu.region"() ({
      %run_scoped3A_88 = tpu.sem_alloc : memref<!tpu.dma_semaphore, #tpu.memory_space<semaphore_mem>>
      %dma_start3A_89 = arith.constant 0 : i32
      %dma_start3A_90 = arith.constant 0 : i32
      %dma_start3A_91 = tpu.memref_slice %arg7[%dma_start3A_89, %dma_start3A_90] : memref<64x80xi32, #tpu.memory_space<vmem>> -> memref<64x80xi32, #tpu.memory_space<vmem>>
      %dma_start3A_92 = arith.constant 0 : i32
      %dma_start3A_93 = arith.constant 0 : i32
      %dma_start3A_94 = tpu.memref_slice %arg3[%run_scoped3A_7, %add3A, %dma_start3A_92, %dma_start3A_93] : memref<2x32x125x80xi32, #tpu.memory_space<hbm>> -> memref<1x1x64x80xi32, #tpu.memory_space<hbm>>
      %dma_start3A_95 = tpu.memref_squeeze %dma_start3A_94 : memref<1x1x64x80xi32, #tpu.memory_space<hbm>> -> memref<64x80xi32, #tpu.memory_space<hbm>>
      %dma_start3A_96 = arith.constant 0 : i32
      %dma_start3A_97 = arith.constant 0 : i32
      %dma_start3A_98 = tpu.memref_slice %arg7[%dma_start3A_96, %dma_start3A_97] : memref<64x80xi32, #tpu.memory_space<vmem>> -> memref<64x80xi32, #tpu.memory_space<vmem>>
      %dma_start3A_99 = arith.constant 0 : i32
      %dma_start3A_100 = arith.constant 0 : i32
      %dma_start3A_101 = tpu.memref_slice %arg3[%run_scoped3A_7, %add3A, %dma_start3A_99, %dma_start3A_100] : memref<2x32x125x80xi32, #tpu.memory_space<hbm>> -> memref<1x1x64x80xi32, #tpu.memory_space<hbm>>
      %dma_start3A_102 = tpu.memref_squeeze %dma_start3A_101 : memref<1x1x64x80xi32, #tpu.memory_space<hbm>> -> memref<64x80xi32, #tpu.memory_space<hbm>>
      tpu.enqueue_dma source(%dma_start3A_102 : memref<64x80xi32, #tpu.memory_space<hbm>>) target(%dma_start3A_98 : memref<64x80xi32, #tpu.memory_space<vmem>>) target_semaphore(%run_scoped3A_88 : memref<!tpu.dma_semaphore, #tpu.memory_space<semaphore_mem>>)
      %dma_wait3A_103 = arith.constant 0 : i32
      %dma_wait3A_104 = arith.constant 0 : i32
      %dma_wait3A_105 = tpu.memref_slice %arg7[%dma_wait3A_103, %dma_wait3A_104] : memref<64x80xi32, #tpu.memory_space<vmem>> -> memref<64x80xi32, #tpu.memory_space<vmem>>
      %dma_wait3A_106 = arith.constant 0 : i32
      %dma_wait3A_107 = arith.constant 0 : i32
      %dma_wait3A_108 = tpu.memref_slice %arg3[%run_scoped3A_7, %add3A, %dma_wait3A_106, %dma_wait3A_107] : memref<2x32x125x80xi32, #tpu.memory_space<hbm>> -> memref<1x1x64x80xi32, #tpu.memory_space<hbm>>
      %dma_wait3A_109 = tpu.memref_squeeze %dma_wait3A_108 : memref<1x1x64x80xi32, #tpu.memory_space<hbm>> -> memref<64x80xi32, #tpu.memory_space<hbm>>
      %dma_wait3A_110 = arith.constant 0 : i32
      %dma_wait3A_111 = arith.constant 0 : i32
      %dma_wait3A_112 = tpu.memref_slice %arg7[%dma_wait3A_110, %dma_wait3A_111] : memref<64x80xi32, #tpu.memory_space<vmem>> -> memref<64x80xi32, #tpu.memory_space<vmem>>
      %dma_wait3A_113 = arith.constant 0 : i32
      %dma_wait3A_114 = arith.constant 0 : i32
      %dma_wait3A_115 = tpu.memref_slice %arg3[%run_scoped3A_7, %add3A, %dma_wait3A_113, %dma_wait3A_114] : memref<2x32x125x80xi32, #tpu.memory_space<hbm>> -> memref<1x1x64x80xi32, #tpu.memory_space<hbm>>
      %dma_wait3A_116 = tpu.memref_squeeze %dma_wait3A_115 : memref<1x1x64x80xi32, #tpu.memory_space<hbm>> -> memref<64x80xi32, #tpu.memory_space<hbm>>
      tpu.wait_dma2 semaphore(%run_scoped3A_88 : memref<!tpu.dma_semaphore, #tpu.memory_space<semaphore_mem>>) src(%dma_wait3A_116 : memref<64x80xi32, #tpu.memory_space<hbm>>) dst(%dma_wait3A_112 : memref<64x80xi32, #tpu.memory_space<vmem>>)
      tpu.yield
    }) : () -> ()
    %dma_start3A = arith.constant 0 : i32
    %dma_start3A_8 = arith.constant 0 : i32
    %dma_start3A_9 = tpu.memref_slice %arg6[%dma_start3A, %dma_start3A_8] : memref<64x80xi32, #tpu.memory_space<vmem>> -> memref<1x80xi32, #tpu.memory_space<vmem>>
    %dma_start3A_10 = tpu.memref_squeeze %dma_start3A_9 : memref<1x80xi32, #tpu.memory_space<vmem>> -> memref<80xi32, #tpu.memory_space<vmem>>
    %dma_start3A_11 = arith.constant 0 : i32
    %dma_start3A_12 = arith.constant 0 : i32
    %dma_start3A_13 = tpu.memref_slice %arg2[%dma_start3A_11, %dma_start3A_12] : memref<10000x128xf32, #tpu.memory_space<hbm>> -> memref<10000x128xf32, #tpu.memory_space<hbm>>
    tpu.enqueue_indirect_dma source(%dma_start3A_13 : memref<10000x128xf32, #tpu.memory_space<hbm>>) target(%arg8 : memref<80x128xf32, #tpu.memory_space<vmem>>) offsets(%dma_start3A_10 : memref<80xi32, #tpu.memory_space<vmem>>) semaphore(%arg12 : memref<!tpu.dma_semaphore, #tpu.memory_space<semaphore_mem>>)
    %dma_start3A_14 = arith.constant 1 : i32
    %dma_start3A_15 = arith.constant 0 : i32
    %dma_start3A_16 = tpu.memref_slice %arg6[%dma_start3A_14, %dma_start3A_15] : memref<64x80xi32, #tpu.memory_space<vmem>> -> memref<1x80xi32, #tpu.memory_space<vmem>>
    %dma_start3A_17 = tpu.memref_squeeze %dma_start3A_16 : memref<1x80xi32, #tpu.memory_space<vmem>> -> memref<80xi32, #tpu.memory_space<vmem>>
    %dma_start3A_18 = arith.constant 0 : i32
    %dma_start3A_19 = arith.constant 0 : i32
    %dma_start3A_20 = tpu.memref_slice %arg2[%dma_start3A_18, %dma_start3A_19] : memref<10000x128xf32, #tpu.memory_space<hbm>> -> memref<10000x128xf32, #tpu.memory_space<hbm>>
    tpu.enqueue_indirect_dma source(%dma_start3A_20 : memref<10000x128xf32, #tpu.memory_space<hbm>>) target(%arg9 : memref<80x128xf32, #tpu.memory_space<vmem>>) offsets(%dma_start3A_17 : memref<80xi32, #tpu.memory_space<vmem>>) semaphore(%arg13 : memref<!tpu.dma_semaphore, #tpu.memory_space<semaphore_mem>>)
    %dma_start3A_21 = arith.constant 2 : i32
    %dma_start3A_22 = arith.constant 0 : i32
    %dma_start3A_23 = tpu.memref_slice %arg6[%dma_start3A_21, %dma_start3A_22] : memref<64x80xi32, #tpu.memory_space<vmem>> -> memref<1x80xi32, #tpu.memory_space<vmem>>
    %dma_start3A_24 = tpu.memref_squeeze %dma_start3A_23 : memref<1x80xi32, #tpu.memory_space<vmem>> -> memref<80xi32, #tpu.memory_space<vmem>>
    %dma_start3A_25 = arith.constant 0 : i32
    %dma_start3A_26 = arith.constant 0 : i32
    %dma_start3A_27 = tpu.memref_slice %arg2[%dma_start3A_25, %dma_start3A_26] : memref<10000x128xf32, #tpu.memory_space<hbm>> -> memref<10000x128xf32, #tpu.memory_space<hbm>>
    tpu.enqueue_indirect_dma source(%dma_start3A_27 : memref<10000x128xf32, #tpu.memory_space<hbm>>) target(%arg10 : memref<80x128xf32, #tpu.memory_space<vmem>>) offsets(%dma_start3A_24 : memref<80xi32, #tpu.memory_space<vmem>>) semaphore(%arg14 : memref<!tpu.dma_semaphore, #tpu.memory_space<semaphore_mem>>)
    %scan3A = arith.constant 0 : i32
    %scan3A_28 = arith.constant 0 : i32
    %scan3A_29 = arith.constant 21 : i32
    %scan3A_30 = arith.addi %scan3A_28, %scan3A_29 : i32
    %scan3A_31 = arith.constant 1 : i32
    scf.for %scan3A_88 = %scan3A_28 to %scan3A_30 step %scan3A_31  : i32 {
      %mul3A_89 = arith.constant 3 : i32
      %mul3A_90 = arith.muli %scan3A_88, %mul3A_89 : i32
      %add3A_91 = arith.constant 0 : i32
      %add3A_92 = arith.addi %mul3A_90, %add3A_91 : i32
      %dma_wait3A_93 = arith.constant 0 : i32
      %dma_wait3A_94 = tpu.memref_slice %arg6[%add3A_92, %dma_wait3A_93] : memref<64x80xi32, #tpu.memory_space<vmem>> -> memref<1x80xi32, #tpu.memory_space<vmem>>
      %dma_wait3A_95 = tpu.memref_squeeze %dma_wait3A_94 : memref<1x80xi32, #tpu.memory_space<vmem>> -> memref<80xi32, #tpu.memory_space<vmem>>
      %dma_wait3A_96 = arith.constant 0 : i32
      %dma_wait3A_97 = arith.constant 0 : i32
      %dma_wait3A_98 = tpu.memref_slice %arg2[%dma_wait3A_96, %dma_wait3A_97] : memref<10000x128xf32, #tpu.memory_space<hbm>> -> memref<10000x128xf32, #tpu.memory_space<hbm>>
      tpu.wait_indirect_dma semaphore(%arg12 : memref<!tpu.dma_semaphore, #tpu.memory_space<semaphore_mem>>) src(%dma_wait3A_98 : memref<10000x128xf32, #tpu.memory_space<hbm>>) dst(%arg8 : memref<80x128xf32, #tpu.memory_space<vmem>>)
      "tpu.region"() ({
        %run_scoped3A_140 = tpu.sem_alloc : memref<!tpu.dma_semaphore, #tpu.memory_space<semaphore_mem>>
        %dma_start3A_141 = arith.constant 0 : i32
        %dma_start3A_142 = tpu.memref_slice %arg7[%add3A_92, %dma_start3A_141] : memref<64x80xi32, #tpu.memory_space<vmem>> -> memref<1x80xi32, #tpu.memory_space<vmem>>
        %dma_start3A_143 = tpu.memref_squeeze %dma_start3A_142 : memref<1x80xi32, #tpu.memory_space<vmem>> -> memref<80xi32, #tpu.memory_space<vmem>>
        %dma_start3A_144 = arith.constant 0 : i32
        %dma_start3A_145 = arith.constant 0 : i32
        %dma_start3A_146 = tpu.memref_slice %arg11[%dma_start3A_144, %dma_start3A_145] : memref<10000x128xf32, #tpu.memory_space<vmem_shared>> -> memref<10000x128xf32, #tpu.memory_space<vmem_shared>>
        tpu.enqueue_indirect_dma source(%arg8 : memref<80x128xf32, #tpu.memory_space<vmem>>) target(%dma_start3A_146 : memref<10000x128xf32, #tpu.memory_space<vmem_shared>>) offsets(%dma_start3A_143 : memref<80xi32, #tpu.memory_space<vmem>>) semaphore(%run_scoped3A_140 : memref<!tpu.dma_semaphore, #tpu.memory_space<semaphore_mem>>) {add = true}
        %dma_wait3A_147 = arith.constant 0 : i32
        %dma_wait3A_148 = tpu.memref_slice %arg7[%add3A_92, %dma_wait3A_147] : memref<64x80xi32, #tpu.memory_space<vmem>> -> memref<1x80xi32, #tpu.memory_space<vmem>>
        %dma_wait3A_149 = tpu.memref_squeeze %dma_wait3A_148 : memref<1x80xi32, #tpu.memory_space<vmem>> -> memref<80xi32, #tpu.memory_space<vmem>>
        %dma_wait3A_150 = arith.constant 0 : i32
        %dma_wait3A_151 = arith.constant 0 : i32
        %dma_wait3A_152 = tpu.memref_slice %arg11[%dma_wait3A_150, %dma_wait3A_151] : memref<10000x128xf32, #tpu.memory_space<vmem_shared>> -> memref<10000x128xf32, #tpu.memory_space<vmem_shared>>
        tpu.wait_indirect_dma semaphore(%run_scoped3A_140 : memref<!tpu.dma_semaphore, #tpu.memory_space<semaphore_mem>>) src(%arg8 : memref<80x128xf32, #tpu.memory_space<vmem>>) dst(%dma_wait3A_152 : memref<10000x128xf32, #tpu.memory_space<vmem_shared>>)
        tpu.yield
      }) : () -> ()
      %add3A_99 = arith.constant 3 : i32
      %add3A_100 = arith.addi %add3A_92, %add3A_99 : i32
      %lt3A_101 = arith.constant 64 : i32
      %lt3A_102 = arith.cmpi slt, %add3A_100, %lt3A_101 : i32
      %convert_element_type3A_103 = arith.extui %lt3A_102 : i1 to i32
      %cond3A_104 = arith.constant 0 : i32
      %cond3A_105 = arith.cmpi ne, %convert_element_type3A_103, %cond3A_104 : i32
      scf.if %cond3A_105 {
        %add3A_140 = arith.constant 3 : i32
        %add3A_141 = arith.addi %add3A_92, %add3A_140 : i32
        %dma_start3A_142 = arith.constant 0 : i32
        %dma_start3A_143 = tpu.memref_slice %arg6[%add3A_141, %dma_start3A_142] : memref<64x80xi32, #tpu.memory_space<vmem>> -> memref<1x80xi32, #tpu.memory_space<vmem>>
        %dma_start3A_144 = tpu.memref_squeeze %dma_start3A_143 : memref<1x80xi32, #tpu.memory_space<vmem>> -> memref<80xi32, #tpu.memory_space<vmem>>
        %dma_start3A_145 = arith.constant 0 : i32
        %dma_start3A_146 = arith.constant 0 : i32
        %dma_start3A_147 = tpu.memref_slice %arg2[%dma_start3A_145, %dma_start3A_146] : memref<10000x128xf32, #tpu.memory_space<hbm>> -> memref<10000x128xf32, #tpu.memory_space<hbm>>
        tpu.enqueue_indirect_dma source(%dma_start3A_147 : memref<10000x128xf32, #tpu.memory_space<hbm>>) target(%arg8 : memref<80x128xf32, #tpu.memory_space<vmem>>) offsets(%dma_start3A_144 : memref<80xi32, #tpu.memory_space<vmem>>) semaphore(%arg12 : memref<!tpu.dma_semaphore, #tpu.memory_space<semaphore_mem>>)
      } else {
      }
      %mul3A_106 = arith.constant 3 : i32
      %mul3A_107 = arith.muli %scan3A_88, %mul3A_106 : i32
      %add3A_108 = arith.constant 1 : i32
      %add3A_109 = arith.addi %mul3A_107, %add3A_108 : i32
      %dma_wait3A_110 = arith.constant 0 : i32
      %dma_wait3A_111 = tpu.memref_slice %arg6[%add3A_109, %dma_wait3A_110] : memref<64x80xi32, #tpu.memory_space<vmem>> -> memref<1x80xi32, #tpu.memory_space<vmem>>
      %dma_wait3A_112 = tpu.memref_squeeze %dma_wait3A_111 : memref<1x80xi32, #tpu.memory_space<vmem>> -> memref<80xi32, #tpu.memory_space<vmem>>
      %dma_wait3A_113 = arith.constant 0 : i32
      %dma_wait3A_114 = arith.constant 0 : i32
      %dma_wait3A_115 = tpu.memref_slice %arg2[%dma_wait3A_113, %dma_wait3A_114] : memref<10000x128xf32, #tpu.memory_space<hbm>> -> memref<10000x128xf32, #tpu.memory_space<hbm>>
      tpu.wait_indirect_dma semaphore(%arg13 : memref<!tpu.dma_semaphore, #tpu.memory_space<semaphore_mem>>) src(%dma_wait3A_115 : memref<10000x128xf32, #tpu.memory_space<hbm>>) dst(%arg9 : memref<80x128xf32, #tpu.memory_space<vmem>>)
      "tpu.region"() ({
        %run_scoped3A_140 = tpu.sem_alloc : memref<!tpu.dma_semaphore, #tpu.memory_space<semaphore_mem>>
        %dma_start3A_141 = arith.constant 0 : i32
        %dma_start3A_142 = tpu.memref_slice %arg7[%add3A_109, %dma_start3A_141] : memref<64x80xi32, #tpu.memory_space<vmem>> -> memref<1x80xi32, #tpu.memory_space<vmem>>
        %dma_start3A_143 = tpu.memref_squeeze %dma_start3A_142 : memref<1x80xi32, #tpu.memory_space<vmem>> -> memref<80xi32, #tpu.memory_space<vmem>>
        %dma_start3A_144 = arith.constant 0 : i32
        %dma_start3A_145 = arith.constant 0 : i32
        %dma_start3A_146 = tpu.memref_slice %arg11[%dma_start3A_144, %dma_start3A_145] : memref<10000x128xf32, #tpu.memory_space<vmem_shared>> -> memref<10000x128xf32, #tpu.memory_space<vmem_shared>>
        tpu.enqueue_indirect_dma source(%arg9 : memref<80x128xf32, #tpu.memory_space<vmem>>) target(%dma_start3A_146 : memref<10000x128xf32, #tpu.memory_space<vmem_shared>>) offsets(%dma_start3A_143 : memref<80xi32, #tpu.memory_space<vmem>>) semaphore(%run_scoped3A_140 : memref<!tpu.dma_semaphore, #tpu.memory_space<semaphore_mem>>) {add = true}
        %dma_wait3A_147 = arith.constant 0 : i32
        %dma_wait3A_148 = tpu.memref_slice %arg7[%add3A_109, %dma_wait3A_147] : memref<64x80xi32, #tpu.memory_space<vmem>> -> memref<1x80xi32, #tpu.memory_space<vmem>>
        %dma_wait3A_149 = tpu.memref_squeeze %dma_wait3A_148 : memref<1x80xi32, #tpu.memory_space<vmem>> -> memref<80xi32, #tpu.memory_space<vmem>>
        %dma_wait3A_150 = arith.constant 0 : i32
        %dma_wait3A_151 = arith.constant 0 : i32
        %dma_wait3A_152 = tpu.memref_slice %arg11[%dma_wait3A_150, %dma_wait3A_151] : memref<10000x128xf32, #tpu.memory_space<vmem_shared>> -> memref<10000x128xf32, #tpu.memory_space<vmem_shared>>
        tpu.wait_indirect_dma semaphore(%run_scoped3A_140 : memref<!tpu.dma_semaphore, #tpu.memory_space<semaphore_mem>>) src(%arg9 : memref<80x128xf32, #tpu.memory_space<vmem>>) dst(%dma_wait3A_152 : memref<10000x128xf32, #tpu.memory_space<vmem_shared>>)
        tpu.yield
      }) : () -> ()
      %add3A_116 = arith.constant 3 : i32
      %add3A_117 = arith.addi %add3A_109, %add3A_116 : i32
      %lt3A_118 = arith.constant 64 : i32
      %lt3A_119 = arith.cmpi slt, %add3A_117, %lt3A_118 : i32
      %convert_element_type3A_120 = arith.extui %lt3A_119 : i1 to i32
      %cond3A_121 = arith.constant 0 : i32
      %cond3A_122 = arith.cmpi ne, %convert_element_type3A_120, %cond3A_121 : i32
      scf.if %cond3A_122 {
        %add3A_140 = arith.constant 3 : i32
        %add3A_141 = arith.addi %add3A_109, %add3A_140 : i32
        %dma_start3A_142 = arith.constant 0 : i32
        %dma_start3A_143 = tpu.memref_slice %arg6[%add3A_141, %dma_start3A_142] : memref<64x80xi32, #tpu.memory_space<vmem>> -> memref<1x80xi32, #tpu.memory_space<vmem>>
        %dma_start3A_144 = tpu.memref_squeeze %dma_start3A_143 : memref<1x80xi32, #tpu.memory_space<vmem>> -> memref<80xi32, #tpu.memory_space<vmem>>
        %dma_start3A_145 = arith.constant 0 : i32
        %dma_start3A_146 = arith.constant 0 : i32
        %dma_start3A_147 = tpu.memref_slice %arg2[%dma_start3A_145, %dma_start3A_146] : memref<10000x128xf32, #tpu.memory_space<hbm>> -> memref<10000x128xf32, #tpu.memory_space<hbm>>
        tpu.enqueue_indirect_dma source(%dma_start3A_147 : memref<10000x128xf32, #tpu.memory_space<hbm>>) target(%arg9 : memref<80x128xf32, #tpu.memory_space<vmem>>) offsets(%dma_start3A_144 : memref<80xi32, #tpu.memory_space<vmem>>) semaphore(%arg13 : memref<!tpu.dma_semaphore, #tpu.memory_space<semaphore_mem>>)
      } else {
      }
      %mul3A_123 = arith.constant 3 : i32
      %mul3A_124 = arith.muli %scan3A_88, %mul3A_123 : i32
      %add3A_125 = arith.constant 2 : i32
      %add3A_126 = arith.addi %mul3A_124, %add3A_125 : i32
      %dma_wait3A_127 = arith.constant 0 : i32
      %dma_wait3A_128 = tpu.memref_slice %arg6[%add3A_126, %dma_wait3A_127] : memref<64x80xi32, #tpu.memory_space<vmem>> -> memref<1x80xi32, #tpu.memory_space<vmem>>
      %dma_wait3A_129 = tpu.memref_squeeze %dma_wait3A_128 : memref<1x80xi32, #tpu.memory_space<vmem>> -> memref<80xi32, #tpu.memory_space<vmem>>
      %dma_wait3A_130 = arith.constant 0 : i32
      %dma_wait3A_131 = arith.constant 0 : i32
      %dma_wait3A_132 = tpu.memref_slice %arg2[%dma_wait3A_130, %dma_wait3A_131] : memref<10000x128xf32, #tpu.memory_space<hbm>> -> memref<10000x128xf32, #tpu.memory_space<hbm>>
      tpu.wait_indirect_dma semaphore(%arg14 : memref<!tpu.dma_semaphore, #tpu.memory_space<semaphore_mem>>) src(%dma_wait3A_132 : memref<10000x128xf32, #tpu.memory_space<hbm>>) dst(%arg10 : memref<80x128xf32, #tpu.memory_space<vmem>>)
      "tpu.region"() ({
        %run_scoped3A_140 = tpu.sem_alloc : memref<!tpu.dma_semaphore, #tpu.memory_space<semaphore_mem>>
        %dma_start3A_141 = arith.constant 0 : i32
        %dma_start3A_142 = tpu.memref_slice %arg7[%add3A_126, %dma_start3A_141] : memref<64x80xi32, #tpu.memory_space<vmem>> -> memref<1x80xi32, #tpu.memory_space<vmem>>
        %dma_start3A_143 = tpu.memref_squeeze %dma_start3A_142 : memref<1x80xi32, #tpu.memory_space<vmem>> -> memref<80xi32, #tpu.memory_space<vmem>>
        %dma_start3A_144 = arith.constant 0 : i32
        %dma_start3A_145 = arith.constant 0 : i32
        %dma_start3A_146 = tpu.memref_slice %arg11[%dma_start3A_144, %dma_start3A_145] : memref<10000x128xf32, #tpu.memory_space<vmem_shared>> -> memref<10000x128xf32, #tpu.memory_space<vmem_shared>>
        tpu.enqueue_indirect_dma source(%arg10 : memref<80x128xf32, #tpu.memory_space<vmem>>) target(%dma_start3A_146 : memref<10000x128xf32, #tpu.memory_space<vmem_shared>>) offsets(%dma_start3A_143 : memref<80xi32, #tpu.memory_space<vmem>>) semaphore(%run_scoped3A_140 : memref<!tpu.dma_semaphore, #tpu.memory_space<semaphore_mem>>) {add = true}
        %dma_wait3A_147 = arith.constant 0 : i32
        %dma_wait3A_148 = tpu.memref_slice %arg7[%add3A_126, %dma_wait3A_147] : memref<64x80xi32, #tpu.memory_space<vmem>> -> memref<1x80xi32, #tpu.memory_space<vmem>>
        %dma_wait3A_149 = tpu.memref_squeeze %dma_wait3A_148 : memref<1x80xi32, #tpu.memory_space<vmem>> -> memref<80xi32, #tpu.memory_space<vmem>>
        %dma_wait3A_150 = arith.constant 0 : i32
        %dma_wait3A_151 = arith.constant 0 : i32
        %dma_wait3A_152 = tpu.memref_slice %arg11[%dma_wait3A_150, %dma_wait3A_151] : memref<10000x128xf32, #tpu.memory_space<vmem_shared>> -> memref<10000x128xf32, #tpu.memory_space<vmem_shared>>
        tpu.wait_indirect_dma semaphore(%run_scoped3A_140 : memref<!tpu.dma_semaphore, #tpu.memory_space<semaphore_mem>>) src(%arg10 : memref<80x128xf32, #tpu.memory_space<vmem>>) dst(%dma_wait3A_152 : memref<10000x128xf32, #tpu.memory_space<vmem_shared>>)
        tpu.yield
      }) : () -> ()
      %add3A_133 = arith.constant 3 : i32
      %add3A_134 = arith.addi %add3A_126, %add3A_133 : i32
      %lt3A_135 = arith.constant 64 : i32
      %lt3A_136 = arith.cmpi slt, %add3A_134, %lt3A_135 : i32
      %convert_element_type3A_137 = arith.extui %lt3A_136 : i1 to i32
      %cond3A_138 = arith.constant 0 : i32
      %cond3A_139 = arith.cmpi ne, %convert_element_type3A_137, %cond3A_138 : i32
      scf.if %cond3A_139 {
        %add3A_140 = arith.constant 3 : i32
        %add3A_141 = arith.addi %add3A_126, %add3A_140 : i32
        %dma_start3A_142 = arith.constant 0 : i32
        %dma_start3A_143 = tpu.memref_slice %arg6[%add3A_141, %dma_start3A_142] : memref<64x80xi32, #tpu.memory_space<vmem>> -> memref<1x80xi32, #tpu.memory_space<vmem>>
        %dma_start3A_144 = tpu.memref_squeeze %dma_start3A_143 : memref<1x80xi32, #tpu.memory_space<vmem>> -> memref<80xi32, #tpu.memory_space<vmem>>
        %dma_start3A_145 = arith.constant 0 : i32
        %dma_start3A_146 = arith.constant 0 : i32
        %dma_start3A_147 = tpu.memref_slice %arg2[%dma_start3A_145, %dma_start3A_146] : memref<10000x128xf32, #tpu.memory_space<hbm>> -> memref<10000x128xf32, #tpu.memory_space<hbm>>
        tpu.enqueue_indirect_dma source(%dma_start3A_147 : memref<10000x128xf32, #tpu.memory_space<hbm>>) target(%arg10 : memref<80x128xf32, #tpu.memory_space<vmem>>) offsets(%dma_start3A_144 : memref<80xi32, #tpu.memory_space<vmem>>) semaphore(%arg14 : memref<!tpu.dma_semaphore, #tpu.memory_space<semaphore_mem>>)
      } else {
      }
    }
    %scan3A_32 = arith.constant 21 : i32
    %dma_wait3A = arith.constant 63 : i32
    %dma_wait3A_33 = arith.constant 0 : i32
    %dma_wait3A_34 = tpu.memref_slice %arg6[%dma_wait3A, %dma_wait3A_33] : memref<64x80xi32, #tpu.memory_space<vmem>> -> memref<1x80xi32, #tpu.memory_space<vmem>>
    %dma_wait3A_35 = tpu.memref_squeeze %dma_wait3A_34 : memref<1x80xi32, #tpu.memory_space<vmem>> -> memref<80xi32, #tpu.memory_space<vmem>>
    %dma_wait3A_36 = arith.constant 0 : i32
    %dma_wait3A_37 = arith.constant 0 : i32
    %dma_wait3A_38 = tpu.memref_slice %arg2[%dma_wait3A_36, %dma_wait3A_37] : memref<10000x128xf32, #tpu.memory_space<hbm>> -> memref<10000x128xf32, #tpu.memory_space<hbm>>
    tpu.wait_indirect_dma semaphore(%arg12 : memref<!tpu.dma_semaphore, #tpu.memory_space<semaphore_mem>>) src(%dma_wait3A_38 : memref<10000x128xf32, #tpu.memory_space<hbm>>) dst(%arg8 : memref<80x128xf32, #tpu.memory_space<vmem>>)
    %run_scoped3A_39 = arith.constant 63 : i32
    "tpu.region"() ({
      %run_scoped3A_88 = tpu.sem_alloc : memref<!tpu.dma_semaphore, #tpu.memory_space<semaphore_mem>>
      %dma_start3A_89 = arith.constant 0 : i32
      %dma_start3A_90 = tpu.memref_slice %arg7[%run_scoped3A_39, %dma_start3A_89] : memref<64x80xi32, #tpu.memory_space<vmem>> -> memref<1x80xi32, #tpu.memory_space<vmem>>
      %dma_start3A_91 = tpu.memref_squeeze %dma_start3A_90 : memref<1x80xi32, #tpu.memory_space<vmem>> -> memref<80xi32, #tpu.memory_space<vmem>>
      %dma_start3A_92 = arith.constant 0 : i32
      %dma_start3A_93 = arith.constant 0 : i32
      %dma_start3A_94 = tpu.memref_slice %arg11[%dma_start3A_92, %dma_start3A_93] : memref<10000x128xf32, #tpu.memory_space<vmem_shared>> -> memref<10000x128xf32, #tpu.memory_space<vmem_shared>>
      tpu.enqueue_indirect_dma source(%arg8 : memref<80x128xf32, #tpu.memory_space<vmem>>) target(%dma_start3A_94 : memref<10000x128xf32, #tpu.memory_space<vmem_shared>>) offsets(%dma_start3A_91 : memref<80xi32, #tpu.memory_space<vmem>>) semaphore(%run_scoped3A_88 : memref<!tpu.dma_semaphore, #tpu.memory_space<semaphore_mem>>) {add = true}
      %dma_wait3A_95 = arith.constant 0 : i32
      %dma_wait3A_96 = tpu.memref_slice %arg7[%run_scoped3A_39, %dma_wait3A_95] : memref<64x80xi32, #tpu.memory_space<vmem>> -> memref<1x80xi32, #tpu.memory_space<vmem>>
      %dma_wait3A_97 = tpu.memref_squeeze %dma_wait3A_96 : memref<1x80xi32, #tpu.memory_space<vmem>> -> memref<80xi32, #tpu.memory_space<vmem>>
      %dma_wait3A_98 = arith.constant 0 : i32
      %dma_wait3A_99 = arith.constant 0 : i32
      %dma_wait3A_100 = tpu.memref_slice %arg11[%dma_wait3A_98, %dma_wait3A_99] : memref<10000x128xf32, #tpu.memory_space<vmem_shared>> -> memref<10000x128xf32, #tpu.memory_space<vmem_shared>>
      tpu.wait_indirect_dma semaphore(%run_scoped3A_88 : memref<!tpu.dma_semaphore, #tpu.memory_space<semaphore_mem>>) src(%arg8 : memref<80x128xf32, #tpu.memory_space<vmem>>) dst(%dma_wait3A_100 : memref<10000x128xf32, #tpu.memory_space<vmem_shared>>)
      tpu.yield
    }) : () -> ()
    %run_scoped3A_40 = arith.constant 0 : i32
    "tpu.region"() ({
      %run_scoped3A_88 = tpu.sem_alloc : memref<!tpu.dma_semaphore, #tpu.memory_space<semaphore_mem>>
      %dma_start3A_89 = arith.constant 0 : i32
      %dma_start3A_90 = arith.constant 0 : i32
      %dma_start3A_91 = tpu.memref_slice %arg6[%dma_start3A_89, %dma_start3A_90] : memref<64x80xi32, #tpu.memory_space<vmem>> -> memref<61x80xi32, #tpu.memory_space<vmem>>
      %dma_start3A_92 = arith.constant 64 : i32
      %dma_start3A_93 = arith.constant 0 : i32
      %dma_start3A_94 = tpu.memref_slice %arg3[%run_scoped3A_40, %add3A, %dma_start3A_92, %dma_start3A_93] : memref<2x32x125x80xi32, #tpu.memory_space<hbm>> -> memref<1x1x61x80xi32, #tpu.memory_space<hbm>>
      %dma_start3A_95 = tpu.memref_squeeze %dma_start3A_94 : memref<1x1x61x80xi32, #tpu.memory_space<hbm>> -> memref<61x80xi32, #tpu.memory_space<hbm>>
      %dma_start3A_96 = arith.constant 0 : i32
      %dma_start3A_97 = arith.constant 0 : i32
      %dma_start3A_98 = tpu.memref_slice %arg6[%dma_start3A_96, %dma_start3A_97] : memref<64x80xi32, #tpu.memory_space<vmem>> -> memref<61x80xi32, #tpu.memory_space<vmem>>
      %dma_start3A_99 = arith.constant 64 : i32
      %dma_start3A_100 = arith.constant 0 : i32
      %dma_start3A_101 = tpu.memref_slice %arg3[%run_scoped3A_40, %add3A, %dma_start3A_99, %dma_start3A_100] : memref<2x32x125x80xi32, #tpu.memory_space<hbm>> -> memref<1x1x61x80xi32, #tpu.memory_space<hbm>>
      %dma_start3A_102 = tpu.memref_squeeze %dma_start3A_101 : memref<1x1x61x80xi32, #tpu.memory_space<hbm>> -> memref<61x80xi32, #tpu.memory_space<hbm>>
      tpu.enqueue_dma source(%dma_start3A_102 : memref<61x80xi32, #tpu.memory_space<hbm>>) target(%dma_start3A_98 : memref<61x80xi32, #tpu.memory_space<vmem>>) target_semaphore(%run_scoped3A_88 : memref<!tpu.dma_semaphore, #tpu.memory_space<semaphore_mem>>)
      %dma_wait3A_103 = arith.constant 0 : i32
      %dma_wait3A_104 = arith.constant 0 : i32
      %dma_wait3A_105 = tpu.memref_slice %arg6[%dma_wait3A_103, %dma_wait3A_104] : memref<64x80xi32, #tpu.memory_space<vmem>> -> memref<61x80xi32, #tpu.memory_space<vmem>>
      %dma_wait3A_106 = arith.constant 64 : i32
      %dma_wait3A_107 = arith.constant 0 : i32
      %dma_wait3A_108 = tpu.memref_slice %arg3[%run_scoped3A_40, %add3A, %dma_wait3A_106, %dma_wait3A_107] : memref<2x32x125x80xi32, #tpu.memory_space<hbm>> -> memref<1x1x61x80xi32, #tpu.memory_space<hbm>>
      %dma_wait3A_109 = tpu.memref_squeeze %dma_wait3A_108 : memref<1x1x61x80xi32, #tpu.memory_space<hbm>> -> memref<61x80xi32, #tpu.memory_space<hbm>>
      %dma_wait3A_110 = arith.constant 0 : i32
      %dma_wait3A_111 = arith.constant 0 : i32
      %dma_wait3A_112 = tpu.memref_slice %arg6[%dma_wait3A_110, %dma_wait3A_111] : memref<64x80xi32, #tpu.memory_space<vmem>> -> memref<61x80xi32, #tpu.memory_space<vmem>>
      %dma_wait3A_113 = arith.constant 64 : i32
      %dma_wait3A_114 = arith.constant 0 : i32
      %dma_wait3A_115 = tpu.memref_slice %arg3[%run_scoped3A_40, %add3A, %dma_wait3A_113, %dma_wait3A_114] : memref<2x32x125x80xi32, #tpu.memory_space<hbm>> -> memref<1x1x61x80xi32, #tpu.memory_space<hbm>>
      %dma_wait3A_116 = tpu.memref_squeeze %dma_wait3A_115 : memref<1x1x61x80xi32, #tpu.memory_space<hbm>> -> memref<61x80xi32, #tpu.memory_space<hbm>>
      tpu.wait_dma2 semaphore(%run_scoped3A_88 : memref<!tpu.dma_semaphore, #tpu.memory_space<semaphore_mem>>) src(%dma_wait3A_116 : memref<61x80xi32, #tpu.memory_space<hbm>>) dst(%dma_wait3A_112 : memref<61x80xi32, #tpu.memory_space<vmem>>)
      tpu.yield
    }) : () -> ()
    %run_scoped3A_41 = arith.constant 1 : i32
    "tpu.region"() ({
      %run_scoped3A_88 = tpu.sem_alloc : memref<!tpu.dma_semaphore, #tpu.memory_space<semaphore_mem>>
      %dma_start3A_89 = arith.constant 0 : i32
      %dma_start3A_90 = arith.constant 0 : i32
      %dma_start3A_91 = tpu.memref_slice %arg7[%dma_start3A_89, %dma_start3A_90] : memref<64x80xi32, #tpu.memory_space<vmem>> -> memref<61x80xi32, #tpu.memory_space<vmem>>
      %dma_start3A_92 = arith.constant 64 : i32
      %dma_start3A_93 = arith.constant 0 : i32
      %dma_start3A_94 = tpu.memref_slice %arg3[%run_scoped3A_41, %add3A, %dma_start3A_92, %dma_start3A_93] : memref<2x32x125x80xi32, #tpu.memory_space<hbm>> -> memref<1x1x61x80xi32, #tpu.memory_space<hbm>>
      %dma_start3A_95 = tpu.memref_squeeze %dma_start3A_94 : memref<1x1x61x80xi32, #tpu.memory_space<hbm>> -> memref<61x80xi32, #tpu.memory_space<hbm>>
      %dma_start3A_96 = arith.constant 0 : i32
      %dma_start3A_97 = arith.constant 0 : i32
      %dma_start3A_98 = tpu.memref_slice %arg7[%dma_start3A_96, %dma_start3A_97] : memref<64x80xi32, #tpu.memory_space<vmem>> -> memref<61x80xi32, #tpu.memory_space<vmem>>
      %dma_start3A_99 = arith.constant 64 : i32
      %dma_start3A_100 = arith.constant 0 : i32
      %dma_start3A_101 = tpu.memref_slice %arg3[%run_scoped3A_41, %add3A, %dma_start3A_99, %dma_start3A_100] : memref<2x32x125x80xi32, #tpu.memory_space<hbm>> -> memref<1x1x61x80xi32, #tpu.memory_space<hbm>>
      %dma_start3A_102 = tpu.memref_squeeze %dma_start3A_101 : memref<1x1x61x80xi32, #tpu.memory_space<hbm>> -> memref<61x80xi32, #tpu.memory_space<hbm>>
      tpu.enqueue_dma source(%dma_start3A_102 : memref<61x80xi32, #tpu.memory_space<hbm>>) target(%dma_start3A_98 : memref<61x80xi32, #tpu.memory_space<vmem>>) target_semaphore(%run_scoped3A_88 : memref<!tpu.dma_semaphore, #tpu.memory_space<semaphore_mem>>)
      %dma_wait3A_103 = arith.constant 0 : i32
      %dma_wait3A_104 = arith.constant 0 : i32
      %dma_wait3A_105 = tpu.memref_slice %arg7[%dma_wait3A_103, %dma_wait3A_104] : memref<64x80xi32, #tpu.memory_space<vmem>> -> memref<61x80xi32, #tpu.memory_space<vmem>>
      %dma_wait3A_106 = arith.constant 64 : i32
      %dma_wait3A_107 = arith.constant 0 : i32
      %dma_wait3A_108 = tpu.memref_slice %arg3[%run_scoped3A_41, %add3A, %dma_wait3A_106, %dma_wait3A_107] : memref<2x32x125x80xi32, #tpu.memory_space<hbm>> -> memref<1x1x61x80xi32, #tpu.memory_space<hbm>>
      %dma_wait3A_109 = tpu.memref_squeeze %dma_wait3A_108 : memref<1x1x61x80xi32, #tpu.memory_space<hbm>> -> memref<61x80xi32, #tpu.memory_space<hbm>>
      %dma_wait3A_110 = arith.constant 0 : i32
      %dma_wait3A_111 = arith.constant 0 : i32
      %dma_wait3A_112 = tpu.memref_slice %arg7[%dma_wait3A_110, %dma_wait3A_111] : memref<64x80xi32, #tpu.memory_space<vmem>> -> memref<61x80xi32, #tpu.memory_space<vmem>>
      %dma_wait3A_113 = arith.constant 64 : i32
      %dma_wait3A_114 = arith.constant 0 : i32
      %dma_wait3A_115 = tpu.memref_slice %arg3[%run_scoped3A_41, %add3A, %dma_wait3A_113, %dma_wait3A_114] : memref<2x32x125x80xi32, #tpu.memory_space<hbm>> -> memref<1x1x61x80xi32, #tpu.memory_space<hbm>>
      %dma_wait3A_116 = tpu.memref_squeeze %dma_wait3A_115 : memref<1x1x61x80xi32, #tpu.memory_space<hbm>> -> memref<61x80xi32, #tpu.memory_space<hbm>>
      tpu.wait_dma2 semaphore(%run_scoped3A_88 : memref<!tpu.dma_semaphore, #tpu.memory_space<semaphore_mem>>) src(%dma_wait3A_116 : memref<61x80xi32, #tpu.memory_space<hbm>>) dst(%dma_wait3A_112 : memref<61x80xi32, #tpu.memory_space<vmem>>)
      tpu.yield
    }) : () -> ()
    %dma_start3A_42 = arith.constant 0 : i32
    %dma_start3A_43 = arith.constant 0 : i32
    %dma_start3A_44 = tpu.memref_slice %arg6[%dma_start3A_42, %dma_start3A_43] : memref<64x80xi32, #tpu.memory_space<vmem>> -> memref<1x80xi32, #tpu.memory_space<vmem>>
    %dma_start3A_45 = tpu.memref_squeeze %dma_start3A_44 : memref<1x80xi32, #tpu.memory_space<vmem>> -> memref<80xi32, #tpu.memory_space<vmem>>
    %dma_start3A_46 = arith.constant 0 : i32
    %dma_start3A_47 = arith.constant 0 : i32
    %dma_start3A_48 = tpu.memref_slice %arg2[%dma_start3A_46, %dma_start3A_47] : memref<10000x128xf32, #tpu.memory_space<hbm>> -> memref<10000x128xf32, #tpu.memory_space<hbm>>
    tpu.enqueue_indirect_dma source(%dma_start3A_48 : memref<10000x128xf32, #tpu.memory_space<hbm>>) target(%arg8 : memref<80x128xf32, #tpu.memory_space<vmem>>) offsets(%dma_start3A_45 : memref<80xi32, #tpu.memory_space<vmem>>) semaphore(%arg12 : memref<!tpu.dma_semaphore, #tpu.memory_space<semaphore_mem>>)
    %dma_start3A_49 = arith.constant 1 : i32
    %dma_start3A_50 = arith.constant 0 : i32
    %dma_start3A_51 = tpu.memref_slice %arg6[%dma_start3A_49, %dma_start3A_50] : memref<64x80xi32, #tpu.memory_space<vmem>> -> memref<1x80xi32, #tpu.memory_space<vmem>>
    %dma_start3A_52 = tpu.memref_squeeze %dma_start3A_51 : memref<1x80xi32, #tpu.memory_space<vmem>> -> memref<80xi32, #tpu.memory_space<vmem>>
    %dma_start3A_53 = arith.constant 0 : i32
    %dma_start3A_54 = arith.constant 0 : i32
    %dma_start3A_55 = tpu.memref_slice %arg2[%dma_start3A_53, %dma_start3A_54] : memref<10000x128xf32, #tpu.memory_space<hbm>> -> memref<10000x128xf32, #tpu.memory_space<hbm>>
    tpu.enqueue_indirect_dma source(%dma_start3A_55 : memref<10000x128xf32, #tpu.memory_space<hbm>>) target(%arg9 : memref<80x128xf32, #tpu.memory_space<vmem>>) offsets(%dma_start3A_52 : memref<80xi32, #tpu.memory_space<vmem>>) semaphore(%arg13 : memref<!tpu.dma_semaphore, #tpu.memory_space<semaphore_mem>>)
    %dma_start3A_56 = arith.constant 2 : i32
    %dma_start3A_57 = arith.constant 0 : i32
    %dma_start3A_58 = tpu.memref_slice %arg6[%dma_start3A_56, %dma_start3A_57] : memref<64x80xi32, #tpu.memory_space<vmem>> -> memref<1x80xi32, #tpu.memory_space<vmem>>
    %dma_start3A_59 = tpu.memref_squeeze %dma_start3A_58 : memref<1x80xi32, #tpu.memory_space<vmem>> -> memref<80xi32, #tpu.memory_space<vmem>>
    %dma_start3A_60 = arith.constant 0 : i32
    %dma_start3A_61 = arith.constant 0 : i32
    %dma_start3A_62 = tpu.memref_slice %arg2[%dma_start3A_60, %dma_start3A_61] : memref<10000x128xf32, #tpu.memory_space<hbm>> -> memref<10000x128xf32, #tpu.memory_space<hbm>>
    tpu.enqueue_indirect_dma source(%dma_start3A_62 : memref<10000x128xf32, #tpu.memory_space<hbm>>) target(%arg10 : memref<80x128xf32, #tpu.memory_space<vmem>>) offsets(%dma_start3A_59 : memref<80xi32, #tpu.memory_space<vmem>>) semaphore(%arg14 : memref<!tpu.dma_semaphore, #tpu.memory_space<semaphore_mem>>)
    %scan3A_63 = arith.constant 0 : i32
    %scan3A_64 = arith.constant 0 : i32
    %scan3A_65 = arith.constant 20 : i32
    %scan3A_66 = arith.addi %scan3A_64, %scan3A_65 : i32
    %scan3A_67 = arith.constant 1 : i32
    scf.for %scan3A_88 = %scan3A_64 to %scan3A_66 step %scan3A_67  : i32 {
      %mul3A_89 = arith.constant 3 : i32
      %mul3A_90 = arith.muli %scan3A_88, %mul3A_89 : i32
      %add3A_91 = arith.constant 0 : i32
      %add3A_92 = arith.addi %mul3A_90, %add3A_91 : i32
      %dma_wait3A_93 = arith.constant 0 : i32
      %dma_wait3A_94 = tpu.memref_slice %arg6[%add3A_92, %dma_wait3A_93] : memref<64x80xi32, #tpu.memory_space<vmem>> -> memref<1x80xi32, #tpu.memory_space<vmem>>
      %dma_wait3A_95 = tpu.memref_squeeze %dma_wait3A_94 : memref<1x80xi32, #tpu.memory_space<vmem>> -> memref<80xi32, #tpu.memory_space<vmem>>
      %dma_wait3A_96 = arith.constant 0 : i32
      %dma_wait3A_97 = arith.constant 0 : i32
      %dma_wait3A_98 = tpu.memref_slice %arg2[%dma_wait3A_96, %dma_wait3A_97] : memref<10000x128xf32, #tpu.memory_space<hbm>> -> memref<10000x128xf32, #tpu.memory_space<hbm>>
      tpu.wait_indirect_dma semaphore(%arg12 : memref<!tpu.dma_semaphore, #tpu.memory_space<semaphore_mem>>) src(%dma_wait3A_98 : memref<10000x128xf32, #tpu.memory_space<hbm>>) dst(%arg8 : memref<80x128xf32, #tpu.memory_space<vmem>>)
      "tpu.region"() ({
        %run_scoped3A_140 = tpu.sem_alloc : memref<!tpu.dma_semaphore, #tpu.memory_space<semaphore_mem>>
        %dma_start3A_141 = arith.constant 0 : i32
        %dma_start3A_142 = tpu.memref_slice %arg7[%add3A_92, %dma_start3A_141] : memref<64x80xi32, #tpu.memory_space<vmem>> -> memref<1x80xi32, #tpu.memory_space<vmem>>
        %dma_start3A_143 = tpu.memref_squeeze %dma_start3A_142 : memref<1x80xi32, #tpu.memory_space<vmem>> -> memref<80xi32, #tpu.memory_space<vmem>>
        %dma_start3A_144 = arith.constant 0 : i32
        %dma_start3A_145 = arith.constant 0 : i32
        %dma_start3A_146 = tpu.memref_slice %arg11[%dma_start3A_144, %dma_start3A_145] : memref<10000x128xf32, #tpu.memory_space<vmem_shared>> -> memref<10000x128xf32, #tpu.memory_space<vmem_shared>>
        tpu.enqueue_indirect_dma source(%arg8 : memref<80x128xf32, #tpu.memory_space<vmem>>) target(%dma_start3A_146 : memref<10000x128xf32, #tpu.memory_space<vmem_shared>>) offsets(%dma_start3A_143 : memref<80xi32, #tpu.memory_space<vmem>>) semaphore(%run_scoped3A_140 : memref<!tpu.dma_semaphore, #tpu.memory_space<semaphore_mem>>) {add = true}
        %dma_wait3A_147 = arith.constant 0 : i32
        %dma_wait3A_148 = tpu.memref_slice %arg7[%add3A_92, %dma_wait3A_147] : memref<64x80xi32, #tpu.memory_space<vmem>> -> memref<1x80xi32, #tpu.memory_space<vmem>>
        %dma_wait3A_149 = tpu.memref_squeeze %dma_wait3A_148 : memref<1x80xi32, #tpu.memory_space<vmem>> -> memref<80xi32, #tpu.memory_space<vmem>>
        %dma_wait3A_150 = arith.constant 0 : i32
        %dma_wait3A_151 = arith.constant 0 : i32
        %dma_wait3A_152 = tpu.memref_slice %arg11[%dma_wait3A_150, %dma_wait3A_151] : memref<10000x128xf32, #tpu.memory_space<vmem_shared>> -> memref<10000x128xf32, #tpu.memory_space<vmem_shared>>
        tpu.wait_indirect_dma semaphore(%run_scoped3A_140 : memref<!tpu.dma_semaphore, #tpu.memory_space<semaphore_mem>>) src(%arg8 : memref<80x128xf32, #tpu.memory_space<vmem>>) dst(%dma_wait3A_152 : memref<10000x128xf32, #tpu.memory_space<vmem_shared>>)
        tpu.yield
      }) : () -> ()
      %add3A_99 = arith.constant 3 : i32
      %add3A_100 = arith.addi %add3A_92, %add3A_99 : i32
      %lt3A_101 = arith.constant 61 : i32
      %lt3A_102 = arith.cmpi slt, %add3A_100, %lt3A_101 : i32
      %convert_element_type3A_103 = arith.extui %lt3A_102 : i1 to i32
      %cond3A_104 = arith.constant 0 : i32
      %cond3A_105 = arith.cmpi ne, %convert_element_type3A_103, %cond3A_104 : i32
      scf.if %cond3A_105 {
        %add3A_140 = arith.constant 3 : i32
        %add3A_141 = arith.addi %add3A_92, %add3A_140 : i32
        %dma_start3A_142 = arith.constant 0 : i32
        %dma_start3A_143 = tpu.memref_slice %arg6[%add3A_141, %dma_start3A_142] : memref<64x80xi32, #tpu.memory_space<vmem>> -> memref<1x80xi32, #tpu.memory_space<vmem>>
        %dma_start3A_144 = tpu.memref_squeeze %dma_start3A_143 : memref<1x80xi32, #tpu.memory_space<vmem>> -> memref<80xi32, #tpu.memory_space<vmem>>
        %dma_start3A_145 = arith.constant 0 : i32
        %dma_start3A_146 = arith.constant 0 : i32
        %dma_start3A_147 = tpu.memref_slice %arg2[%dma_start3A_145, %dma_start3A_146] : memref<10000x128xf32, #tpu.memory_space<hbm>> -> memref<10000x128xf32, #tpu.memory_space<hbm>>
        tpu.enqueue_indirect_dma source(%dma_start3A_147 : memref<10000x128xf32, #tpu.memory_space<hbm>>) target(%arg8 : memref<80x128xf32, #tpu.memory_space<vmem>>) offsets(%dma_start3A_144 : memref<80xi32, #tpu.memory_space<vmem>>) semaphore(%arg12 : memref<!tpu.dma_semaphore, #tpu.memory_space<semaphore_mem>>)
      } else {
      }
      %mul3A_106 = arith.constant 3 : i32
      %mul3A_107 = arith.muli %scan3A_88, %mul3A_106 : i32
      %add3A_108 = arith.constant 1 : i32
      %add3A_109 = arith.addi %mul3A_107, %add3A_108 : i32
      %dma_wait3A_110 = arith.constant 0 : i32
      %dma_wait3A_111 = tpu.memref_slice %arg6[%add3A_109, %dma_wait3A_110] : memref<64x80xi32, #tpu.memory_space<vmem>> -> memref<1x80xi32, #tpu.memory_space<vmem>>
      %dma_wait3A_112 = tpu.memref_squeeze %dma_wait3A_111 : memref<1x80xi32, #tpu.memory_space<vmem>> -> memref<80xi32, #tpu.memory_space<vmem>>
      %dma_wait3A_113 = arith.constant 0 : i32
      %dma_wait3A_114 = arith.constant 0 : i32
      %dma_wait3A_115 = tpu.memref_slice %arg2[%dma_wait3A_113, %dma_wait3A_114] : memref<10000x128xf32, #tpu.memory_space<hbm>> -> memref<10000x128xf32, #tpu.memory_space<hbm>>
      tpu.wait_indirect_dma semaphore(%arg13 : memref<!tpu.dma_semaphore, #tpu.memory_space<semaphore_mem>>) src(%dma_wait3A_115 : memref<10000x128xf32, #tpu.memory_space<hbm>>) dst(%arg9 : memref<80x128xf32, #tpu.memory_space<vmem>>)
      "tpu.region"() ({
        %run_scoped3A_140 = tpu.sem_alloc : memref<!tpu.dma_semaphore, #tpu.memory_space<semaphore_mem>>
        %dma_start3A_141 = arith.constant 0 : i32
        %dma_start3A_142 = tpu.memref_slice %arg7[%add3A_109, %dma_start3A_141] : memref<64x80xi32, #tpu.memory_space<vmem>> -> memref<1x80xi32, #tpu.memory_space<vmem>>
        %dma_start3A_143 = tpu.memref_squeeze %dma_start3A_142 : memref<1x80xi32, #tpu.memory_space<vmem>> -> memref<80xi32, #tpu.memory_space<vmem>>
        %dma_start3A_144 = arith.constant 0 : i32
        %dma_start3A_145 = arith.constant 0 : i32
        %dma_start3A_146 = tpu.memref_slice %arg11[%dma_start3A_144, %dma_start3A_145] : memref<10000x128xf32, #tpu.memory_space<vmem_shared>> -> memref<10000x128xf32, #tpu.memory_space<vmem_shared>>
        tpu.enqueue_indirect_dma source(%arg9 : memref<80x128xf32, #tpu.memory_space<vmem>>) target(%dma_start3A_146 : memref<10000x128xf32, #tpu.memory_space<vmem_shared>>) offsets(%dma_start3A_143 : memref<80xi32, #tpu.memory_space<vmem>>) semaphore(%run_scoped3A_140 : memref<!tpu.dma_semaphore, #tpu.memory_space<semaphore_mem>>) {add = true}
        %dma_wait3A_147 = arith.constant 0 : i32
        %dma_wait3A_148 = tpu.memref_slice %arg7[%add3A_109, %dma_wait3A_147] : memref<64x80xi32, #tpu.memory_space<vmem>> -> memref<1x80xi32, #tpu.memory_space<vmem>>
        %dma_wait3A_149 = tpu.memref_squeeze %dma_wait3A_148 : memref<1x80xi32, #tpu.memory_space<vmem>> -> memref<80xi32, #tpu.memory_space<vmem>>
        %dma_wait3A_150 = arith.constant 0 : i32
        %dma_wait3A_151 = arith.constant 0 : i32
        %dma_wait3A_152 = tpu.memref_slice %arg11[%dma_wait3A_150, %dma_wait3A_151] : memref<10000x128xf32, #tpu.memory_space<vmem_shared>> -> memref<10000x128xf32, #tpu.memory_space<vmem_shared>>
        tpu.wait_indirect_dma semaphore(%run_scoped3A_140 : memref<!tpu.dma_semaphore, #tpu.memory_space<semaphore_mem>>) src(%arg9 : memref<80x128xf32, #tpu.memory_space<vmem>>) dst(%dma_wait3A_152 : memref<10000x128xf32, #tpu.memory_space<vmem_shared>>)
        tpu.yield
      }) : () -> ()
      %add3A_116 = arith.constant 3 : i32
      %add3A_117 = arith.addi %add3A_109, %add3A_116 : i32
      %lt3A_118 = arith.constant 61 : i32
      %lt3A_119 = arith.cmpi slt, %add3A_117, %lt3A_118 : i32
      %convert_element_type3A_120 = arith.extui %lt3A_119 : i1 to i32
      %cond3A_121 = arith.constant 0 : i32
      %cond3A_122 = arith.cmpi ne, %convert_element_type3A_120, %cond3A_121 : i32
      scf.if %cond3A_122 {
        %add3A_140 = arith.constant 3 : i32
        %add3A_141 = arith.addi %add3A_109, %add3A_140 : i32
        %dma_start3A_142 = arith.constant 0 : i32
        %dma_start3A_143 = tpu.memref_slice %arg6[%add3A_141, %dma_start3A_142] : memref<64x80xi32, #tpu.memory_space<vmem>> -> memref<1x80xi32, #tpu.memory_space<vmem>>
        %dma_start3A_144 = tpu.memref_squeeze %dma_start3A_143 : memref<1x80xi32, #tpu.memory_space<vmem>> -> memref<80xi32, #tpu.memory_space<vmem>>
        %dma_start3A_145 = arith.constant 0 : i32
        %dma_start3A_146 = arith.constant 0 : i32
        %dma_start3A_147 = tpu.memref_slice %arg2[%dma_start3A_145, %dma_start3A_146] : memref<10000x128xf32, #tpu.memory_space<hbm>> -> memref<10000x128xf32, #tpu.memory_space<hbm>>
        tpu.enqueue_indirect_dma source(%dma_start3A_147 : memref<10000x128xf32, #tpu.memory_space<hbm>>) target(%arg9 : memref<80x128xf32, #tpu.memory_space<vmem>>) offsets(%dma_start3A_144 : memref<80xi32, #tpu.memory_space<vmem>>) semaphore(%arg13 : memref<!tpu.dma_semaphore, #tpu.memory_space<semaphore_mem>>)
      } else {
      }
      %mul3A_123 = arith.constant 3 : i32
      %mul3A_124 = arith.muli %scan3A_88, %mul3A_123 : i32
      %add3A_125 = arith.constant 2 : i32
      %add3A_126 = arith.addi %mul3A_124, %add3A_125 : i32
      %dma_wait3A_127 = arith.constant 0 : i32
      %dma_wait3A_128 = tpu.memref_slice %arg6[%add3A_126, %dma_wait3A_127] : memref<64x80xi32, #tpu.memory_space<vmem>> -> memref<1x80xi32, #tpu.memory_space<vmem>>
      %dma_wait3A_129 = tpu.memref_squeeze %dma_wait3A_128 : memref<1x80xi32, #tpu.memory_space<vmem>> -> memref<80xi32, #tpu.memory_space<vmem>>
      %dma_wait3A_130 = arith.constant 0 : i32
      %dma_wait3A_131 = arith.constant 0 : i32
      %dma_wait3A_132 = tpu.memref_slice %arg2[%dma_wait3A_130, %dma_wait3A_131] : memref<10000x128xf32, #tpu.memory_space<hbm>> -> memref<10000x128xf32, #tpu.memory_space<hbm>>
      tpu.wait_indirect_dma semaphore(%arg14 : memref<!tpu.dma_semaphore, #tpu.memory_space<semaphore_mem>>) src(%dma_wait3A_132 : memref<10000x128xf32, #tpu.memory_space<hbm>>) dst(%arg10 : memref<80x128xf32, #tpu.memory_space<vmem>>)
      "tpu.region"() ({
        %run_scoped3A_140 = tpu.sem_alloc : memref<!tpu.dma_semaphore, #tpu.memory_space<semaphore_mem>>
        %dma_start3A_141 = arith.constant 0 : i32
        %dma_start3A_142 = tpu.memref_slice %arg7[%add3A_126, %dma_start3A_141] : memref<64x80xi32, #tpu.memory_space<vmem>> -> memref<1x80xi32, #tpu.memory_space<vmem>>
        %dma_start3A_143 = tpu.memref_squeeze %dma_start3A_142 : memref<1x80xi32, #tpu.memory_space<vmem>> -> memref<80xi32, #tpu.memory_space<vmem>>
        %dma_start3A_144 = arith.constant 0 : i32
        %dma_start3A_145 = arith.constant 0 : i32
        %dma_start3A_146 = tpu.memref_slice %arg11[%dma_start3A_144, %dma_start3A_145] : memref<10000x128xf32, #tpu.memory_space<vmem_shared>> -> memref<10000x128xf32, #tpu.memory_space<vmem_shared>>
        tpu.enqueue_indirect_dma source(%arg10 : memref<80x128xf32, #tpu.memory_space<vmem>>) target(%dma_start3A_146 : memref<10000x128xf32, #tpu.memory_space<vmem_shared>>) offsets(%dma_start3A_143 : memref<80xi32, #tpu.memory_space<vmem>>) semaphore(%run_scoped3A_140 : memref<!tpu.dma_semaphore, #tpu.memory_space<semaphore_mem>>) {add = true}
        %dma_wait3A_147 = arith.constant 0 : i32
        %dma_wait3A_148 = tpu.memref_slice %arg7[%add3A_126, %dma_wait3A_147] : memref<64x80xi32, #tpu.memory_space<vmem>> -> memref<1x80xi32, #tpu.memory_space<vmem>>
        %dma_wait3A_149 = tpu.memref_squeeze %dma_wait3A_148 : memref<1x80xi32, #tpu.memory_space<vmem>> -> memref<80xi32, #tpu.memory_space<vmem>>
        %dma_wait3A_150 = arith.constant 0 : i32
        %dma_wait3A_151 = arith.constant 0 : i32
        %dma_wait3A_152 = tpu.memref_slice %arg11[%dma_wait3A_150, %dma_wait3A_151] : memref<10000x128xf32, #tpu.memory_space<vmem_shared>> -> memref<10000x128xf32, #tpu.memory_space<vmem_shared>>
        tpu.wait_indirect_dma semaphore(%run_scoped3A_140 : memref<!tpu.dma_semaphore, #tpu.memory_space<semaphore_mem>>) src(%arg10 : memref<80x128xf32, #tpu.memory_space<vmem>>) dst(%dma_wait3A_152 : memref<10000x128xf32, #tpu.memory_space<vmem_shared>>)
        tpu.yield
      }) : () -> ()
      %add3A_133 = arith.constant 3 : i32
      %add3A_134 = arith.addi %add3A_126, %add3A_133 : i32
      %lt3A_135 = arith.constant 61 : i32
      %lt3A_136 = arith.cmpi slt, %add3A_134, %lt3A_135 : i32
      %convert_element_type3A_137 = arith.extui %lt3A_136 : i1 to i32
      %cond3A_138 = arith.constant 0 : i32
      %cond3A_139 = arith.cmpi ne, %convert_element_type3A_137, %cond3A_138 : i32
      scf.if %cond3A_139 {
        %add3A_140 = arith.constant 3 : i32
        %add3A_141 = arith.addi %add3A_126, %add3A_140 : i32
        %dma_start3A_142 = arith.constant 0 : i32
        %dma_start3A_143 = tpu.memref_slice %arg6[%add3A_141, %dma_start3A_142] : memref<64x80xi32, #tpu.memory_space<vmem>> -> memref<1x80xi32, #tpu.memory_space<vmem>>
        %dma_start3A_144 = tpu.memref_squeeze %dma_start3A_143 : memref<1x80xi32, #tpu.memory_space<vmem>> -> memref<80xi32, #tpu.memory_space<vmem>>
        %dma_start3A_145 = arith.constant 0 : i32
        %dma_start3A_146 = arith.constant 0 : i32
        %dma_start3A_147 = tpu.memref_slice %arg2[%dma_start3A_145, %dma_start3A_146] : memref<10000x128xf32, #tpu.memory_space<hbm>> -> memref<10000x128xf32, #tpu.memory_space<hbm>>
        tpu.enqueue_indirect_dma source(%dma_start3A_147 : memref<10000x128xf32, #tpu.memory_space<hbm>>) target(%arg10 : memref<80x128xf32, #tpu.memory_space<vmem>>) offsets(%dma_start3A_144 : memref<80xi32, #tpu.memory_space<vmem>>) semaphore(%arg14 : memref<!tpu.dma_semaphore, #tpu.memory_space<semaphore_mem>>)
      } else {
      }
    }
    %scan3A_68 = arith.constant 20 : i32
    %dma_wait3A_69 = arith.constant 60 : i32
    %dma_wait3A_70 = arith.constant 0 : i32
    %dma_wait3A_71 = tpu.memref_slice %arg6[%dma_wait3A_69, %dma_wait3A_70] : memref<64x80xi32, #tpu.memory_space<vmem>> -> memref<1x80xi32, #tpu.memory_space<vmem>>
    %dma_wait3A_72 = tpu.memref_squeeze %dma_wait3A_71 : memref<1x80xi32, #tpu.memory_space<vmem>> -> memref<80xi32, #tpu.memory_space<vmem>>
    %dma_wait3A_73 = arith.constant 0 : i32
    %dma_wait3A_74 = arith.constant 0 : i32
    %dma_wait3A_75 = tpu.memref_slice %arg2[%dma_wait3A_73, %dma_wait3A_74] : memref<10000x128xf32, #tpu.memory_space<hbm>> -> memref<10000x128xf32, #tpu.memory_space<hbm>>
    tpu.wait_indirect_dma semaphore(%arg12 : memref<!tpu.dma_semaphore, #tpu.memory_space<semaphore_mem>>) src(%dma_wait3A_75 : memref<10000x128xf32, #tpu.memory_space<hbm>>) dst(%arg8 : memref<80x128xf32, #tpu.memory_space<vmem>>)
    %run_scoped3A_76 = arith.constant 60 : i32
    "tpu.region"() ({
      %run_scoped3A_88 = tpu.sem_alloc : memref<!tpu.dma_semaphore, #tpu.memory_space<semaphore_mem>>
      %dma_start3A_89 = arith.constant 0 : i32
      %dma_start3A_90 = tpu.memref_slice %arg7[%run_scoped3A_76, %dma_start3A_89] : memref<64x80xi32, #tpu.memory_space<vmem>> -> memref<1x80xi32, #tpu.memory_space<vmem>>
      %dma_start3A_91 = tpu.memref_squeeze %dma_start3A_90 : memref<1x80xi32, #tpu.memory_space<vmem>> -> memref<80xi32, #tpu.memory_space<vmem>>
      %dma_start3A_92 = arith.constant 0 : i32
      %dma_start3A_93 = arith.constant 0 : i32
      %dma_start3A_94 = tpu.memref_slice %arg11[%dma_start3A_92, %dma_start3A_93] : memref<10000x128xf32, #tpu.memory_space<vmem_shared>> -> memref<10000x128xf32, #tpu.memory_space<vmem_shared>>
      tpu.enqueue_indirect_dma source(%arg8 : memref<80x128xf32, #tpu.memory_space<vmem>>) target(%dma_start3A_94 : memref<10000x128xf32, #tpu.memory_space<vmem_shared>>) offsets(%dma_start3A_91 : memref<80xi32, #tpu.memory_space<vmem>>) semaphore(%run_scoped3A_88 : memref<!tpu.dma_semaphore, #tpu.memory_space<semaphore_mem>>) {add = true}
      %dma_wait3A_95 = arith.constant 0 : i32
      %dma_wait3A_96 = tpu.memref_slice %arg7[%run_scoped3A_76, %dma_wait3A_95] : memref<64x80xi32, #tpu.memory_space<vmem>> -> memref<1x80xi32, #tpu.memory_space<vmem>>
      %dma_wait3A_97 = tpu.memref_squeeze %dma_wait3A_96 : memref<1x80xi32, #tpu.memory_space<vmem>> -> memref<80xi32, #tpu.memory_space<vmem>>
      %dma_wait3A_98 = arith.constant 0 : i32
      %dma_wait3A_99 = arith.constant 0 : i32
      %dma_wait3A_100 = tpu.memref_slice %arg11[%dma_wait3A_98, %dma_wait3A_99] : memref<10000x128xf32, #tpu.memory_space<vmem_shared>> -> memref<10000x128xf32, #tpu.memory_space<vmem_shared>>
      tpu.wait_indirect_dma semaphore(%run_scoped3A_88 : memref<!tpu.dma_semaphore, #tpu.memory_space<semaphore_mem>>) src(%arg8 : memref<80x128xf32, #tpu.memory_space<vmem>>) dst(%dma_wait3A_100 : memref<10000x128xf32, #tpu.memory_space<vmem_shared>>)
      tpu.yield
    }) : () -> ()
    %barrier3A_77 = arith.constant 0 : index
    tpu.barrier barrier_id(%barrier3A_77)
    %lt3A_78 = arith.constant 15 : i32
    %lt3A_79 = arith.cmpi slt, %arg1, %lt3A_78 : i32
    %convert_element_type3A_80 = arith.extui %lt3A_79 : i1 to i32
    %cond3A_81 = arith.constant 0 : i32
    %cond3A_82 = arith.cmpi ne, %convert_element_type3A_80, %cond3A_81 : i32
    scf.if %cond3A_82 {
      %mul3A_88 = arith.constant 624 : i32
      %mul3A_89 = arith.muli %arg1, %mul3A_88 : i32
      %mul3A_90 = arith.constant 624 : i32
      %mul3A_91 = arith.muli %arg1, %mul3A_90 : i32
      "tpu.region"() ({
        %run_scoped3A_92 = tpu.sem_alloc : memref<!tpu.dma_semaphore, #tpu.memory_space<semaphore_mem>>
        %dma_start3A_93 = arith.constant 0 : i32
        %dma_start3A_94 = tpu.memref_slice %arg5[%arg0, %mul3A_91, %dma_start3A_93] : memref<2x10000x128xf32, #tpu.memory_space<hbm>> -> memref<1x624x128xf32, #tpu.memory_space<hbm>>
        %dma_start3A_95 = tpu.memref_squeeze %dma_start3A_94 : memref<1x624x128xf32, #tpu.memory_space<hbm>> -> memref<624x128xf32, #tpu.memory_space<hbm>>
        %dma_start3A_96 = arith.constant 0 : i32
        %dma_start3A_97 = tpu.memref_slice %arg11[%mul3A_89, %dma_start3A_96] : memref<10000x128xf32, #tpu.memory_space<vmem_shared>> -> memref<624x128xf32, #tpu.memory_space<vmem_shared>>
        tpu.enqueue_dma source(%dma_start3A_97 : memref<624x128xf32, #tpu.memory_space<vmem_shared>>) target(%dma_start3A_95 : memref<624x128xf32, #tpu.memory_space<hbm>>) target_semaphore(%run_scoped3A_92 : memref<!tpu.dma_semaphore, #tpu.memory_space<semaphore_mem>>)
        %dma_wait3A_98 = arith.constant 0 : i32
        %dma_wait3A_99 = tpu.memref_slice %arg5[%arg0, %mul3A_91, %dma_wait3A_98] : memref<2x10000x128xf32, #tpu.memory_space<hbm>> -> memref<1x624x128xf32, #tpu.memory_space<hbm>>
        %dma_wait3A_100 = tpu.memref_squeeze %dma_wait3A_99 : memref<1x624x128xf32, #tpu.memory_space<hbm>> -> memref<624x128xf32, #tpu.memory_space<hbm>>
        %dma_wait3A_101 = arith.constant 0 : i32
        %dma_wait3A_102 = tpu.memref_slice %arg11[%mul3A_89, %dma_wait3A_101] : memref<10000x128xf32, #tpu.memory_space<vmem_shared>> -> memref<624x128xf32, #tpu.memory_space<vmem_shared>>
        tpu.wait_dma2 semaphore(%run_scoped3A_92 : memref<!tpu.dma_semaphore, #tpu.memory_space<semaphore_mem>>) src(%dma_wait3A_102 : memref<624x128xf32, #tpu.memory_space<vmem_shared>>) dst(%dma_wait3A_100 : memref<624x128xf32, #tpu.memory_space<hbm>>)
        tpu.yield
      }) : () -> ()
    } else {
    }
    %eq3A_83 = arith.constant 15 : i32
    %eq3A_84 = arith.cmpi eq, %arg1, %eq3A_83 : i32
    %convert_element_type3A_85 = arith.extui %eq3A_84 : i1 to i32
    %cond3A_86 = arith.constant 0 : i32
    %cond3A_87 = arith.cmpi ne, %convert_element_type3A_85, %cond3A_86 : i32
    scf.if %cond3A_87 {
      "tpu.region"() ({
        %run_scoped3A_88 = tpu.sem_alloc : memref<!tpu.dma_semaphore, #tpu.memory_space<semaphore_mem>>
        %dma_start3A_89 = arith.constant 9360 : i32
        %dma_start3A_90 = arith.constant 0 : i32
        %dma_start3A_91 = tpu.memref_slice %arg5[%arg0, %dma_start3A_89, %dma_start3A_90] : memref<2x10000x128xf32, #tpu.memory_space<hbm>> -> memref<1x640x128xf32, #tpu.memory_space<hbm>>
        %dma_start3A_92 = tpu.memref_squeeze %dma_start3A_91 : memref<1x640x128xf32, #tpu.memory_space<hbm>> -> memref<640x128xf32, #tpu.memory_space<hbm>>
        %dma_start3A_93 = arith.constant 9360 : i32
        %dma_start3A_94 = arith.constant 0 : i32
        %dma_start3A_95 = tpu.memref_slice %arg11[%dma_start3A_93, %dma_start3A_94] : memref<10000x128xf32, #tpu.memory_space<vmem_shared>> -> memref<640x128xf32, #tpu.memory_space<vmem_shared>>
        tpu.enqueue_dma source(%dma_start3A_95 : memref<640x128xf32, #tpu.memory_space<vmem_shared>>) target(%dma_start3A_92 : memref<640x128xf32, #tpu.memory_space<hbm>>) target_semaphore(%run_scoped3A_88 : memref<!tpu.dma_semaphore, #tpu.memory_space<semaphore_mem>>)
        %dma_wait3A_96 = arith.constant 9360 : i32
        %dma_wait3A_97 = arith.constant 0 : i32
        %dma_wait3A_98 = tpu.memref_slice %arg5[%arg0, %dma_wait3A_96, %dma_wait3A_97] : memref<2x10000x128xf32, #tpu.memory_space<hbm>> -> memref<1x640x128xf32, #tpu.memory_space<hbm>>
        %dma_wait3A_99 = tpu.memref_squeeze %dma_wait3A_98 : memref<1x640x128xf32, #tpu.memory_space<hbm>> -> memref<640x128xf32, #tpu.memory_space<hbm>>
        %dma_wait3A_100 = arith.constant 9360 : i32
        %dma_wait3A_101 = arith.constant 0 : i32
        %dma_wait3A_102 = tpu.memref_slice %arg11[%dma_wait3A_100, %dma_wait3A_101] : memref<10000x128xf32, #tpu.memory_space<vmem_shared>> -> memref<640x128xf32, #tpu.memory_space<vmem_shared>>
        tpu.wait_dma2 semaphore(%run_scoped3A_88 : memref<!tpu.dma_semaphore, #tpu.memory_space<semaphore_mem>>) src(%dma_wait3A_102 : memref<640x128xf32, #tpu.memory_space<vmem_shared>>) dst(%dma_wait3A_99 : memref<640x128xf32, #tpu.memory_space<hbm>>)
        tpu.yield
      }) : () -> ()
    } else {
    }
    return
  }
}

#map = affine_map<(d0, d1) -> (0, 0)>
#map1 = affine_map<(d0, d1) -> (0, 0, 0, 0)>
#map2 = affine_map<(d0, d1) -> (0, 0, 0)>
module attributes {stable_mosaic.version = 14 : i64} {
  func.func @_seg_sum_body(%arg0: i32, %arg1: i32, %arg2: memref<10000x128xf32, #tpu.memory_space<hbm>>, %arg3: memref<2x32x125x80xi32, #tpu.memory_space<hbm>>, %arg4: memref<10000x128xf32, #tpu.memory_space<hbm>>, %arg5: memref<2x10000x128xf32, #tpu.memory_space<hbm>>, %arg6: memref<64x80xi32, #tpu.memory_space<vmem>>, %arg7: memref<64x80xi32, #tpu.memory_space<vmem>>, %arg8: memref<80x128xf32, #tpu.memory_space<vmem>>, %arg9: memref<80x128xf32, #tpu.memory_space<vmem>>, %arg10: memref<80x128xf32, #tpu.memory_space<vmem>>, %arg11: memref<10000x128xf32, #tpu.memory_space<vmem_shared>>, %arg12: memref<!tpu.dma_semaphore, #tpu.memory_space<semaphore_mem>>, %arg13: memref<!tpu.dma_semaphore, #tpu.memory_space<semaphore_mem>>, %arg14: memref<!tpu.dma_semaphore, #tpu.memory_space<semaphore_mem>>) attributes {dimension_semantics = [#tpu.dimension_semantics<core_parallel>, #tpu.dimension_semantics<subcore_parallel>], iteration_bounds = array<i64: 2, 16>, scalar_prefetch = 0 : i64, scratch_operands = 9 : i64, tpu.core_type = #tpu.core_type<sc_vector_subcore>, window_params = [{transform_indices = #map}, {transform_indices = #map1}, {transform_indices = #map}, {transform_indices = #map2}]} {
    %mul3A = arith.constant 16 : i32
    %mul3A_0 = arith.muli %arg0, %mul3A : i32
    %add3A = arith.addi %mul3A_0, %arg1 : i32
    %lt3A = arith.constant 15 : i32
    %lt3A_1 = arith.cmpi slt, %arg1, %lt3A : i32
    %convert_element_type3A = arith.extui %lt3A_1 : i1 to i32
    %cond3A = arith.constant 0 : i32
    %cond3A_2 = arith.cmpi ne, %convert_element_type3A, %cond3A : i32
    scf.if %cond3A_2 {
      %mul3A_88 = arith.constant 624 : i32
      %mul3A_89 = arith.muli %arg1, %mul3A_88 : i32
      %mul3A_90 = arith.constant 624 : i32
      %mul3A_91 = arith.muli %arg1, %mul3A_90 : i32
      "tpu.region"() ({
        %run_scoped3A_92 = tpu.sem_alloc : memref<!tpu.dma_semaphore, #tpu.memory_space<semaphore_mem>>
        %dma_start3A_93 = arith.constant 0 : i32
        %dma_start3A_94 = tpu.memref_slice %arg11[%mul3A_91, %dma_start3A_93] : memref<10000x128xf32, #tpu.memory_space<vmem_shared>> -> memref<624x128xf32, #tpu.memory_space<vmem_shared>>
        %dma_start3A_95 = arith.constant 0 : i32
        %dma_start3A_96 = tpu.memref_slice %arg4[%mul3A_89, %dma_start3A_95] : memref<10000x128xf32, #tpu.memory_space<hbm>> -> memref<624x128xf32, #tpu.memory_space<hbm>>
        tpu.enqueue_dma source(%dma_start3A_96 : memref<624x128xf32, #tpu.memory_space<hbm>>) target(%dma_start3A_94 : memref<624x128xf32, #tpu.memory_space<vmem_shared>>) target_semaphore(%run_scoped3A_92 : memref<!tpu.dma_semaphore, #tpu.memory_space<semaphore_mem>>)
        %dma_wait3A_97 = arith.constant 0 : i32
        %dma_wait3A_98 = tpu.memref_slice %arg11[%mul3A_91, %dma_wait3A_97] : memref<10000x128xf32, #tpu.memory_space<vmem_shared>> -> memref<624x128xf32, #tpu.memory_space<vmem_shared>>
        %dma_wait3A_99 = arith.constant 0 : i32
        %dma_wait3A_100 = tpu.memref_slice %arg4[%mul3A_89, %dma_wait3A_99] : memref<10000x128xf32, #tpu.memory_space<hbm>> -> memref<624x128xf32, #tpu.memory_space<hbm>>
        tpu.wait_dma2 semaphore(%run_scoped3A_92 : memref<!tpu.dma_semaphore, #tpu.memory_space<semaphore_mem>>) src(%dma_wait3A_100 : memref<624x128xf32, #tpu.memory_space<hbm>>) dst(%dma_wait3A_98 : memref<624x128xf32, #tpu.memory_space<vmem_shared>>)
        tpu.yield
      }) : () -> ()
    } else {
    }
    %eq3A = arith.constant 15 : i32
    %eq3A_3 = arith.cmpi eq, %arg1, %eq3A : i32
    %convert_element_type3A_4 = arith.extui %eq3A_3 : i1 to i32
    %cond3A_5 = arith.constant 0 : i32
    %cond3A_6 = arith.cmpi ne, %convert_element_type3A_4, %cond3A_5 : i32
    scf.if %cond3A_6 {
      "tpu.region"() ({
        %run_scoped3A_88 = tpu.sem_alloc : memref<!tpu.dma_semaphore, #tpu.memory_space<semaphore_mem>>
        %dma_start3A_89 = arith.constant 9360 : i32
        %dma_start3A_90 = arith.constant 0 : i32
        %dma_start3A_91 = tpu.memref_slice %arg11[%dma_start3A_89, %dma_start3A_90] : memref<10000x128xf32, #tpu.memory_space<vmem_shared>> -> memref<640x128xf32, #tpu.memory_space<vmem_shared>>
        %dma_start3A_92 = arith.constant 9360 : i32
        %dma_start3A_93 = arith.constant 0 : i32
        %dma_start3A_94 = tpu.memref_slice %arg4[%dma_start3A_92, %dma_start3A_93] : memref<10000x128xf32, #tpu.memory_space<hbm>> -> memref<640x128xf32, #tpu.memory_space<hbm>>
        tpu.enqueue_dma source(%dma_start3A_94 : memref<640x128xf32, #tpu.memory_space<hbm>>) target(%dma_start3A_91 : memref<640x128xf32, #tpu.memory_space<vmem_shared>>) target_semaphore(%run_scoped3A_88 : memref<!tpu.dma_semaphore, #tpu.memory_space<semaphore_mem>>)
        %dma_wait3A_95 = arith.constant 9360 : i32
        %dma_wait3A_96 = arith.constant 0 : i32
        %dma_wait3A_97 = tpu.memref_slice %arg11[%dma_wait3A_95, %dma_wait3A_96] : memref<10000x128xf32, #tpu.memory_space<vmem_shared>> -> memref<640x128xf32, #tpu.memory_space<vmem_shared>>
        %dma_wait3A_98 = arith.constant 9360 : i32
        %dma_wait3A_99 = arith.constant 0 : i32
        %dma_wait3A_100 = tpu.memref_slice %arg4[%dma_wait3A_98, %dma_wait3A_99] : memref<10000x128xf32, #tpu.memory_space<hbm>> -> memref<640x128xf32, #tpu.memory_space<hbm>>
        tpu.wait_dma2 semaphore(%run_scoped3A_88 : memref<!tpu.dma_semaphore, #tpu.memory_space<semaphore_mem>>) src(%dma_wait3A_100 : memref<640x128xf32, #tpu.memory_space<hbm>>) dst(%dma_wait3A_97 : memref<640x128xf32, #tpu.memory_space<vmem_shared>>)
        tpu.yield
      }) : () -> ()
    } else {
    }
    %barrier3A = arith.constant 0 : index
    tpu.barrier barrier_id(%barrier3A)
    %run_scoped3A = arith.constant 0 : i32
    "tpu.region"() ({
      %run_scoped3A_88 = tpu.sem_alloc : memref<!tpu.dma_semaphore, #tpu.memory_space<semaphore_mem>>
      %dma_start3A_89 = arith.constant 0 : i32
      %dma_start3A_90 = arith.constant 0 : i32
      %dma_start3A_91 = tpu.memref_slice %arg6[%dma_start3A_89, %dma_start3A_90] : memref<64x80xi32, #tpu.memory_space<vmem>> -> memref<64x80xi32, #tpu.memory_space<vmem>>
      %dma_start3A_92 = arith.constant 0 : i32
      %dma_start3A_93 = arith.constant 0 : i32
      %dma_start3A_94 = tpu.memref_slice %arg3[%run_scoped3A, %add3A, %dma_start3A_92, %dma_start3A_93] : memref<2x32x125x80xi32, #tpu.memory_space<hbm>> -> memref<1x1x64x80xi32, #tpu.memory_space<hbm>>
      %dma_start3A_95 = tpu.memref_squeeze %dma_start3A_94 : memref<1x1x64x80xi32, #tpu.memory_space<hbm>> -> memref<64x80xi32, #tpu.memory_space<hbm>>
      %dma_start3A_96 = arith.constant 0 : i32
      %dma_start3A_97 = arith.constant 0 : i32
      %dma_start3A_98 = tpu.memref_slice %arg6[%dma_start3A_96, %dma_start3A_97] : memref<64x80xi32, #tpu.memory_space<vmem>> -> memref<64x80xi32, #tpu.memory_space<vmem>>
      %dma_start3A_99 = arith.constant 0 : i32
      %dma_start3A_100 = arith.constant 0 : i32
      %dma_start3A_101 = tpu.memref_slice %arg3[%run_scoped3A, %add3A, %dma_start3A_99, %dma_start3A_100] : memref<2x32x125x80xi32, #tpu.memory_space<hbm>> -> memref<1x1x64x80xi32, #tpu.memory_space<hbm>>
      %dma_start3A_102 = tpu.memref_squeeze %dma_start3A_101 : memref<1x1x64x80xi32, #tpu.memory_space<hbm>> -> memref<64x80xi32, #tpu.memory_space<hbm>>
      tpu.enqueue_dma source(%dma_start3A_102 : memref<64x80xi32, #tpu.memory_space<hbm>>) target(%dma_start3A_98 : memref<64x80xi32, #tpu.memory_space<vmem>>) target_semaphore(%run_scoped3A_88 : memref<!tpu.dma_semaphore, #tpu.memory_space<semaphore_mem>>)
      %dma_wait3A_103 = arith.constant 0 : i32
      %dma_wait3A_104 = arith.constant 0 : i32
      %dma_wait3A_105 = tpu.memref_slice %arg6[%dma_wait3A_103, %dma_wait3A_104] : memref<64x80xi32, #tpu.memory_space<vmem>> -> memref<64x80xi32, #tpu.memory_space<vmem>>
      %dma_wait3A_106 = arith.constant 0 : i32
      %dma_wait3A_107 = arith.constant 0 : i32
      %dma_wait3A_108 = tpu.memref_slice %arg3[%run_scoped3A, %add3A, %dma_wait3A_106, %dma_wait3A_107] : memref<2x32x125x80xi32, #tpu.memory_space<hbm>> -> memref<1x1x64x80xi32, #tpu.memory_space<hbm>>
      %dma_wait3A_109 = tpu.memref_squeeze %dma_wait3A_108 : memref<1x1x64x80xi32, #tpu.memory_space<hbm>> -> memref<64x80xi32, #tpu.memory_space<hbm>>
      %dma_wait3A_110 = arith.constant 0 : i32
      %dma_wait3A_111 = arith.constant 0 : i32
      %dma_wait3A_112 = tpu.memref_slice %arg6[%dma_wait3A_110, %dma_wait3A_111] : memref<64x80xi32, #tpu.memory_space<vmem>> -> memref<64x80xi32, #tpu.memory_space<vmem>>
      %dma_wait3A_113 = arith.constant 0 : i32
      %dma_wait3A_114 = arith.constant 0 : i32
      %dma_wait3A_115 = tpu.memref_slice %arg3[%run_scoped3A, %add3A, %dma_wait3A_113, %dma_wait3A_114] : memref<2x32x125x80xi32, #tpu.memory_space<hbm>> -> memref<1x1x64x80xi32, #tpu.memory_space<hbm>>
      %dma_wait3A_116 = tpu.memref_squeeze %dma_wait3A_115 : memref<1x1x64x80xi32, #tpu.memory_space<hbm>> -> memref<64x80xi32, #tpu.memory_space<hbm>>
      tpu.wait_dma2 semaphore(%run_scoped3A_88 : memref<!tpu.dma_semaphore, #tpu.memory_space<semaphore_mem>>) src(%dma_wait3A_116 : memref<64x80xi32, #tpu.memory_space<hbm>>) dst(%dma_wait3A_112 : memref<64x80xi32, #tpu.memory_space<vmem>>)
      tpu.yield
    }) : () -> ()
    %run_scoped3A_7 = arith.constant 1 : i32
    "tpu.region"() ({
      %run_scoped3A_88 = tpu.sem_alloc : memref<!tpu.dma_semaphore, #tpu.memory_space<semaphore_mem>>
      %dma_start3A_89 = arith.constant 0 : i32
      %dma_start3A_90 = arith.constant 0 : i32
      %dma_start3A_91 = tpu.memref_slice %arg7[%dma_start3A_89, %dma_start3A_90] : memref<64x80xi32, #tpu.memory_space<vmem>> -> memref<64x80xi32, #tpu.memory_space<vmem>>
      %dma_start3A_92 = arith.constant 0 : i32
      %dma_start3A_93 = arith.constant 0 : i32
      %dma_start3A_94 = tpu.memref_slice %arg3[%run_scoped3A_7, %add3A, %dma_start3A_92, %dma_start3A_93] : memref<2x32x125x80xi32, #tpu.memory_space<hbm>> -> memref<1x1x64x80xi32, #tpu.memory_space<hbm>>
      %dma_start3A_95 = tpu.memref_squeeze %dma_start3A_94 : memref<1x1x64x80xi32, #tpu.memory_space<hbm>> -> memref<64x80xi32, #tpu.memory_space<hbm>>
      %dma_start3A_96 = arith.constant 0 : i32
      %dma_start3A_97 = arith.constant 0 : i32
      %dma_start3A_98 = tpu.memref_slice %arg7[%dma_start3A_96, %dma_start3A_97] : memref<64x80xi32, #tpu.memory_space<vmem>> -> memref<64x80xi32, #tpu.memory_space<vmem>>
      %dma_start3A_99 = arith.constant 0 : i32
      %dma_start3A_100 = arith.constant 0 : i32
      %dma_start3A_101 = tpu.memref_slice %arg3[%run_scoped3A_7, %add3A, %dma_start3A_99, %dma_start3A_100] : memref<2x32x125x80xi32, #tpu.memory_space<hbm>> -> memref<1x1x64x80xi32, #tpu.memory_space<hbm>>
      %dma_start3A_102 = tpu.memref_squeeze %dma_start3A_101 : memref<1x1x64x80xi32, #tpu.memory_space<hbm>> -> memref<64x80xi32, #tpu.memory_space<hbm>>
      tpu.enqueue_dma source(%dma_start3A_102 : memref<64x80xi32, #tpu.memory_space<hbm>>) target(%dma_start3A_98 : memref<64x80xi32, #tpu.memory_space<vmem>>) target_semaphore(%run_scoped3A_88 : memref<!tpu.dma_semaphore, #tpu.memory_space<semaphore_mem>>)
      %dma_wait3A_103 = arith.constant 0 : i32
      %dma_wait3A_104 = arith.constant 0 : i32
      %dma_wait3A_105 = tpu.memref_slice %arg7[%dma_wait3A_103, %dma_wait3A_104] : memref<64x80xi32, #tpu.memory_space<vmem>> -> memref<64x80xi32, #tpu.memory_space<vmem>>
      %dma_wait3A_106 = arith.constant 0 : i32
      %dma_wait3A_107 = arith.constant 0 : i32
      %dma_wait3A_108 = tpu.memref_slice %arg3[%run_scoped3A_7, %add3A, %dma_wait3A_106, %dma_wait3A_107] : memref<2x32x125x80xi32, #tpu.memory_space<hbm>> -> memref<1x1x64x80xi32, #tpu.memory_space<hbm>>
      %dma_wait3A_109 = tpu.memref_squeeze %dma_wait3A_108 : memref<1x1x64x80xi32, #tpu.memory_space<hbm>> -> memref<64x80xi32, #tpu.memory_space<hbm>>
      %dma_wait3A_110 = arith.constant 0 : i32
      %dma_wait3A_111 = arith.constant 0 : i32
      %dma_wait3A_112 = tpu.memref_slice %arg7[%dma_wait3A_110, %dma_wait3A_111] : memref<64x80xi32, #tpu.memory_space<vmem>> -> memref<64x80xi32, #tpu.memory_space<vmem>>
      %dma_wait3A_113 = arith.constant 0 : i32
      %dma_wait3A_114 = arith.constant 0 : i32
      %dma_wait3A_115 = tpu.memref_slice %arg3[%run_scoped3A_7, %add3A, %dma_wait3A_113, %dma_wait3A_114] : memref<2x32x125x80xi32, #tpu.memory_space<hbm>> -> memref<1x1x64x80xi32, #tpu.memory_space<hbm>>
      %dma_wait3A_116 = tpu.memref_squeeze %dma_wait3A_115 : memref<1x1x64x80xi32, #tpu.memory_space<hbm>> -> memref<64x80xi32, #tpu.memory_space<hbm>>
      tpu.wait_dma2 semaphore(%run_scoped3A_88 : memref<!tpu.dma_semaphore, #tpu.memory_space<semaphore_mem>>) src(%dma_wait3A_116 : memref<64x80xi32, #tpu.memory_space<hbm>>) dst(%dma_wait3A_112 : memref<64x80xi32, #tpu.memory_space<vmem>>)
      tpu.yield
    }) : () -> ()
    %dma_start3A = arith.constant 0 : i32
    %dma_start3A_8 = arith.constant 0 : i32
    %dma_start3A_9 = tpu.memref_slice %arg6[%dma_start3A, %dma_start3A_8] : memref<64x80xi32, #tpu.memory_space<vmem>> -> memref<1x80xi32, #tpu.memory_space<vmem>>
    %dma_start3A_10 = tpu.memref_squeeze %dma_start3A_9 : memref<1x80xi32, #tpu.memory_space<vmem>> -> memref<80xi32, #tpu.memory_space<vmem>>
    %dma_start3A_11 = arith.constant 0 : i32
    %dma_start3A_12 = arith.constant 0 : i32
    %dma_start3A_13 = tpu.memref_slice %arg2[%dma_start3A_11, %dma_start3A_12] : memref<10000x128xf32, #tpu.memory_space<hbm>> -> memref<10000x128xf32, #tpu.memory_space<hbm>>
    tpu.enqueue_indirect_dma source(%dma_start3A_13 : memref<10000x128xf32, #tpu.memory_space<hbm>>) target(%arg8 : memref<80x128xf32, #tpu.memory_space<vmem>>) offsets(%dma_start3A_10 : memref<80xi32, #tpu.memory_space<vmem>>) semaphore(%arg12 : memref<!tpu.dma_semaphore, #tpu.memory_space<semaphore_mem>>)
    %dma_start3A_14 = arith.constant 1 : i32
    %dma_start3A_15 = arith.constant 0 : i32
    %dma_start3A_16 = tpu.memref_slice %arg6[%dma_start3A_14, %dma_start3A_15] : memref<64x80xi32, #tpu.memory_space<vmem>> -> memref<1x80xi32, #tpu.memory_space<vmem>>
    %dma_start3A_17 = tpu.memref_squeeze %dma_start3A_16 : memref<1x80xi32, #tpu.memory_space<vmem>> -> memref<80xi32, #tpu.memory_space<vmem>>
    %dma_start3A_18 = arith.constant 0 : i32
    %dma_start3A_19 = arith.constant 0 : i32
    %dma_start3A_20 = tpu.memref_slice %arg2[%dma_start3A_18, %dma_start3A_19] : memref<10000x128xf32, #tpu.memory_space<hbm>> -> memref<10000x128xf32, #tpu.memory_space<hbm>>
    tpu.enqueue_indirect_dma source(%dma_start3A_20 : memref<10000x128xf32, #tpu.memory_space<hbm>>) target(%arg9 : memref<80x128xf32, #tpu.memory_space<vmem>>) offsets(%dma_start3A_17 : memref<80xi32, #tpu.memory_space<vmem>>) semaphore(%arg13 : memref<!tpu.dma_semaphore, #tpu.memory_space<semaphore_mem>>)
    %dma_start3A_21 = arith.constant 2 : i32
    %dma_start3A_22 = arith.constant 0 : i32
    %dma_start3A_23 = tpu.memref_slice %arg6[%dma_start3A_21, %dma_start3A_22] : memref<64x80xi32, #tpu.memory_space<vmem>> -> memref<1x80xi32, #tpu.memory_space<vmem>>
    %dma_start3A_24 = tpu.memref_squeeze %dma_start3A_23 : memref<1x80xi32, #tpu.memory_space<vmem>> -> memref<80xi32, #tpu.memory_space<vmem>>
    %dma_start3A_25 = arith.constant 0 : i32
    %dma_start3A_26 = arith.constant 0 : i32
    %dma_start3A_27 = tpu.memref_slice %arg2[%dma_start3A_25, %dma_start3A_26] : memref<10000x128xf32, #tpu.memory_space<hbm>> -> memref<10000x128xf32, #tpu.memory_space<hbm>>
    tpu.enqueue_indirect_dma source(%dma_start3A_27 : memref<10000x128xf32, #tpu.memory_space<hbm>>) target(%arg10 : memref<80x128xf32, #tpu.memory_space<vmem>>) offsets(%dma_start3A_24 : memref<80xi32, #tpu.memory_space<vmem>>) semaphore(%arg14 : memref<!tpu.dma_semaphore, #tpu.memory_space<semaphore_mem>>)
    %scan3A = arith.constant 0 : i32
    %scan3A_28 = arith.constant 0 : i32
    %scan3A_29 = arith.constant 21 : i32
    %scan3A_30 = arith.addi %scan3A_28, %scan3A_29 : i32
    %scan3A_31 = arith.constant 1 : i32
    scf.for %scan3A_88 = %scan3A_28 to %scan3A_30 step %scan3A_31  : i32 {
      %mul3A_89 = arith.constant 3 : i32
      %mul3A_90 = arith.muli %scan3A_88, %mul3A_89 : i32
      %add3A_91 = arith.constant 0 : i32
      %add3A_92 = arith.addi %mul3A_90, %add3A_91 : i32
      %dma_wait3A_93 = arith.constant 0 : i32
      %dma_wait3A_94 = tpu.memref_slice %arg6[%add3A_92, %dma_wait3A_93] : memref<64x80xi32, #tpu.memory_space<vmem>> -> memref<1x80xi32, #tpu.memory_space<vmem>>
      %dma_wait3A_95 = tpu.memref_squeeze %dma_wait3A_94 : memref<1x80xi32, #tpu.memory_space<vmem>> -> memref<80xi32, #tpu.memory_space<vmem>>
      %dma_wait3A_96 = arith.constant 0 : i32
      %dma_wait3A_97 = arith.constant 0 : i32
      %dma_wait3A_98 = tpu.memref_slice %arg2[%dma_wait3A_96, %dma_wait3A_97] : memref<10000x128xf32, #tpu.memory_space<hbm>> -> memref<10000x128xf32, #tpu.memory_space<hbm>>
      tpu.wait_indirect_dma semaphore(%arg12 : memref<!tpu.dma_semaphore, #tpu.memory_space<semaphore_mem>>) src(%dma_wait3A_98 : memref<10000x128xf32, #tpu.memory_space<hbm>>) dst(%arg8 : memref<80x128xf32, #tpu.memory_space<vmem>>)
      "tpu.region"() ({
        %run_scoped3A_140 = tpu.sem_alloc : memref<!tpu.dma_semaphore, #tpu.memory_space<semaphore_mem>>
        %dma_start3A_141 = arith.constant 0 : i32
        %dma_start3A_142 = tpu.memref_slice %arg7[%add3A_92, %dma_start3A_141] : memref<64x80xi32, #tpu.memory_space<vmem>> -> memref<1x80xi32, #tpu.memory_space<vmem>>
        %dma_start3A_143 = tpu.memref_squeeze %dma_start3A_142 : memref<1x80xi32, #tpu.memory_space<vmem>> -> memref<80xi32, #tpu.memory_space<vmem>>
        %dma_start3A_144 = arith.constant 0 : i32
        %dma_start3A_145 = arith.constant 0 : i32
        %dma_start3A_146 = tpu.memref_slice %arg11[%dma_start3A_144, %dma_start3A_145] : memref<10000x128xf32, #tpu.memory_space<vmem_shared>> -> memref<10000x128xf32, #tpu.memory_space<vmem_shared>>
        tpu.enqueue_indirect_dma source(%arg8 : memref<80x128xf32, #tpu.memory_space<vmem>>) target(%dma_start3A_146 : memref<10000x128xf32, #tpu.memory_space<vmem_shared>>) offsets(%dma_start3A_143 : memref<80xi32, #tpu.memory_space<vmem>>) semaphore(%run_scoped3A_140 : memref<!tpu.dma_semaphore, #tpu.memory_space<semaphore_mem>>) {add = true}
        %dma_wait3A_147 = arith.constant 0 : i32
        %dma_wait3A_148 = tpu.memref_slice %arg7[%add3A_92, %dma_wait3A_147] : memref<64x80xi32, #tpu.memory_space<vmem>> -> memref<1x80xi32, #tpu.memory_space<vmem>>
        %dma_wait3A_149 = tpu.memref_squeeze %dma_wait3A_148 : memref<1x80xi32, #tpu.memory_space<vmem>> -> memref<80xi32, #tpu.memory_space<vmem>>
        %dma_wait3A_150 = arith.constant 0 : i32
        %dma_wait3A_151 = arith.constant 0 : i32
        %dma_wait3A_152 = tpu.memref_slice %arg11[%dma_wait3A_150, %dma_wait3A_151] : memref<10000x128xf32, #tpu.memory_space<vmem_shared>> -> memref<10000x128xf32, #tpu.memory_space<vmem_shared>>
        tpu.wait_indirect_dma semaphore(%run_scoped3A_140 : memref<!tpu.dma_semaphore, #tpu.memory_space<semaphore_mem>>) src(%arg8 : memref<80x128xf32, #tpu.memory_space<vmem>>) dst(%dma_wait3A_152 : memref<10000x128xf32, #tpu.memory_space<vmem_shared>>)
        tpu.yield
      }) : () -> ()
      %add3A_99 = arith.constant 3 : i32
      %add3A_100 = arith.addi %add3A_92, %add3A_99 : i32
      %lt3A_101 = arith.constant 64 : i32
      %lt3A_102 = arith.cmpi slt, %add3A_100, %lt3A_101 : i32
      %convert_element_type3A_103 = arith.extui %lt3A_102 : i1 to i32
      %cond3A_104 = arith.constant 0 : i32
      %cond3A_105 = arith.cmpi ne, %convert_element_type3A_103, %cond3A_104 : i32
      scf.if %cond3A_105 {
        %add3A_140 = arith.constant 3 : i32
        %add3A_141 = arith.addi %add3A_92, %add3A_140 : i32
        %dma_start3A_142 = arith.constant 0 : i32
        %dma_start3A_143 = tpu.memref_slice %arg6[%add3A_141, %dma_start3A_142] : memref<64x80xi32, #tpu.memory_space<vmem>> -> memref<1x80xi32, #tpu.memory_space<vmem>>
        %dma_start3A_144 = tpu.memref_squeeze %dma_start3A_143 : memref<1x80xi32, #tpu.memory_space<vmem>> -> memref<80xi32, #tpu.memory_space<vmem>>
        %dma_start3A_145 = arith.constant 0 : i32
        %dma_start3A_146 = arith.constant 0 : i32
        %dma_start3A_147 = tpu.memref_slice %arg2[%dma_start3A_145, %dma_start3A_146] : memref<10000x128xf32, #tpu.memory_space<hbm>> -> memref<10000x128xf32, #tpu.memory_space<hbm>>
        tpu.enqueue_indirect_dma source(%dma_start3A_147 : memref<10000x128xf32, #tpu.memory_space<hbm>>) target(%arg8 : memref<80x128xf32, #tpu.memory_space<vmem>>) offsets(%dma_start3A_144 : memref<80xi32, #tpu.memory_space<vmem>>) semaphore(%arg12 : memref<!tpu.dma_semaphore, #tpu.memory_space<semaphore_mem>>)
      } else {
      }
      %mul3A_106 = arith.constant 3 : i32
      %mul3A_107 = arith.muli %scan3A_88, %mul3A_106 : i32
      %add3A_108 = arith.constant 1 : i32
      %add3A_109 = arith.addi %mul3A_107, %add3A_108 : i32
      %dma_wait3A_110 = arith.constant 0 : i32
      %dma_wait3A_111 = tpu.memref_slice %arg6[%add3A_109, %dma_wait3A_110] : memref<64x80xi32, #tpu.memory_space<vmem>> -> memref<1x80xi32, #tpu.memory_space<vmem>>
      %dma_wait3A_112 = tpu.memref_squeeze %dma_wait3A_111 : memref<1x80xi32, #tpu.memory_space<vmem>> -> memref<80xi32, #tpu.memory_space<vmem>>
      %dma_wait3A_113 = arith.constant 0 : i32
      %dma_wait3A_114 = arith.constant 0 : i32
      %dma_wait3A_115 = tpu.memref_slice %arg2[%dma_wait3A_113, %dma_wait3A_114] : memref<10000x128xf32, #tpu.memory_space<hbm>> -> memref<10000x128xf32, #tpu.memory_space<hbm>>
      tpu.wait_indirect_dma semaphore(%arg13 : memref<!tpu.dma_semaphore, #tpu.memory_space<semaphore_mem>>) src(%dma_wait3A_115 : memref<10000x128xf32, #tpu.memory_space<hbm>>) dst(%arg9 : memref<80x128xf32, #tpu.memory_space<vmem>>)
      "tpu.region"() ({
        %run_scoped3A_140 = tpu.sem_alloc : memref<!tpu.dma_semaphore, #tpu.memory_space<semaphore_mem>>
        %dma_start3A_141 = arith.constant 0 : i32
        %dma_start3A_142 = tpu.memref_slice %arg7[%add3A_109, %dma_start3A_141] : memref<64x80xi32, #tpu.memory_space<vmem>> -> memref<1x80xi32, #tpu.memory_space<vmem>>
        %dma_start3A_143 = tpu.memref_squeeze %dma_start3A_142 : memref<1x80xi32, #tpu.memory_space<vmem>> -> memref<80xi32, #tpu.memory_space<vmem>>
        %dma_start3A_144 = arith.constant 0 : i32
        %dma_start3A_145 = arith.constant 0 : i32
        %dma_start3A_146 = tpu.memref_slice %arg11[%dma_start3A_144, %dma_start3A_145] : memref<10000x128xf32, #tpu.memory_space<vmem_shared>> -> memref<10000x128xf32, #tpu.memory_space<vmem_shared>>
        tpu.enqueue_indirect_dma source(%arg9 : memref<80x128xf32, #tpu.memory_space<vmem>>) target(%dma_start3A_146 : memref<10000x128xf32, #tpu.memory_space<vmem_shared>>) offsets(%dma_start3A_143 : memref<80xi32, #tpu.memory_space<vmem>>) semaphore(%run_scoped3A_140 : memref<!tpu.dma_semaphore, #tpu.memory_space<semaphore_mem>>) {add = true}
        %dma_wait3A_147 = arith.constant 0 : i32
        %dma_wait3A_148 = tpu.memref_slice %arg7[%add3A_109, %dma_wait3A_147] : memref<64x80xi32, #tpu.memory_space<vmem>> -> memref<1x80xi32, #tpu.memory_space<vmem>>
        %dma_wait3A_149 = tpu.memref_squeeze %dma_wait3A_148 : memref<1x80xi32, #tpu.memory_space<vmem>> -> memref<80xi32, #tpu.memory_space<vmem>>
        %dma_wait3A_150 = arith.constant 0 : i32
        %dma_wait3A_151 = arith.constant 0 : i32
        %dma_wait3A_152 = tpu.memref_slice %arg11[%dma_wait3A_150, %dma_wait3A_151] : memref<10000x128xf32, #tpu.memory_space<vmem_shared>> -> memref<10000x128xf32, #tpu.memory_space<vmem_shared>>
        tpu.wait_indirect_dma semaphore(%run_scoped3A_140 : memref<!tpu.dma_semaphore, #tpu.memory_space<semaphore_mem>>) src(%arg9 : memref<80x128xf32, #tpu.memory_space<vmem>>) dst(%dma_wait3A_152 : memref<10000x128xf32, #tpu.memory_space<vmem_shared>>)
        tpu.yield
      }) : () -> ()
      %add3A_116 = arith.constant 3 : i32
      %add3A_117 = arith.addi %add3A_109, %add3A_116 : i32
      %lt3A_118 = arith.constant 64 : i32
      %lt3A_119 = arith.cmpi slt, %add3A_117, %lt3A_118 : i32
      %convert_element_type3A_120 = arith.extui %lt3A_119 : i1 to i32
      %cond3A_121 = arith.constant 0 : i32
      %cond3A_122 = arith.cmpi ne, %convert_element_type3A_120, %cond3A_121 : i32
      scf.if %cond3A_122 {
        %add3A_140 = arith.constant 3 : i32
        %add3A_141 = arith.addi %add3A_109, %add3A_140 : i32
        %dma_start3A_142 = arith.constant 0 : i32
        %dma_start3A_143 = tpu.memref_slice %arg6[%add3A_141, %dma_start3A_142] : memref<64x80xi32, #tpu.memory_space<vmem>> -> memref<1x80xi32, #tpu.memory_space<vmem>>
        %dma_start3A_144 = tpu.memref_squeeze %dma_start3A_143 : memref<1x80xi32, #tpu.memory_space<vmem>> -> memref<80xi32, #tpu.memory_space<vmem>>
        %dma_start3A_145 = arith.constant 0 : i32
        %dma_start3A_146 = arith.constant 0 : i32
        %dma_start3A_147 = tpu.memref_slice %arg2[%dma_start3A_145, %dma_start3A_146] : memref<10000x128xf32, #tpu.memory_space<hbm>> -> memref<10000x128xf32, #tpu.memory_space<hbm>>
        tpu.enqueue_indirect_dma source(%dma_start3A_147 : memref<10000x128xf32, #tpu.memory_space<hbm>>) target(%arg9 : memref<80x128xf32, #tpu.memory_space<vmem>>) offsets(%dma_start3A_144 : memref<80xi32, #tpu.memory_space<vmem>>) semaphore(%arg13 : memref<!tpu.dma_semaphore, #tpu.memory_space<semaphore_mem>>)
      } else {
      }
      %mul3A_123 = arith.constant 3 : i32
      %mul3A_124 = arith.muli %scan3A_88, %mul3A_123 : i32
      %add3A_125 = arith.constant 2 : i32
      %add3A_126 = arith.addi %mul3A_124, %add3A_125 : i32
      %dma_wait3A_127 = arith.constant 0 : i32
      %dma_wait3A_128 = tpu.memref_slice %arg6[%add3A_126, %dma_wait3A_127] : memref<64x80xi32, #tpu.memory_space<vmem>> -> memref<1x80xi32, #tpu.memory_space<vmem>>
      %dma_wait3A_129 = tpu.memref_squeeze %dma_wait3A_128 : memref<1x80xi32, #tpu.memory_space<vmem>> -> memref<80xi32, #tpu.memory_space<vmem>>
      %dma_wait3A_130 = arith.constant 0 : i32
      %dma_wait3A_131 = arith.constant 0 : i32
      %dma_wait3A_132 = tpu.memref_slice %arg2[%dma_wait3A_130, %dma_wait3A_131] : memref<10000x128xf32, #tpu.memory_space<hbm>> -> memref<10000x128xf32, #tpu.memory_space<hbm>>
      tpu.wait_indirect_dma semaphore(%arg14 : memref<!tpu.dma_semaphore, #tpu.memory_space<semaphore_mem>>) src(%dma_wait3A_132 : memref<10000x128xf32, #tpu.memory_space<hbm>>) dst(%arg10 : memref<80x128xf32, #tpu.memory_space<vmem>>)
      "tpu.region"() ({
        %run_scoped3A_140 = tpu.sem_alloc : memref<!tpu.dma_semaphore, #tpu.memory_space<semaphore_mem>>
        %dma_start3A_141 = arith.constant 0 : i32
        %dma_start3A_142 = tpu.memref_slice %arg7[%add3A_126, %dma_start3A_141] : memref<64x80xi32, #tpu.memory_space<vmem>> -> memref<1x80xi32, #tpu.memory_space<vmem>>
        %dma_start3A_143 = tpu.memref_squeeze %dma_start3A_142 : memref<1x80xi32, #tpu.memory_space<vmem>> -> memref<80xi32, #tpu.memory_space<vmem>>
        %dma_start3A_144 = arith.constant 0 : i32
        %dma_start3A_145 = arith.constant 0 : i32
        %dma_start3A_146 = tpu.memref_slice %arg11[%dma_start3A_144, %dma_start3A_145] : memref<10000x128xf32, #tpu.memory_space<vmem_shared>> -> memref<10000x128xf32, #tpu.memory_space<vmem_shared>>
        tpu.enqueue_indirect_dma source(%arg10 : memref<80x128xf32, #tpu.memory_space<vmem>>) target(%dma_start3A_146 : memref<10000x128xf32, #tpu.memory_space<vmem_shared>>) offsets(%dma_start3A_143 : memref<80xi32, #tpu.memory_space<vmem>>) semaphore(%run_scoped3A_140 : memref<!tpu.dma_semaphore, #tpu.memory_space<semaphore_mem>>) {add = true}
        %dma_wait3A_147 = arith.constant 0 : i32
        %dma_wait3A_148 = tpu.memref_slice %arg7[%add3A_126, %dma_wait3A_147] : memref<64x80xi32, #tpu.memory_space<vmem>> -> memref<1x80xi32, #tpu.memory_space<vmem>>
        %dma_wait3A_149 = tpu.memref_squeeze %dma_wait3A_148 : memref<1x80xi32, #tpu.memory_space<vmem>> -> memref<80xi32, #tpu.memory_space<vmem>>
        %dma_wait3A_150 = arith.constant 0 : i32
        %dma_wait3A_151 = arith.constant 0 : i32
        %dma_wait3A_152 = tpu.memref_slice %arg11[%dma_wait3A_150, %dma_wait3A_151] : memref<10000x128xf32, #tpu.memory_space<vmem_shared>> -> memref<10000x128xf32, #tpu.memory_space<vmem_shared>>
        tpu.wait_indirect_dma semaphore(%run_scoped3A_140 : memref<!tpu.dma_semaphore, #tpu.memory_space<semaphore_mem>>) src(%arg10 : memref<80x128xf32, #tpu.memory_space<vmem>>) dst(%dma_wait3A_152 : memref<10000x128xf32, #tpu.memory_space<vmem_shared>>)
        tpu.yield
      }) : () -> ()
      %add3A_133 = arith.constant 3 : i32
      %add3A_134 = arith.addi %add3A_126, %add3A_133 : i32
      %lt3A_135 = arith.constant 64 : i32
      %lt3A_136 = arith.cmpi slt, %add3A_134, %lt3A_135 : i32
      %convert_element_type3A_137 = arith.extui %lt3A_136 : i1 to i32
      %cond3A_138 = arith.constant 0 : i32
      %cond3A_139 = arith.cmpi ne, %convert_element_type3A_137, %cond3A_138 : i32
      scf.if %cond3A_139 {
        %add3A_140 = arith.constant 3 : i32
        %add3A_141 = arith.addi %add3A_126, %add3A_140 : i32
        %dma_start3A_142 = arith.constant 0 : i32
        %dma_start3A_143 = tpu.memref_slice %arg6[%add3A_141, %dma_start3A_142] : memref<64x80xi32, #tpu.memory_space<vmem>> -> memref<1x80xi32, #tpu.memory_space<vmem>>
        %dma_start3A_144 = tpu.memref_squeeze %dma_start3A_143 : memref<1x80xi32, #tpu.memory_space<vmem>> -> memref<80xi32, #tpu.memory_space<vmem>>
        %dma_start3A_145 = arith.constant 0 : i32
        %dma_start3A_146 = arith.constant 0 : i32
        %dma_start3A_147 = tpu.memref_slice %arg2[%dma_start3A_145, %dma_start3A_146] : memref<10000x128xf32, #tpu.memory_space<hbm>> -> memref<10000x128xf32, #tpu.memory_space<hbm>>
        tpu.enqueue_indirect_dma source(%dma_start3A_147 : memref<10000x128xf32, #tpu.memory_space<hbm>>) target(%arg10 : memref<80x128xf32, #tpu.memory_space<vmem>>) offsets(%dma_start3A_144 : memref<80xi32, #tpu.memory_space<vmem>>) semaphore(%arg14 : memref<!tpu.dma_semaphore, #tpu.memory_space<semaphore_mem>>)
      } else {
      }
    }
    %scan3A_32 = arith.constant 21 : i32
    %dma_wait3A = arith.constant 63 : i32
    %dma_wait3A_33 = arith.constant 0 : i32
    %dma_wait3A_34 = tpu.memref_slice %arg6[%dma_wait3A, %dma_wait3A_33] : memref<64x80xi32, #tpu.memory_space<vmem>> -> memref<1x80xi32, #tpu.memory_space<vmem>>
    %dma_wait3A_35 = tpu.memref_squeeze %dma_wait3A_34 : memref<1x80xi32, #tpu.memory_space<vmem>> -> memref<80xi32, #tpu.memory_space<vmem>>
    %dma_wait3A_36 = arith.constant 0 : i32
    %dma_wait3A_37 = arith.constant 0 : i32
    %dma_wait3A_38 = tpu.memref_slice %arg2[%dma_wait3A_36, %dma_wait3A_37] : memref<10000x128xf32, #tpu.memory_space<hbm>> -> memref<10000x128xf32, #tpu.memory_space<hbm>>
    tpu.wait_indirect_dma semaphore(%arg12 : memref<!tpu.dma_semaphore, #tpu.memory_space<semaphore_mem>>) src(%dma_wait3A_38 : memref<10000x128xf32, #tpu.memory_space<hbm>>) dst(%arg8 : memref<80x128xf32, #tpu.memory_space<vmem>>)
    %run_scoped3A_39 = arith.constant 63 : i32
    "tpu.region"() ({
      %run_scoped3A_88 = tpu.sem_alloc : memref<!tpu.dma_semaphore, #tpu.memory_space<semaphore_mem>>
      %dma_start3A_89 = arith.constant 0 : i32
      %dma_start3A_90 = tpu.memref_slice %arg7[%run_scoped3A_39, %dma_start3A_89] : memref<64x80xi32, #tpu.memory_space<vmem>> -> memref<1x80xi32, #tpu.memory_space<vmem>>
      %dma_start3A_91 = tpu.memref_squeeze %dma_start3A_90 : memref<1x80xi32, #tpu.memory_space<vmem>> -> memref<80xi32, #tpu.memory_space<vmem>>
      %dma_start3A_92 = arith.constant 0 : i32
      %dma_start3A_93 = arith.constant 0 : i32
      %dma_start3A_94 = tpu.memref_slice %arg11[%dma_start3A_92, %dma_start3A_93] : memref<10000x128xf32, #tpu.memory_space<vmem_shared>> -> memref<10000x128xf32, #tpu.memory_space<vmem_shared>>
      tpu.enqueue_indirect_dma source(%arg8 : memref<80x128xf32, #tpu.memory_space<vmem>>) target(%dma_start3A_94 : memref<10000x128xf32, #tpu.memory_space<vmem_shared>>) offsets(%dma_start3A_91 : memref<80xi32, #tpu.memory_space<vmem>>) semaphore(%run_scoped3A_88 : memref<!tpu.dma_semaphore, #tpu.memory_space<semaphore_mem>>) {add = true}
      %dma_wait3A_95 = arith.constant 0 : i32
      %dma_wait3A_96 = tpu.memref_slice %arg7[%run_scoped3A_39, %dma_wait3A_95] : memref<64x80xi32, #tpu.memory_space<vmem>> -> memref<1x80xi32, #tpu.memory_space<vmem>>
      %dma_wait3A_97 = tpu.memref_squeeze %dma_wait3A_96 : memref<1x80xi32, #tpu.memory_space<vmem>> -> memref<80xi32, #tpu.memory_space<vmem>>
      %dma_wait3A_98 = arith.constant 0 : i32
      %dma_wait3A_99 = arith.constant 0 : i32
      %dma_wait3A_100 = tpu.memref_slice %arg11[%dma_wait3A_98, %dma_wait3A_99] : memref<10000x128xf32, #tpu.memory_space<vmem_shared>> -> memref<10000x128xf32, #tpu.memory_space<vmem_shared>>
      tpu.wait_indirect_dma semaphore(%run_scoped3A_88 : memref<!tpu.dma_semaphore, #tpu.memory_space<semaphore_mem>>) src(%arg8 : memref<80x128xf32, #tpu.memory_space<vmem>>) dst(%dma_wait3A_100 : memref<10000x128xf32, #tpu.memory_space<vmem_shared>>)
      tpu.yield
    }) : () -> ()
    %run_scoped3A_40 = arith.constant 0 : i32
    "tpu.region"() ({
      %run_scoped3A_88 = tpu.sem_alloc : memref<!tpu.dma_semaphore, #tpu.memory_space<semaphore_mem>>
      %dma_start3A_89 = arith.constant 0 : i32
      %dma_start3A_90 = arith.constant 0 : i32
      %dma_start3A_91 = tpu.memref_slice %arg6[%dma_start3A_89, %dma_start3A_90] : memref<64x80xi32, #tpu.memory_space<vmem>> -> memref<61x80xi32, #tpu.memory_space<vmem>>
      %dma_start3A_92 = arith.constant 64 : i32
      %dma_start3A_93 = arith.constant 0 : i32
      %dma_start3A_94 = tpu.memref_slice %arg3[%run_scoped3A_40, %add3A, %dma_start3A_92, %dma_start3A_93] : memref<2x32x125x80xi32, #tpu.memory_space<hbm>> -> memref<1x1x61x80xi32, #tpu.memory_space<hbm>>
      %dma_start3A_95 = tpu.memref_squeeze %dma_start3A_94 : memref<1x1x61x80xi32, #tpu.memory_space<hbm>> -> memref<61x80xi32, #tpu.memory_space<hbm>>
      %dma_start3A_96 = arith.constant 0 : i32
      %dma_start3A_97 = arith.constant 0 : i32
      %dma_start3A_98 = tpu.memref_slice %arg6[%dma_start3A_96, %dma_start3A_97] : memref<64x80xi32, #tpu.memory_space<vmem>> -> memref<61x80xi32, #tpu.memory_space<vmem>>
      %dma_start3A_99 = arith.constant 64 : i32
      %dma_start3A_100 = arith.constant 0 : i32
      %dma_start3A_101 = tpu.memref_slice %arg3[%run_scoped3A_40, %add3A, %dma_start3A_99, %dma_start3A_100] : memref<2x32x125x80xi32, #tpu.memory_space<hbm>> -> memref<1x1x61x80xi32, #tpu.memory_space<hbm>>
      %dma_start3A_102 = tpu.memref_squeeze %dma_start3A_101 : memref<1x1x61x80xi32, #tpu.memory_space<hbm>> -> memref<61x80xi32, #tpu.memory_space<hbm>>
      tpu.enqueue_dma source(%dma_start3A_102 : memref<61x80xi32, #tpu.memory_space<hbm>>) target(%dma_start3A_98 : memref<61x80xi32, #tpu.memory_space<vmem>>) target_semaphore(%run_scoped3A_88 : memref<!tpu.dma_semaphore, #tpu.memory_space<semaphore_mem>>)
      %dma_wait3A_103 = arith.constant 0 : i32
      %dma_wait3A_104 = arith.constant 0 : i32
      %dma_wait3A_105 = tpu.memref_slice %arg6[%dma_wait3A_103, %dma_wait3A_104] : memref<64x80xi32, #tpu.memory_space<vmem>> -> memref<61x80xi32, #tpu.memory_space<vmem>>
      %dma_wait3A_106 = arith.constant 64 : i32
      %dma_wait3A_107 = arith.constant 0 : i32
      %dma_wait3A_108 = tpu.memref_slice %arg3[%run_scoped3A_40, %add3A, %dma_wait3A_106, %dma_wait3A_107] : memref<2x32x125x80xi32, #tpu.memory_space<hbm>> -> memref<1x1x61x80xi32, #tpu.memory_space<hbm>>
      %dma_wait3A_109 = tpu.memref_squeeze %dma_wait3A_108 : memref<1x1x61x80xi32, #tpu.memory_space<hbm>> -> memref<61x80xi32, #tpu.memory_space<hbm>>
      %dma_wait3A_110 = arith.constant 0 : i32
      %dma_wait3A_111 = arith.constant 0 : i32
      %dma_wait3A_112 = tpu.memref_slice %arg6[%dma_wait3A_110, %dma_wait3A_111] : memref<64x80xi32, #tpu.memory_space<vmem>> -> memref<61x80xi32, #tpu.memory_space<vmem>>
      %dma_wait3A_113 = arith.constant 64 : i32
      %dma_wait3A_114 = arith.constant 0 : i32
      %dma_wait3A_115 = tpu.memref_slice %arg3[%run_scoped3A_40, %add3A, %dma_wait3A_113, %dma_wait3A_114] : memref<2x32x125x80xi32, #tpu.memory_space<hbm>> -> memref<1x1x61x80xi32, #tpu.memory_space<hbm>>
      %dma_wait3A_116 = tpu.memref_squeeze %dma_wait3A_115 : memref<1x1x61x80xi32, #tpu.memory_space<hbm>> -> memref<61x80xi32, #tpu.memory_space<hbm>>
      tpu.wait_dma2 semaphore(%run_scoped3A_88 : memref<!tpu.dma_semaphore, #tpu.memory_space<semaphore_mem>>) src(%dma_wait3A_116 : memref<61x80xi32, #tpu.memory_space<hbm>>) dst(%dma_wait3A_112 : memref<61x80xi32, #tpu.memory_space<vmem>>)
      tpu.yield
    }) : () -> ()
    %run_scoped3A_41 = arith.constant 1 : i32
    "tpu.region"() ({
      %run_scoped3A_88 = tpu.sem_alloc : memref<!tpu.dma_semaphore, #tpu.memory_space<semaphore_mem>>
      %dma_start3A_89 = arith.constant 0 : i32
      %dma_start3A_90 = arith.constant 0 : i32
      %dma_start3A_91 = tpu.memref_slice %arg7[%dma_start3A_89, %dma_start3A_90] : memref<64x80xi32, #tpu.memory_space<vmem>> -> memref<61x80xi32, #tpu.memory_space<vmem>>
      %dma_start3A_92 = arith.constant 64 : i32
      %dma_start3A_93 = arith.constant 0 : i32
      %dma_start3A_94 = tpu.memref_slice %arg3[%run_scoped3A_41, %add3A, %dma_start3A_92, %dma_start3A_93] : memref<2x32x125x80xi32, #tpu.memory_space<hbm>> -> memref<1x1x61x80xi32, #tpu.memory_space<hbm>>
      %dma_start3A_95 = tpu.memref_squeeze %dma_start3A_94 : memref<1x1x61x80xi32, #tpu.memory_space<hbm>> -> memref<61x80xi32, #tpu.memory_space<hbm>>
      %dma_start3A_96 = arith.constant 0 : i32
      %dma_start3A_97 = arith.constant 0 : i32
      %dma_start3A_98 = tpu.memref_slice %arg7[%dma_start3A_96, %dma_start3A_97] : memref<64x80xi32, #tpu.memory_space<vmem>> -> memref<61x80xi32, #tpu.memory_space<vmem>>
      %dma_start3A_99 = arith.constant 64 : i32
      %dma_start3A_100 = arith.constant 0 : i32
      %dma_start3A_101 = tpu.memref_slice %arg3[%run_scoped3A_41, %add3A, %dma_start3A_99, %dma_start3A_100] : memref<2x32x125x80xi32, #tpu.memory_space<hbm>> -> memref<1x1x61x80xi32, #tpu.memory_space<hbm>>
      %dma_start3A_102 = tpu.memref_squeeze %dma_start3A_101 : memref<1x1x61x80xi32, #tpu.memory_space<hbm>> -> memref<61x80xi32, #tpu.memory_space<hbm>>
      tpu.enqueue_dma source(%dma_start3A_102 : memref<61x80xi32, #tpu.memory_space<hbm>>) target(%dma_start3A_98 : memref<61x80xi32, #tpu.memory_space<vmem>>) target_semaphore(%run_scoped3A_88 : memref<!tpu.dma_semaphore, #tpu.memory_space<semaphore_mem>>)
      %dma_wait3A_103 = arith.constant 0 : i32
      %dma_wait3A_104 = arith.constant 0 : i32
      %dma_wait3A_105 = tpu.memref_slice %arg7[%dma_wait3A_103, %dma_wait3A_104] : memref<64x80xi32, #tpu.memory_space<vmem>> -> memref<61x80xi32, #tpu.memory_space<vmem>>
      %dma_wait3A_106 = arith.constant 64 : i32
      %dma_wait3A_107 = arith.constant 0 : i32
      %dma_wait3A_108 = tpu.memref_slice %arg3[%run_scoped3A_41, %add3A, %dma_wait3A_106, %dma_wait3A_107] : memref<2x32x125x80xi32, #tpu.memory_space<hbm>> -> memref<1x1x61x80xi32, #tpu.memory_space<hbm>>
      %dma_wait3A_109 = tpu.memref_squeeze %dma_wait3A_108 : memref<1x1x61x80xi32, #tpu.memory_space<hbm>> -> memref<61x80xi32, #tpu.memory_space<hbm>>
      %dma_wait3A_110 = arith.constant 0 : i32
      %dma_wait3A_111 = arith.constant 0 : i32
      %dma_wait3A_112 = tpu.memref_slice %arg7[%dma_wait3A_110, %dma_wait3A_111] : memref<64x80xi32, #tpu.memory_space<vmem>> -> memref<61x80xi32, #tpu.memory_space<vmem>>
      %dma_wait3A_113 = arith.constant 64 : i32
      %dma_wait3A_114 = arith.constant 0 : i32
      %dma_wait3A_115 = tpu.memref_slice %arg3[%run_scoped3A_41, %add3A, %dma_wait3A_113, %dma_wait3A_114] : memref<2x32x125x80xi32, #tpu.memory_space<hbm>> -> memref<1x1x61x80xi32, #tpu.memory_space<hbm>>
      %dma_wait3A_116 = tpu.memref_squeeze %dma_wait3A_115 : memref<1x1x61x80xi32, #tpu.memory_space<hbm>> -> memref<61x80xi32, #tpu.memory_space<hbm>>
      tpu.wait_dma2 semaphore(%run_scoped3A_88 : memref<!tpu.dma_semaphore, #tpu.memory_space<semaphore_mem>>) src(%dma_wait3A_116 : memref<61x80xi32, #tpu.memory_space<hbm>>) dst(%dma_wait3A_112 : memref<61x80xi32, #tpu.memory_space<vmem>>)
      tpu.yield
    }) : () -> ()
    %dma_start3A_42 = arith.constant 0 : i32
    %dma_start3A_43 = arith.constant 0 : i32
    %dma_start3A_44 = tpu.memref_slice %arg6[%dma_start3A_42, %dma_start3A_43] : memref<64x80xi32, #tpu.memory_space<vmem>> -> memref<1x80xi32, #tpu.memory_space<vmem>>
    %dma_start3A_45 = tpu.memref_squeeze %dma_start3A_44 : memref<1x80xi32, #tpu.memory_space<vmem>> -> memref<80xi32, #tpu.memory_space<vmem>>
    %dma_start3A_46 = arith.constant 0 : i32
    %dma_start3A_47 = arith.constant 0 : i32
    %dma_start3A_48 = tpu.memref_slice %arg2[%dma_start3A_46, %dma_start3A_47] : memref<10000x128xf32, #tpu.memory_space<hbm>> -> memref<10000x128xf32, #tpu.memory_space<hbm>>
    tpu.enqueue_indirect_dma source(%dma_start3A_48 : memref<10000x128xf32, #tpu.memory_space<hbm>>) target(%arg8 : memref<80x128xf32, #tpu.memory_space<vmem>>) offsets(%dma_start3A_45 : memref<80xi32, #tpu.memory_space<vmem>>) semaphore(%arg12 : memref<!tpu.dma_semaphore, #tpu.memory_space<semaphore_mem>>)
    %dma_start3A_49 = arith.constant 1 : i32
    %dma_start3A_50 = arith.constant 0 : i32
    %dma_start3A_51 = tpu.memref_slice %arg6[%dma_start3A_49, %dma_start3A_50] : memref<64x80xi32, #tpu.memory_space<vmem>> -> memref<1x80xi32, #tpu.memory_space<vmem>>
    %dma_start3A_52 = tpu.memref_squeeze %dma_start3A_51 : memref<1x80xi32, #tpu.memory_space<vmem>> -> memref<80xi32, #tpu.memory_space<vmem>>
    %dma_start3A_53 = arith.constant 0 : i32
    %dma_start3A_54 = arith.constant 0 : i32
    %dma_start3A_55 = tpu.memref_slice %arg2[%dma_start3A_53, %dma_start3A_54] : memref<10000x128xf32, #tpu.memory_space<hbm>> -> memref<10000x128xf32, #tpu.memory_space<hbm>>
    tpu.enqueue_indirect_dma source(%dma_start3A_55 : memref<10000x128xf32, #tpu.memory_space<hbm>>) target(%arg9 : memref<80x128xf32, #tpu.memory_space<vmem>>) offsets(%dma_start3A_52 : memref<80xi32, #tpu.memory_space<vmem>>) semaphore(%arg13 : memref<!tpu.dma_semaphore, #tpu.memory_space<semaphore_mem>>)
    %dma_start3A_56 = arith.constant 2 : i32
    %dma_start3A_57 = arith.constant 0 : i32
    %dma_start3A_58 = tpu.memref_slice %arg6[%dma_start3A_56, %dma_start3A_57] : memref<64x80xi32, #tpu.memory_space<vmem>> -> memref<1x80xi32, #tpu.memory_space<vmem>>
    %dma_start3A_59 = tpu.memref_squeeze %dma_start3A_58 : memref<1x80xi32, #tpu.memory_space<vmem>> -> memref<80xi32, #tpu.memory_space<vmem>>
    %dma_start3A_60 = arith.constant 0 : i32
    %dma_start3A_61 = arith.constant 0 : i32
    %dma_start3A_62 = tpu.memref_slice %arg2[%dma_start3A_60, %dma_start3A_61] : memref<10000x128xf32, #tpu.memory_space<hbm>> -> memref<10000x128xf32, #tpu.memory_space<hbm>>
    tpu.enqueue_indirect_dma source(%dma_start3A_62 : memref<10000x128xf32, #tpu.memory_space<hbm>>) target(%arg10 : memref<80x128xf32, #tpu.memory_space<vmem>>) offsets(%dma_start3A_59 : memref<80xi32, #tpu.memory_space<vmem>>) semaphore(%arg14 : memref<!tpu.dma_semaphore, #tpu.memory_space<semaphore_mem>>)
    %scan3A_63 = arith.constant 0 : i32
    %scan3A_64 = arith.constant 0 : i32
    %scan3A_65 = arith.constant 20 : i32
    %scan3A_66 = arith.addi %scan3A_64, %scan3A_65 : i32
    %scan3A_67 = arith.constant 1 : i32
    scf.for %scan3A_88 = %scan3A_64 to %scan3A_66 step %scan3A_67  : i32 {
      %mul3A_89 = arith.constant 3 : i32
      %mul3A_90 = arith.muli %scan3A_88, %mul3A_89 : i32
      %add3A_91 = arith.constant 0 : i32
      %add3A_92 = arith.addi %mul3A_90, %add3A_91 : i32
      %dma_wait3A_93 = arith.constant 0 : i32
      %dma_wait3A_94 = tpu.memref_slice %arg6[%add3A_92, %dma_wait3A_93] : memref<64x80xi32, #tpu.memory_space<vmem>> -> memref<1x80xi32, #tpu.memory_space<vmem>>
      %dma_wait3A_95 = tpu.memref_squeeze %dma_wait3A_94 : memref<1x80xi32, #tpu.memory_space<vmem>> -> memref<80xi32, #tpu.memory_space<vmem>>
      %dma_wait3A_96 = arith.constant 0 : i32
      %dma_wait3A_97 = arith.constant 0 : i32
      %dma_wait3A_98 = tpu.memref_slice %arg2[%dma_wait3A_96, %dma_wait3A_97] : memref<10000x128xf32, #tpu.memory_space<hbm>> -> memref<10000x128xf32, #tpu.memory_space<hbm>>
      tpu.wait_indirect_dma semaphore(%arg12 : memref<!tpu.dma_semaphore, #tpu.memory_space<semaphore_mem>>) src(%dma_wait3A_98 : memref<10000x128xf32, #tpu.memory_space<hbm>>) dst(%arg8 : memref<80x128xf32, #tpu.memory_space<vmem>>)
      "tpu.region"() ({
        %run_scoped3A_140 = tpu.sem_alloc : memref<!tpu.dma_semaphore, #tpu.memory_space<semaphore_mem>>
        %dma_start3A_141 = arith.constant 0 : i32
        %dma_start3A_142 = tpu.memref_slice %arg7[%add3A_92, %dma_start3A_141] : memref<64x80xi32, #tpu.memory_space<vmem>> -> memref<1x80xi32, #tpu.memory_space<vmem>>
        %dma_start3A_143 = tpu.memref_squeeze %dma_start3A_142 : memref<1x80xi32, #tpu.memory_space<vmem>> -> memref<80xi32, #tpu.memory_space<vmem>>
        %dma_start3A_144 = arith.constant 0 : i32
        %dma_start3A_145 = arith.constant 0 : i32
        %dma_start3A_146 = tpu.memref_slice %arg11[%dma_start3A_144, %dma_start3A_145] : memref<10000x128xf32, #tpu.memory_space<vmem_shared>> -> memref<10000x128xf32, #tpu.memory_space<vmem_shared>>
        tpu.enqueue_indirect_dma source(%arg8 : memref<80x128xf32, #tpu.memory_space<vmem>>) target(%dma_start3A_146 : memref<10000x128xf32, #tpu.memory_space<vmem_shared>>) offsets(%dma_start3A_143 : memref<80xi32, #tpu.memory_space<vmem>>) semaphore(%run_scoped3A_140 : memref<!tpu.dma_semaphore, #tpu.memory_space<semaphore_mem>>) {add = true}
        %dma_wait3A_147 = arith.constant 0 : i32
        %dma_wait3A_148 = tpu.memref_slice %arg7[%add3A_92, %dma_wait3A_147] : memref<64x80xi32, #tpu.memory_space<vmem>> -> memref<1x80xi32, #tpu.memory_space<vmem>>
        %dma_wait3A_149 = tpu.memref_squeeze %dma_wait3A_148 : memref<1x80xi32, #tpu.memory_space<vmem>> -> memref<80xi32, #tpu.memory_space<vmem>>
        %dma_wait3A_150 = arith.constant 0 : i32
        %dma_wait3A_151 = arith.constant 0 : i32
        %dma_wait3A_152 = tpu.memref_slice %arg11[%dma_wait3A_150, %dma_wait3A_151] : memref<10000x128xf32, #tpu.memory_space<vmem_shared>> -> memref<10000x128xf32, #tpu.memory_space<vmem_shared>>
        tpu.wait_indirect_dma semaphore(%run_scoped3A_140 : memref<!tpu.dma_semaphore, #tpu.memory_space<semaphore_mem>>) src(%arg8 : memref<80x128xf32, #tpu.memory_space<vmem>>) dst(%dma_wait3A_152 : memref<10000x128xf32, #tpu.memory_space<vmem_shared>>)
        tpu.yield
      }) : () -> ()
      %add3A_99 = arith.constant 3 : i32
      %add3A_100 = arith.addi %add3A_92, %add3A_99 : i32
      %lt3A_101 = arith.constant 61 : i32
      %lt3A_102 = arith.cmpi slt, %add3A_100, %lt3A_101 : i32
      %convert_element_type3A_103 = arith.extui %lt3A_102 : i1 to i32
      %cond3A_104 = arith.constant 0 : i32
      %cond3A_105 = arith.cmpi ne, %convert_element_type3A_103, %cond3A_104 : i32
      scf.if %cond3A_105 {
        %add3A_140 = arith.constant 3 : i32
        %add3A_141 = arith.addi %add3A_92, %add3A_140 : i32
        %dma_start3A_142 = arith.constant 0 : i32
        %dma_start3A_143 = tpu.memref_slice %arg6[%add3A_141, %dma_start3A_142] : memref<64x80xi32, #tpu.memory_space<vmem>> -> memref<1x80xi32, #tpu.memory_space<vmem>>
        %dma_start3A_144 = tpu.memref_squeeze %dma_start3A_143 : memref<1x80xi32, #tpu.memory_space<vmem>> -> memref<80xi32, #tpu.memory_space<vmem>>
        %dma_start3A_145 = arith.constant 0 : i32
        %dma_start3A_146 = arith.constant 0 : i32
        %dma_start3A_147 = tpu.memref_slice %arg2[%dma_start3A_145, %dma_start3A_146] : memref<10000x128xf32, #tpu.memory_space<hbm>> -> memref<10000x128xf32, #tpu.memory_space<hbm>>
        tpu.enqueue_indirect_dma source(%dma_start3A_147 : memref<10000x128xf32, #tpu.memory_space<hbm>>) target(%arg8 : memref<80x128xf32, #tpu.memory_space<vmem>>) offsets(%dma_start3A_144 : memref<80xi32, #tpu.memory_space<vmem>>) semaphore(%arg12 : memref<!tpu.dma_semaphore, #tpu.memory_space<semaphore_mem>>)
      } else {
      }
      %mul3A_106 = arith.constant 3 : i32
      %mul3A_107 = arith.muli %scan3A_88, %mul3A_106 : i32
      %add3A_108 = arith.constant 1 : i32
      %add3A_109 = arith.addi %mul3A_107, %add3A_108 : i32
      %dma_wait3A_110 = arith.constant 0 : i32
      %dma_wait3A_111 = tpu.memref_slice %arg6[%add3A_109, %dma_wait3A_110] : memref<64x80xi32, #tpu.memory_space<vmem>> -> memref<1x80xi32, #tpu.memory_space<vmem>>
      %dma_wait3A_112 = tpu.memref_squeeze %dma_wait3A_111 : memref<1x80xi32, #tpu.memory_space<vmem>> -> memref<80xi32, #tpu.memory_space<vmem>>
      %dma_wait3A_113 = arith.constant 0 : i32
      %dma_wait3A_114 = arith.constant 0 : i32
      %dma_wait3A_115 = tpu.memref_slice %arg2[%dma_wait3A_113, %dma_wait3A_114] : memref<10000x128xf32, #tpu.memory_space<hbm>> -> memref<10000x128xf32, #tpu.memory_space<hbm>>
      tpu.wait_indirect_dma semaphore(%arg13 : memref<!tpu.dma_semaphore, #tpu.memory_space<semaphore_mem>>) src(%dma_wait3A_115 : memref<10000x128xf32, #tpu.memory_space<hbm>>) dst(%arg9 : memref<80x128xf32, #tpu.memory_space<vmem>>)
      "tpu.region"() ({
        %run_scoped3A_140 = tpu.sem_alloc : memref<!tpu.dma_semaphore, #tpu.memory_space<semaphore_mem>>
        %dma_start3A_141 = arith.constant 0 : i32
        %dma_start3A_142 = tpu.memref_slice %arg7[%add3A_109, %dma_start3A_141] : memref<64x80xi32, #tpu.memory_space<vmem>> -> memref<1x80xi32, #tpu.memory_space<vmem>>
        %dma_start3A_143 = tpu.memref_squeeze %dma_start3A_142 : memref<1x80xi32, #tpu.memory_space<vmem>> -> memref<80xi32, #tpu.memory_space<vmem>>
        %dma_start3A_144 = arith.constant 0 : i32
        %dma_start3A_145 = arith.constant 0 : i32
        %dma_start3A_146 = tpu.memref_slice %arg11[%dma_start3A_144, %dma_start3A_145] : memref<10000x128xf32, #tpu.memory_space<vmem_shared>> -> memref<10000x128xf32, #tpu.memory_space<vmem_shared>>
        tpu.enqueue_indirect_dma source(%arg9 : memref<80x128xf32, #tpu.memory_space<vmem>>) target(%dma_start3A_146 : memref<10000x128xf32, #tpu.memory_space<vmem_shared>>) offsets(%dma_start3A_143 : memref<80xi32, #tpu.memory_space<vmem>>) semaphore(%run_scoped3A_140 : memref<!tpu.dma_semaphore, #tpu.memory_space<semaphore_mem>>) {add = true}
        %dma_wait3A_147 = arith.constant 0 : i32
        %dma_wait3A_148 = tpu.memref_slice %arg7[%add3A_109, %dma_wait3A_147] : memref<64x80xi32, #tpu.memory_space<vmem>> -> memref<1x80xi32, #tpu.memory_space<vmem>>
        %dma_wait3A_149 = tpu.memref_squeeze %dma_wait3A_148 : memref<1x80xi32, #tpu.memory_space<vmem>> -> memref<80xi32, #tpu.memory_space<vmem>>
        %dma_wait3A_150 = arith.constant 0 : i32
        %dma_wait3A_151 = arith.constant 0 : i32
        %dma_wait3A_152 = tpu.memref_slice %arg11[%dma_wait3A_150, %dma_wait3A_151] : memref<10000x128xf32, #tpu.memory_space<vmem_shared>> -> memref<10000x128xf32, #tpu.memory_space<vmem_shared>>
        tpu.wait_indirect_dma semaphore(%run_scoped3A_140 : memref<!tpu.dma_semaphore, #tpu.memory_space<semaphore_mem>>) src(%arg9 : memref<80x128xf32, #tpu.memory_space<vmem>>) dst(%dma_wait3A_152 : memref<10000x128xf32, #tpu.memory_space<vmem_shared>>)
        tpu.yield
      }) : () -> ()
      %add3A_116 = arith.constant 3 : i32
      %add3A_117 = arith.addi %add3A_109, %add3A_116 : i32
      %lt3A_118 = arith.constant 61 : i32
      %lt3A_119 = arith.cmpi slt, %add3A_117, %lt3A_118 : i32
      %convert_element_type3A_120 = arith.extui %lt3A_119 : i1 to i32
      %cond3A_121 = arith.constant 0 : i32
      %cond3A_122 = arith.cmpi ne, %convert_element_type3A_120, %cond3A_121 : i32
      scf.if %cond3A_122 {
        %add3A_140 = arith.constant 3 : i32
        %add3A_141 = arith.addi %add3A_109, %add3A_140 : i32
        %dma_start3A_142 = arith.constant 0 : i32
        %dma_start3A_143 = tpu.memref_slice %arg6[%add3A_141, %dma_start3A_142] : memref<64x80xi32, #tpu.memory_space<vmem>> -> memref<1x80xi32, #tpu.memory_space<vmem>>
        %dma_start3A_144 = tpu.memref_squeeze %dma_start3A_143 : memref<1x80xi32, #tpu.memory_space<vmem>> -> memref<80xi32, #tpu.memory_space<vmem>>
        %dma_start3A_145 = arith.constant 0 : i32
        %dma_start3A_146 = arith.constant 0 : i32
        %dma_start3A_147 = tpu.memref_slice %arg2[%dma_start3A_145, %dma_start3A_146] : memref<10000x128xf32, #tpu.memory_space<hbm>> -> memref<10000x128xf32, #tpu.memory_space<hbm>>
        tpu.enqueue_indirect_dma source(%dma_start3A_147 : memref<10000x128xf32, #tpu.memory_space<hbm>>) target(%arg9 : memref<80x128xf32, #tpu.memory_space<vmem>>) offsets(%dma_start3A_144 : memref<80xi32, #tpu.memory_space<vmem>>) semaphore(%arg13 : memref<!tpu.dma_semaphore, #tpu.memory_space<semaphore_mem>>)
      } else {
      }
      %mul3A_123 = arith.constant 3 : i32
      %mul3A_124 = arith.muli %scan3A_88, %mul3A_123 : i32
      %add3A_125 = arith.constant 2 : i32
      %add3A_126 = arith.addi %mul3A_124, %add3A_125 : i32
      %dma_wait3A_127 = arith.constant 0 : i32
      %dma_wait3A_128 = tpu.memref_slice %arg6[%add3A_126, %dma_wait3A_127] : memref<64x80xi32, #tpu.memory_space<vmem>> -> memref<1x80xi32, #tpu.memory_space<vmem>>
      %dma_wait3A_129 = tpu.memref_squeeze %dma_wait3A_128 : memref<1x80xi32, #tpu.memory_space<vmem>> -> memref<80xi32, #tpu.memory_space<vmem>>
      %dma_wait3A_130 = arith.constant 0 : i32
      %dma_wait3A_131 = arith.constant 0 : i32
      %dma_wait3A_132 = tpu.memref_slice %arg2[%dma_wait3A_130, %dma_wait3A_131] : memref<10000x128xf32, #tpu.memory_space<hbm>> -> memref<10000x128xf32, #tpu.memory_space<hbm>>
      tpu.wait_indirect_dma semaphore(%arg14 : memref<!tpu.dma_semaphore, #tpu.memory_space<semaphore_mem>>) src(%dma_wait3A_132 : memref<10000x128xf32, #tpu.memory_space<hbm>>) dst(%arg10 : memref<80x128xf32, #tpu.memory_space<vmem>>)
      "tpu.region"() ({
        %run_scoped3A_140 = tpu.sem_alloc : memref<!tpu.dma_semaphore, #tpu.memory_space<semaphore_mem>>
        %dma_start3A_141 = arith.constant 0 : i32
        %dma_start3A_142 = tpu.memref_slice %arg7[%add3A_126, %dma_start3A_141] : memref<64x80xi32, #tpu.memory_space<vmem>> -> memref<1x80xi32, #tpu.memory_space<vmem>>
        %dma_start3A_143 = tpu.memref_squeeze %dma_start3A_142 : memref<1x80xi32, #tpu.memory_space<vmem>> -> memref<80xi32, #tpu.memory_space<vmem>>
        %dma_start3A_144 = arith.constant 0 : i32
        %dma_start3A_145 = arith.constant 0 : i32
        %dma_start3A_146 = tpu.memref_slice %arg11[%dma_start3A_144, %dma_start3A_145] : memref<10000x128xf32, #tpu.memory_space<vmem_shared>> -> memref<10000x128xf32, #tpu.memory_space<vmem_shared>>
        tpu.enqueue_indirect_dma source(%arg10 : memref<80x128xf32, #tpu.memory_space<vmem>>) target(%dma_start3A_146 : memref<10000x128xf32, #tpu.memory_space<vmem_shared>>) offsets(%dma_start3A_143 : memref<80xi32, #tpu.memory_space<vmem>>) semaphore(%run_scoped3A_140 : memref<!tpu.dma_semaphore, #tpu.memory_space<semaphore_mem>>) {add = true}
        %dma_wait3A_147 = arith.constant 0 : i32
        %dma_wait3A_148 = tpu.memref_slice %arg7[%add3A_126, %dma_wait3A_147] : memref<64x80xi32, #tpu.memory_space<vmem>> -> memref<1x80xi32, #tpu.memory_space<vmem>>
        %dma_wait3A_149 = tpu.memref_squeeze %dma_wait3A_148 : memref<1x80xi32, #tpu.memory_space<vmem>> -> memref<80xi32, #tpu.memory_space<vmem>>
        %dma_wait3A_150 = arith.constant 0 : i32
        %dma_wait3A_151 = arith.constant 0 : i32
        %dma_wait3A_152 = tpu.memref_slice %arg11[%dma_wait3A_150, %dma_wait3A_151] : memref<10000x128xf32, #tpu.memory_space<vmem_shared>> -> memref<10000x128xf32, #tpu.memory_space<vmem_shared>>
        tpu.wait_indirect_dma semaphore(%run_scoped3A_140 : memref<!tpu.dma_semaphore, #tpu.memory_space<semaphore_mem>>) src(%arg10 : memref<80x128xf32, #tpu.memory_space<vmem>>) dst(%dma_wait3A_152 : memref<10000x128xf32, #tpu.memory_space<vmem_shared>>)
        tpu.yield
      }) : () -> ()
      %add3A_133 = arith.constant 3 : i32
      %add3A_134 = arith.addi %add3A_126, %add3A_133 : i32
      %lt3A_135 = arith.constant 61 : i32
      %lt3A_136 = arith.cmpi slt, %add3A_134, %lt3A_135 : i32
      %convert_element_type3A_137 = arith.extui %lt3A_136 : i1 to i32
      %cond3A_138 = arith.constant 0 : i32
      %cond3A_139 = arith.cmpi ne, %convert_element_type3A_137, %cond3A_138 : i32
      scf.if %cond3A_139 {
        %add3A_140 = arith.constant 3 : i32
        %add3A_141 = arith.addi %add3A_126, %add3A_140 : i32
        %dma_start3A_142 = arith.constant 0 : i32
        %dma_start3A_143 = tpu.memref_slice %arg6[%add3A_141, %dma_start3A_142] : memref<64x80xi32, #tpu.memory_space<vmem>> -> memref<1x80xi32, #tpu.memory_space<vmem>>
        %dma_start3A_144 = tpu.memref_squeeze %dma_start3A_143 : memref<1x80xi32, #tpu.memory_space<vmem>> -> memref<80xi32, #tpu.memory_space<vmem>>
        %dma_start3A_145 = arith.constant 0 : i32
        %dma_start3A_146 = arith.constant 0 : i32
        %dma_start3A_147 = tpu.memref_slice %arg2[%dma_start3A_145, %dma_start3A_146] : memref<10000x128xf32, #tpu.memory_space<hbm>> -> memref<10000x128xf32, #tpu.memory_space<hbm>>
        tpu.enqueue_indirect_dma source(%dma_start3A_147 : memref<10000x128xf32, #tpu.memory_space<hbm>>) target(%arg10 : memref<80x128xf32, #tpu.memory_space<vmem>>) offsets(%dma_start3A_144 : memref<80xi32, #tpu.memory_space<vmem>>) semaphore(%arg14 : memref<!tpu.dma_semaphore, #tpu.memory_space<semaphore_mem>>)
      } else {
      }
    }
    %scan3A_68 = arith.constant 20 : i32
    %dma_wait3A_69 = arith.constant 60 : i32
    %dma_wait3A_70 = arith.constant 0 : i32
    %dma_wait3A_71 = tpu.memref_slice %arg6[%dma_wait3A_69, %dma_wait3A_70] : memref<64x80xi32, #tpu.memory_space<vmem>> -> memref<1x80xi32, #tpu.memory_space<vmem>>
    %dma_wait3A_72 = tpu.memref_squeeze %dma_wait3A_71 : memref<1x80xi32, #tpu.memory_space<vmem>> -> memref<80xi32, #tpu.memory_space<vmem>>
    %dma_wait3A_73 = arith.constant 0 : i32
    %dma_wait3A_74 = arith.constant 0 : i32
    %dma_wait3A_75 = tpu.memref_slice %arg2[%dma_wait3A_73, %dma_wait3A_74] : memref<10000x128xf32, #tpu.memory_space<hbm>> -> memref<10000x128xf32, #tpu.memory_space<hbm>>
    tpu.wait_indirect_dma semaphore(%arg12 : memref<!tpu.dma_semaphore, #tpu.memory_space<semaphore_mem>>) src(%dma_wait3A_75 : memref<10000x128xf32, #tpu.memory_space<hbm>>) dst(%arg8 : memref<80x128xf32, #tpu.memory_space<vmem>>)
    %run_scoped3A_76 = arith.constant 60 : i32
    "tpu.region"() ({
      %run_scoped3A_88 = tpu.sem_alloc : memref<!tpu.dma_semaphore, #tpu.memory_space<semaphore_mem>>
      %dma_start3A_89 = arith.constant 0 : i32
      %dma_start3A_90 = tpu.memref_slice %arg7[%run_scoped3A_76, %dma_start3A_89] : memref<64x80xi32, #tpu.memory_space<vmem>> -> memref<1x80xi32, #tpu.memory_space<vmem>>
      %dma_start3A_91 = tpu.memref_squeeze %dma_start3A_90 : memref<1x80xi32, #tpu.memory_space<vmem>> -> memref<80xi32, #tpu.memory_space<vmem>>
      %dma_start3A_92 = arith.constant 0 : i32
      %dma_start3A_93 = arith.constant 0 : i32
      %dma_start3A_94 = tpu.memref_slice %arg11[%dma_start3A_92, %dma_start3A_93] : memref<10000x128xf32, #tpu.memory_space<vmem_shared>> -> memref<10000x128xf32, #tpu.memory_space<vmem_shared>>
      tpu.enqueue_indirect_dma source(%arg8 : memref<80x128xf32, #tpu.memory_space<vmem>>) target(%dma_start3A_94 : memref<10000x128xf32, #tpu.memory_space<vmem_shared>>) offsets(%dma_start3A_91 : memref<80xi32, #tpu.memory_space<vmem>>) semaphore(%run_scoped3A_88 : memref<!tpu.dma_semaphore, #tpu.memory_space<semaphore_mem>>) {add = true}
      %dma_wait3A_95 = arith.constant 0 : i32
      %dma_wait3A_96 = tpu.memref_slice %arg7[%run_scoped3A_76, %dma_wait3A_95] : memref<64x80xi32, #tpu.memory_space<vmem>> -> memref<1x80xi32, #tpu.memory_space<vmem>>
      %dma_wait3A_97 = tpu.memref_squeeze %dma_wait3A_96 : memref<1x80xi32, #tpu.memory_space<vmem>> -> memref<80xi32, #tpu.memory_space<vmem>>
      %dma_wait3A_98 = arith.constant 0 : i32
      %dma_wait3A_99 = arith.constant 0 : i32
      %dma_wait3A_100 = tpu.memref_slice %arg11[%dma_wait3A_98, %dma_wait3A_99] : memref<10000x128xf32, #tpu.memory_space<vmem_shared>> -> memref<10000x128xf32, #tpu.memory_space<vmem_shared>>
      tpu.wait_indirect_dma semaphore(%run_scoped3A_88 : memref<!tpu.dma_semaphore, #tpu.memory_space<semaphore_mem>>) src(%arg8 : memref<80x128xf32, #tpu.memory_space<vmem>>) dst(%dma_wait3A_100 : memref<10000x128xf32, #tpu.memory_space<vmem_shared>>)
      tpu.yield
    }) : () -> ()
    %barrier3A_77 = arith.constant 0 : index
    tpu.barrier barrier_id(%barrier3A_77)
    %lt3A_78 = arith.constant 15 : i32
    %lt3A_79 = arith.cmpi slt, %arg1, %lt3A_78 : i32
    %convert_element_type3A_80 = arith.extui %lt3A_79 : i1 to i32
    %cond3A_81 = arith.constant 0 : i32
    %cond3A_82 = arith.cmpi ne, %convert_element_type3A_80, %cond3A_81 : i32
    scf.if %cond3A_82 {
      %mul3A_88 = arith.constant 624 : i32
      %mul3A_89 = arith.muli %arg1, %mul3A_88 : i32
      %mul3A_90 = arith.constant 624 : i32
      %mul3A_91 = arith.muli %arg1, %mul3A_90 : i32
      "tpu.region"() ({
        %run_scoped3A_92 = tpu.sem_alloc : memref<!tpu.dma_semaphore, #tpu.memory_space<semaphore_mem>>
        %dma_start3A_93 = arith.constant 0 : i32
        %dma_start3A_94 = tpu.memref_slice %arg5[%arg0, %mul3A_91, %dma_start3A_93] : memref<2x10000x128xf32, #tpu.memory_space<hbm>> -> memref<1x624x128xf32, #tpu.memory_space<hbm>>
        %dma_start3A_95 = tpu.memref_squeeze %dma_start3A_94 : memref<1x624x128xf32, #tpu.memory_space<hbm>> -> memref<624x128xf32, #tpu.memory_space<hbm>>
        %dma_start3A_96 = arith.constant 0 : i32
        %dma_start3A_97 = tpu.memref_slice %arg11[%mul3A_89, %dma_start3A_96] : memref<10000x128xf32, #tpu.memory_space<vmem_shared>> -> memref<624x128xf32, #tpu.memory_space<vmem_shared>>
        tpu.enqueue_dma source(%dma_start3A_97 : memref<624x128xf32, #tpu.memory_space<vmem_shared>>) target(%dma_start3A_95 : memref<624x128xf32, #tpu.memory_space<hbm>>) target_semaphore(%run_scoped3A_92 : memref<!tpu.dma_semaphore, #tpu.memory_space<semaphore_mem>>)
        %dma_wait3A_98 = arith.constant 0 : i32
        %dma_wait3A_99 = tpu.memref_slice %arg5[%arg0, %mul3A_91, %dma_wait3A_98] : memref<2x10000x128xf32, #tpu.memory_space<hbm>> -> memref<1x624x128xf32, #tpu.memory_space<hbm>>
        %dma_wait3A_100 = tpu.memref_squeeze %dma_wait3A_99 : memref<1x624x128xf32, #tpu.memory_space<hbm>> -> memref<624x128xf32, #tpu.memory_space<hbm>>
        %dma_wait3A_101 = arith.constant 0 : i32
        %dma_wait3A_102 = tpu.memref_slice %arg11[%mul3A_89, %dma_wait3A_101] : memref<10000x128xf32, #tpu.memory_space<vmem_shared>> -> memref<624x128xf32, #tpu.memory_space<vmem_shared>>
        tpu.wait_dma2 semaphore(%run_scoped3A_92 : memref<!tpu.dma_semaphore, #tpu.memory_space<semaphore_mem>>) src(%dma_wait3A_102 : memref<624x128xf32, #tpu.memory_space<vmem_shared>>) dst(%dma_wait3A_100 : memref<624x128xf32, #tpu.memory_space<hbm>>)
        tpu.yield
      }) : () -> ()
    } else {
    }
    %eq3A_83 = arith.constant 15 : i32
    %eq3A_84 = arith.cmpi eq, %arg1, %eq3A_83 : i32
    %convert_element_type3A_85 = arith.extui %eq3A_84 : i1 to i32
    %cond3A_86 = arith.constant 0 : i32
    %cond3A_87 = arith.cmpi ne, %convert_element_type3A_85, %cond3A_86 : i32
    scf.if %cond3A_87 {
      "tpu.region"() ({
        %run_scoped3A_88 = tpu.sem_alloc : memref<!tpu.dma_semaphore, #tpu.memory_space<semaphore_mem>>
        %dma_start3A_89 = arith.constant 9360 : i32
        %dma_start3A_90 = arith.constant 0 : i32
        %dma_start3A_91 = tpu.memref_slice %arg5[%arg0, %dma_start3A_89, %dma_start3A_90] : memref<2x10000x128xf32, #tpu.memory_space<hbm>> -> memref<1x640x128xf32, #tpu.memory_space<hbm>>
        %dma_start3A_92 = tpu.memref_squeeze %dma_start3A_91 : memref<1x640x128xf32, #tpu.memory_space<hbm>> -> memref<640x128xf32, #tpu.memory_space<hbm>>
        %dma_start3A_93 = arith.constant 9360 : i32
        %dma_start3A_94 = arith.constant 0 : i32
        %dma_start3A_95 = tpu.memref_slice %arg11[%dma_start3A_93, %dma_start3A_94] : memref<10000x128xf32, #tpu.memory_space<vmem_shared>> -> memref<640x128xf32, #tpu.memory_space<vmem_shared>>
        tpu.enqueue_dma source(%dma_start3A_95 : memref<640x128xf32, #tpu.memory_space<vmem_shared>>) target(%dma_start3A_92 : memref<640x128xf32, #tpu.memory_space<hbm>>) target_semaphore(%run_scoped3A_88 : memref<!tpu.dma_semaphore, #tpu.memory_space<semaphore_mem>>)
        %dma_wait3A_96 = arith.constant 9360 : i32
        %dma_wait3A_97 = arith.constant 0 : i32
        %dma_wait3A_98 = tpu.memref_slice %arg5[%arg0, %dma_wait3A_96, %dma_wait3A_97] : memref<2x10000x128xf32, #tpu.memory_space<hbm>> -> memref<1x640x128xf32, #tpu.memory_space<hbm>>
        %dma_wait3A_99 = tpu.memref_squeeze %dma_wait3A_98 : memref<1x640x128xf32, #tpu.memory_space<hbm>> -> memref<640x128xf32, #tpu.memory_space<hbm>>
        %dma_wait3A_100 = arith.constant 9360 : i32
        %dma_wait3A_101 = arith.constant 0 : i32
        %dma_wait3A_102 = tpu.memref_slice %arg11[%dma_wait3A_100, %dma_wait3A_101] : memref<10000x128xf32, #tpu.memory_space<vmem_shared>> -> memref<640x128xf32, #tpu.memory_space<vmem_shared>>
        tpu.wait_dma2 semaphore(%run_scoped3A_88 : memref<!tpu.dma_semaphore, #tpu.memory_space<semaphore_mem>>) src(%dma_wait3A_102 : memref<640x128xf32, #tpu.memory_space<vmem_shared>>) dst(%dma_wait3A_99 : memref<640x128xf32, #tpu.memory_space<hbm>>)
        tpu.yield
      }) : () -> ()
    } else {
    }
    return
  }
}

module attributes {stable_mosaic.version = 14 : i64} {
  func.func @_pre_body(%arg0: i32, %arg1: memref<2000x128xf32, #tpu.memory_space<vmem>>, %arg2: memref<128x128xf32, #tpu.memory_space<vmem>>, %arg3: memref<1x128xf32, #tpu.memory_space<vmem>>, %arg4: memref<2000x128xf32, #tpu.memory_space<vmem>>) attributes {dimension_semantics = [#tpu.dimension_semantics<arbitrary>], iteration_bounds = array<i64: 5>, scalar_prefetch = 0 : i64, scratch_operands = 0 : i64, tpu.core_type = #tpu.core_type<tc>, window_params = [{transform_indices = @transform_0, window_bounds = array<i64: 2000, 128>}, {pipeline_mode = #tpu.pipeline_mode<synchronous>, transform_indices = @transform_1, window_bounds = array<i64: 128, 128>}, {pipeline_mode = #tpu.pipeline_mode<synchronous>, transform_indices = @transform_2, window_bounds = array<i64: 1, 128>}, {transform_indices = @transform_3, window_bounds = array<i64: 2000, 128>}]} {
    %get3A = arith.constant 0 : index
    %get3A_0 = arith.constant 0 : index
    %get3A_1 = vector.load %arg1[%get3A, %get3A_0] : memref<2000x128xf32, #tpu.memory_space<vmem>>, vector<2000x128xf32>
    %get3A_2 = arith.constant 0 : index
    %get3A_3 = arith.constant 0 : index
    %get3A_4 = vector.load %arg2[%get3A_2, %get3A_3] : memref<128x128xf32, #tpu.memory_space<vmem>>, vector<128x128xf32>
    %dot_general3A = arith.constant dense<0.000000e+00> : vector<2000x128xf32>
    %dot_general3A_5 = tpu.matmul %get3A_1, %get3A_4, %dot_general3A {dimension_numbers = #tpu.dot_dimension_numbers<[1], [0], [0], [1], [0, 0, 1, 1], [], []>, transpose_lhs_hint = false} : vector<2000x128xf32>, vector<128x128xf32>, vector<2000x128xf32> -> vector<2000x128xf32>
    %get3A_6 = arith.constant 0 : index
    %get3A_7 = arith.constant 0 : index
    %get3A_8 = vector.load %arg3[%get3A_6, %get3A_7] : memref<1x128xf32, #tpu.memory_space<vmem>>, vector<1x128xf32>
    %add3A = vector.broadcast %get3A_8 : vector<1x128xf32> to vector<2000x128xf32>
    %add3A_9 = arith.addf %dot_general3A_5, %add3A : vector<2000x128xf32>
    %swap3A = arith.constant 0 : index
    %swap3A_10 = arith.constant 0 : index
    %swap3A_11 = vector.load %arg4[%swap3A, %swap3A_10] : memref<2000x128xf32, #tpu.memory_space<vmem>>, vector<2000x128xf32>
    tpu.vector_store %arg4[%swap3A, %swap3A_10], %add3A_9 {strides = array<i32>} : memref<2000x128xf32, #tpu.memory_space<vmem>>, vector<2000x128xf32>,
    return
  }
  func.func @transform_0(%arg0: i32) -> (i32, i32) {
    %c0_i32 = arith.constant 0 : i32
    %c0_i32_0 = arith.constant 0 : i32
    return %arg0, %c0_i32 : i32, i32
  }
  func.func @transform_1(%arg0: i32) -> (i32, i32) {
    %c0_i32 = arith.constant 0 : i32
    %c0_i32_0 = arith.constant 0 : i32
    %c0_i32_1 = arith.constant 0 : i32
    return %c0_i32, %c0_i32_0 : i32, i32
  }
  func.func @transform_2(%arg0: i32) -> (i32, i32) {
    %c0_i32 = arith.constant 0 : i32
    %c0_i32_0 = arith.constant 0 : i32
    %c0_i32_1 = arith.constant 0 : i32
    return %c0_i32, %c0_i32_0 : i32, i32
  }
  func.func @transform_3(%arg0: i32) -> (i32, i32) {
    %c0_i32 = arith.constant 0 : i32
    %c0_i32_0 = arith.constant 0 : i32
    return %arg0, %c0_i32 : i32, i32
  }
}

module attributes {stable_mosaic.version = 14 : i64} {
  func.func @_layer_body(%arg0: i32, %arg1: memref<2000x128xf32, #tpu.memory_space<vmem>>, %arg2: memref<2x2000x128xf32, #tpu.memory_space<vmem>>, %arg3: memref<128x128xf32, #tpu.memory_space<vmem>>, %arg4: memref<256x128xf32, #tpu.memory_space<vmem>>, %arg5: memref<1x128xf32, #tpu.memory_space<vmem>>, %arg6: memref<128x128xf32, #tpu.memory_space<vmem>>, %arg7: memref<1x128xf32, #tpu.memory_space<vmem>>, %arg8: memref<8x128xf32, #tpu.memory_space<vmem>>, %arg9: memref<2000x128xf32, #tpu.memory_space<vmem>>) attributes {dimension_semantics = [#tpu.dimension_semantics<arbitrary>], iteration_bounds = array<i64: 5>, scalar_prefetch = 0 : i64, scratch_operands = 0 : i64, tpu.core_type = #tpu.core_type<tc>, window_params = [{transform_indices = @transform_0, window_bounds = array<i64: 2000, 128>}, {transform_indices = @transform_1, window_bounds = array<i64: 2, 2000, 128>}, {pipeline_mode = #tpu.pipeline_mode<synchronous>, transform_indices = @transform_2, window_bounds = array<i64: 128, 128>}, {pipeline_mode = #tpu.pipeline_mode<synchronous>, transform_indices = @transform_3, window_bounds = array<i64: 256, 128>}, {pipeline_mode = #tpu.pipeline_mode<synchronous>, transform_indices = @transform_4, window_bounds = array<i64: 1, 128>}, {pipeline_mode = #tpu.pipeline_mode<synchronous>, transform_indices = @transform_5, window_bounds = array<i64: 128, 128>}, {pipeline_mode = #tpu.pipeline_mode<synchronous>, transform_indices = @transform_6, window_bounds = array<i64: 1, 128>}, {pipeline_mode = #tpu.pipeline_mode<synchronous>, transform_indices = @transform_7, window_bounds = array<i64: 8, 128>}, {transform_indices = @transform_8, window_bounds = array<i64: 2000, 128>}]} {
    %get3A = arith.constant 0 : index
    %get3A_0 = arith.constant 0 : index
    %get3A_1 = vector.load %arg1[%get3A, %get3A_0] : memref<2000x128xf32, #tpu.memory_space<vmem>>, vector<2000x128xf32>
    %get3A_2 = arith.constant 0 : index
    %get3A_3 = arith.constant 0 : index
    %get3A_4 = arith.constant 0 : index
    %get3A_5 = vector.load %arg2[%get3A_2, %get3A_3, %get3A_4] : memref<2x2000x128xf32, #tpu.memory_space<vmem>>, vector<1x2000x128xf32>
    %get3A_6 = vector.shape_cast %get3A_5 : vector<1x2000x128xf32> to vector<2000x128xf32>
    %get3A_7 = arith.constant 1 : index
    %get3A_8 = arith.constant 0 : index
    %get3A_9 = arith.constant 0 : index
    %get3A_10 = vector.load %arg2[%get3A_7, %get3A_8, %get3A_9] : memref<2x2000x128xf32, #tpu.memory_space<vmem>>, vector<1x2000x128xf32>
    %get3A_11 = vector.shape_cast %get3A_10 : vector<1x2000x128xf32> to vector<2000x128xf32>
    %add3A = arith.addf %get3A_6, %get3A_11 : vector<2000x128xf32>
    %get3A_12 = arith.constant 0 : index
    %get3A_13 = arith.constant 0 : index
    %get3A_14 = vector.load %arg3[%get3A_12, %get3A_13] : memref<128x128xf32, #tpu.memory_space<vmem>>, vector<128x128xf32>
    %dot_general3A = arith.constant dense<0.000000e+00> : vector<2000x128xf32>
    %dot_general3A_15 = tpu.matmul %add3A, %get3A_14, %dot_general3A {dimension_numbers = #tpu.dot_dimension_numbers<[1], [0], [0], [1], [0, 0, 1, 1], [], []>, transpose_lhs_hint = false} : vector<2000x128xf32>, vector<128x128xf32>, vector<2000x128xf32> -> vector<2000x128xf32>
    %get3A_16 = arith.constant 0 : index
    %get3A_17 = arith.constant 0 : index
    %get3A_18 = vector.load %arg4[%get3A_16, %get3A_17] : memref<256x128xf32, #tpu.memory_space<vmem>>, vector<128x128xf32>
    %dot_general3A_19 = arith.constant dense<0.000000e+00> : vector<2000x128xf32>
    %dot_general3A_20 = tpu.matmul %get3A_1, %get3A_18, %dot_general3A_19 {dimension_numbers = #tpu.dot_dimension_numbers<[1], [0], [0], [1], [0, 0, 1, 1], [], []>, transpose_lhs_hint = false} : vector<2000x128xf32>, vector<128x128xf32>, vector<2000x128xf32> -> vector<2000x128xf32>
    %get3A_21 = arith.constant 128 : index
    %get3A_22 = arith.constant 0 : index
    %get3A_23 = vector.load %arg4[%get3A_21, %get3A_22] : memref<256x128xf32, #tpu.memory_space<vmem>>, vector<128x128xf32>
    %dot_general3A_24 = arith.constant dense<0.000000e+00> : vector<2000x128xf32>
    %dot_general3A_25 = tpu.matmul %dot_general3A_15, %get3A_23, %dot_general3A_24 {dimension_numbers = #tpu.dot_dimension_numbers<[1], [0], [0], [1], [0, 0, 1, 1], [], []>, transpose_lhs_hint = false} : vector<2000x128xf32>, vector<128x128xf32>, vector<2000x128xf32> -> vector<2000x128xf32>
    %add3A_26 = arith.addf %dot_general3A_20, %dot_general3A_25 : vector<2000x128xf32>
    %get3A_27 = arith.constant 0 : index
    %get3A_28 = arith.constant 0 : index
    %get3A_29 = vector.load %arg5[%get3A_27, %get3A_28] : memref<1x128xf32, #tpu.memory_space<vmem>>, vector<1x128xf32>
    %add3A_30 = vector.broadcast %get3A_29 : vector<1x128xf32> to vector<2000x128xf32>
    %add3A_31 = arith.addf %add3A_26, %add3A_30 : vector<2000x128xf32>
    %max3A = arith.constant 0.000000e+00 : f32
    %max3A_32 = vector.broadcast %max3A : f32 to vector<2000x128xf32>
    %max3A_33 = arith.maximumf %add3A_31, %max3A_32 : vector<2000x128xf32>
    %get3A_34 = arith.constant 0 : index
    %get3A_35 = arith.constant 0 : index
    %get3A_36 = vector.load %arg6[%get3A_34, %get3A_35] : memref<128x128xf32, #tpu.memory_space<vmem>>, vector<128x128xf32>
    %dot_general3A_37 = arith.constant dense<0.000000e+00> : vector<2000x128xf32>
    %dot_general3A_38 = tpu.matmul %max3A_33, %get3A_36, %dot_general3A_37 {dimension_numbers = #tpu.dot_dimension_numbers<[1], [0], [0], [1], [0, 0, 1, 1], [], []>, transpose_lhs_hint = false} : vector<2000x128xf32>, vector<128x128xf32>, vector<2000x128xf32> -> vector<2000x128xf32>
    %get3A_39 = arith.constant 0 : index
    %get3A_40 = arith.constant 0 : index
    %get3A_41 = vector.load %arg7[%get3A_39, %get3A_40] : memref<1x128xf32, #tpu.memory_space<vmem>>, vector<1x128xf32>
    %add3A_42 = vector.broadcast %get3A_41 : vector<1x128xf32> to vector<2000x128xf32>
    %add3A_43 = arith.addf %dot_general3A_38, %add3A_42 : vector<2000x128xf32>
    %max3A_44 = arith.constant 0.000000e+00 : f32
    %max3A_45 = vector.broadcast %max3A_44 : f32 to vector<2000x128xf32>
    %max3A_46 = arith.maximumf %add3A_43, %max3A_45 : vector<2000x128xf32>
    %get3A_47 = arith.constant 0 : index
    %get3A_48 = arith.constant 0 : index
    %get3A_49 = vector.load %arg8[%get3A_47, %get3A_48] : memref<8x128xf32, #tpu.memory_space<vmem>>, vector<8x128xf32>
    %dot_general3A_50 = arith.constant dense<0.000000e+00> : vector<2000x8xf32>
    %dot_general3A_51 = tpu.matmul %max3A_46, %get3A_49, %dot_general3A_50 {dimension_numbers = #tpu.dot_dimension_numbers<[1], [1], [0], [0], [0, 0, 1, 0], [], []>, transpose_lhs_hint = false} : vector<2000x128xf32>, vector<8x128xf32>, vector<2000x8xf32> -> vector<2000x8xf32>
    %reduce_max3A = arith.constant dense<0xFF800000> : vector<2000xf32>
    %reduce_max3A_52 = vector.multi_reduction <maximumf>, %dot_general3A_51, %reduce_max3A [1] : vector<2000x8xf32> to vector<2000xf32>
    %broadcast_in_dim3A = vector.shape_cast %reduce_max3A_52 : vector<2000xf32> to vector<2000x1xf32>
    %sub3A = vector.broadcast %broadcast_in_dim3A : vector<2000x1xf32> to vector<2000x8xf32>
    %sub3A_53 = arith.subf %dot_general3A_51, %sub3A : vector<2000x8xf32>
    %exp3A = math.exp %sub3A_53 : vector<2000x8xf32>
    %reduce_sum3A = arith.constant dense<0.000000e+00> : vector<2000xf32>
    %reduce_sum3A_54 = vector.multi_reduction <add>, %exp3A, %reduce_sum3A [1] : vector<2000x8xf32> to vector<2000xf32>
    %broadcast_in_dim3A_55 = vector.shape_cast %reduce_sum3A_54 : vector<2000xf32> to vector<2000x1xf32>
    %div3A = vector.broadcast %broadcast_in_dim3A_55 : vector<2000x1xf32> to vector<2000x8xf32>
    %div3A_56 = arith.divf %exp3A, %div3A : vector<2000x8xf32>
    %dot_general3A_57 = arith.constant dense<0.000000e+00> : vector<2000x128xf32>
    %dot_general3A_58 = tpu.matmul %div3A_56, %get3A_49, %dot_general3A_57 {dimension_numbers = #tpu.dot_dimension_numbers<[1], [0], [0], [1], [0, 0, 1, 1], [], []>, transpose_lhs_hint = false} : vector<2000x8xf32>, vector<8x128xf32>, vector<2000x128xf32> -> vector<2000x128xf32>
    %swap3A = arith.constant 0 : index
    %swap3A_59 = arith.constant 0 : index
    %swap3A_60 = vector.load %arg9[%swap3A, %swap3A_59] : memref<2000x128xf32, #tpu.memory_space<vmem>>, vector<2000x128xf32>
    tpu.vector_store %arg9[%swap3A, %swap3A_59], %dot_general3A_58 {strides = array<i32>} : memref<2000x128xf32, #tpu.memory_space<vmem>>, vector<2000x128xf32>,
    return
  }
  func.func @transform_0(%arg0: i32) -> (i32, i32) {
    %c0_i32 = arith.constant 0 : i32
    %c0_i32_0 = arith.constant 0 : i32
    return %arg0, %c0_i32 : i32, i32
  }
  func.func @transform_1(%arg0: i32) -> (i32, i32, i32) {
    %c0_i32 = arith.constant 0 : i32
    %c0_i32_0 = arith.constant 0 : i32
    %c0_i32_1 = arith.constant 0 : i32
    return %c0_i32, %arg0, %c0_i32_0 : i32, i32, i32
  }
  func.func @transform_2(%arg0: i32) -> (i32, i32) {
    %c0_i32 = arith.constant 0 : i32
    %c0_i32_0 = arith.constant 0 : i32
    %c0_i32_1 = arith.constant 0 : i32
    return %c0_i32, %c0_i32_0 : i32, i32
  }
  func.func @transform_3(%arg0: i32) -> (i32, i32) {
    %c0_i32 = arith.constant 0 : i32
    %c0_i32_0 = arith.constant 0 : i32
    %c0_i32_1 = arith.constant 0 : i32
    return %c0_i32, %c0_i32_0 : i32, i32
  }
  func.func @transform_4(%arg0: i32) -> (i32, i32) {
    %c0_i32 = arith.constant 0 : i32
    %c0_i32_0 = arith.constant 0 : i32
    %c0_i32_1 = arith.constant 0 : i32
    return %c0_i32, %c0_i32_0 : i32, i32
  }
  func.func @transform_5(%arg0: i32) -> (i32, i32) {
    %c0_i32 = arith.constant 0 : i32
    %c0_i32_0 = arith.constant 0 : i32
    %c0_i32_1 = arith.constant 0 : i32
    return %c0_i32, %c0_i32_0 : i32, i32
  }
  func.func @transform_6(%arg0: i32) -> (i32, i32) {
    %c0_i32 = arith.constant 0 : i32
    %c0_i32_0 = arith.constant 0 : i32
    %c0_i32_1 = arith.constant 0 : i32
    return %c0_i32, %c0_i32_0 : i32, i32
  }
  func.func @transform_7(%arg0: i32) -> (i32, i32) {
    %c0_i32 = arith.constant 0 : i32
    %c0_i32_0 = arith.constant 0 : i32
    %c0_i32_1 = arith.constant 0 : i32
    return %c0_i32, %c0_i32_0 : i32, i32
  }
  func.func @transform_8(%arg0: i32) -> (i32, i32) {
    %c0_i32 = arith.constant 0 : i32
    %c0_i32_0 = arith.constant 0 : i32
    return %arg0, %c0_i32 : i32, i32
  }
}

module attributes {stable_mosaic.version = 14 : i64} {
  func.func @_final_body(%arg0: i32, %arg1: memref<2000x128xf32, #tpu.memory_space<vmem>>, %arg2: memref<2x2000x128xf32, #tpu.memory_space<vmem>>, %arg3: memref<256x128xf32, #tpu.memory_space<vmem>>, %arg4: memref<1x128xf32, #tpu.memory_space<vmem>>, %arg5: memref<128x128xf32, #tpu.memory_space<vmem>>, %arg6: memref<1x128xf32, #tpu.memory_space<vmem>>, %arg7: memref<8x128xf32, #tpu.memory_space<vmem>>, %arg8: memref<256x40xf32, #tpu.memory_space<vmem>>, %arg9: memref<1x40xf32, #tpu.memory_space<vmem>>, %arg10: memref<2000x40xf32, #tpu.memory_space<vmem>>) attributes {dimension_semantics = [#tpu.dimension_semantics<arbitrary>], iteration_bounds = array<i64: 5>, scalar_prefetch = 0 : i64, scratch_operands = 0 : i64, tpu.core_type = #tpu.core_type<tc>, window_params = [{transform_indices = @transform_0, window_bounds = array<i64: 2000, 128>}, {transform_indices = @transform_1, window_bounds = array<i64: 2, 2000, 128>}, {pipeline_mode = #tpu.pipeline_mode<synchronous>, transform_indices = @transform_2, window_bounds = array<i64: 256, 128>}, {pipeline_mode = #tpu.pipeline_mode<synchronous>, transform_indices = @transform_3, window_bounds = array<i64: 1, 128>}, {pipeline_mode = #tpu.pipeline_mode<synchronous>, transform_indices = @transform_4, window_bounds = array<i64: 128, 128>}, {pipeline_mode = #tpu.pipeline_mode<synchronous>, transform_indices = @transform_5, window_bounds = array<i64: 1, 128>}, {pipeline_mode = #tpu.pipeline_mode<synchronous>, transform_indices = @transform_6, window_bounds = array<i64: 8, 128>}, {pipeline_mode = #tpu.pipeline_mode<synchronous>, transform_indices = @transform_7, window_bounds = array<i64: 256, 40>}, {pipeline_mode = #tpu.pipeline_mode<synchronous>, transform_indices = @transform_8, window_bounds = array<i64: 1, 40>}, {transform_indices = @transform_9, window_bounds = array<i64: 2000, 40>}]} {
    %get3A = arith.constant 0 : index
    %get3A_0 = arith.constant 0 : index
    %get3A_1 = vector.load %arg1[%get3A, %get3A_0] : memref<2000x128xf32, #tpu.memory_space<vmem>>, vector<2000x128xf32>
    %get3A_2 = arith.constant 0 : index
    %get3A_3 = arith.constant 0 : index
    %get3A_4 = arith.constant 0 : index
    %get3A_5 = vector.load %arg2[%get3A_2, %get3A_3, %get3A_4] : memref<2x2000x128xf32, #tpu.memory_space<vmem>>, vector<1x2000x128xf32>
    %get3A_6 = vector.shape_cast %get3A_5 : vector<1x2000x128xf32> to vector<2000x128xf32>
    %get3A_7 = arith.constant 1 : index
    %get3A_8 = arith.constant 0 : index
    %get3A_9 = arith.constant 0 : index
    %get3A_10 = vector.load %arg2[%get3A_7, %get3A_8, %get3A_9] : memref<2x2000x128xf32, #tpu.memory_space<vmem>>, vector<1x2000x128xf32>
    %get3A_11 = vector.shape_cast %get3A_10 : vector<1x2000x128xf32> to vector<2000x128xf32>
    %add3A = arith.addf %get3A_6, %get3A_11 : vector<2000x128xf32>
    %get3A_12 = arith.constant 0 : index
    %get3A_13 = arith.constant 0 : index
    %get3A_14 = vector.load %arg3[%get3A_12, %get3A_13] : memref<256x128xf32, #tpu.memory_space<vmem>>, vector<128x128xf32>
    %dot_general3A = arith.constant dense<0.000000e+00> : vector<2000x128xf32>
    %dot_general3A_15 = tpu.matmul %get3A_1, %get3A_14, %dot_general3A {dimension_numbers = #tpu.dot_dimension_numbers<[1], [0], [0], [1], [0, 0, 1, 1], [], []>, transpose_lhs_hint = false} : vector<2000x128xf32>, vector<128x128xf32>, vector<2000x128xf32> -> vector<2000x128xf32>
    %get3A_16 = arith.constant 128 : index
    %get3A_17 = arith.constant 0 : index
    %get3A_18 = vector.load %arg3[%get3A_16, %get3A_17] : memref<256x128xf32, #tpu.memory_space<vmem>>, vector<128x128xf32>
    %dot_general3A_19 = arith.constant dense<0.000000e+00> : vector<2000x128xf32>
    %dot_general3A_20 = tpu.matmul %add3A, %get3A_18, %dot_general3A_19 {dimension_numbers = #tpu.dot_dimension_numbers<[1], [0], [0], [1], [0, 0, 1, 1], [], []>, transpose_lhs_hint = false} : vector<2000x128xf32>, vector<128x128xf32>, vector<2000x128xf32> -> vector<2000x128xf32>
    %add3A_21 = arith.addf %dot_general3A_15, %dot_general3A_20 : vector<2000x128xf32>
    %get3A_22 = arith.constant 0 : index
    %get3A_23 = arith.constant 0 : index
    %get3A_24 = vector.load %arg4[%get3A_22, %get3A_23] : memref<1x128xf32, #tpu.memory_space<vmem>>, vector<1x128xf32>
    %add3A_25 = vector.broadcast %get3A_24 : vector<1x128xf32> to vector<2000x128xf32>
    %add3A_26 = arith.addf %add3A_21, %add3A_25 : vector<2000x128xf32>
    %max3A = arith.constant 0.000000e+00 : f32
    %max3A_27 = vector.broadcast %max3A : f32 to vector<2000x128xf32>
    %max3A_28 = arith.maximumf %add3A_26, %max3A_27 : vector<2000x128xf32>
    %get3A_29 = arith.constant 0 : index
    %get3A_30 = arith.constant 0 : index
    %get3A_31 = vector.load %arg5[%get3A_29, %get3A_30] : memref<128x128xf32, #tpu.memory_space<vmem>>, vector<128x128xf32>
    %dot_general3A_32 = arith.constant dense<0.000000e+00> : vector<2000x128xf32>
    %dot_general3A_33 = tpu.matmul %max3A_28, %get3A_31, %dot_general3A_32 {dimension_numbers = #tpu.dot_dimension_numbers<[1], [0], [0], [1], [0, 0, 1, 1], [], []>, transpose_lhs_hint = false} : vector<2000x128xf32>, vector<128x128xf32>, vector<2000x128xf32> -> vector<2000x128xf32>
    %get3A_34 = arith.constant 0 : index
    %get3A_35 = arith.constant 0 : index
    %get3A_36 = vector.load %arg6[%get3A_34, %get3A_35] : memref<1x128xf32, #tpu.memory_space<vmem>>, vector<1x128xf32>
    %add3A_37 = vector.broadcast %get3A_36 : vector<1x128xf32> to vector<2000x128xf32>
    %add3A_38 = arith.addf %dot_general3A_33, %add3A_37 : vector<2000x128xf32>
    %max3A_39 = arith.constant 0.000000e+00 : f32
    %max3A_40 = vector.broadcast %max3A_39 : f32 to vector<2000x128xf32>
    %max3A_41 = arith.maximumf %add3A_38, %max3A_40 : vector<2000x128xf32>
    %get3A_42 = arith.constant 0 : index
    %get3A_43 = arith.constant 0 : index
    %get3A_44 = vector.load %arg7[%get3A_42, %get3A_43] : memref<8x128xf32, #tpu.memory_space<vmem>>, vector<8x128xf32>
    %dot_general3A_45 = arith.constant dense<0.000000e+00> : vector<2000x8xf32>
    %dot_general3A_46 = tpu.matmul %max3A_41, %get3A_44, %dot_general3A_45 {dimension_numbers = #tpu.dot_dimension_numbers<[1], [1], [0], [0], [0, 0, 1, 0], [], []>, transpose_lhs_hint = false} : vector<2000x128xf32>, vector<8x128xf32>, vector<2000x8xf32> -> vector<2000x8xf32>
    %reduce_max3A = arith.constant dense<0xFF800000> : vector<2000xf32>
    %reduce_max3A_47 = vector.multi_reduction <maximumf>, %dot_general3A_46, %reduce_max3A [1] : vector<2000x8xf32> to vector<2000xf32>
    %broadcast_in_dim3A = vector.shape_cast %reduce_max3A_47 : vector<2000xf32> to vector<2000x1xf32>
    %sub3A = vector.broadcast %broadcast_in_dim3A : vector<2000x1xf32> to vector<2000x8xf32>
    %sub3A_48 = arith.subf %dot_general3A_46, %sub3A : vector<2000x8xf32>
    %exp3A = math.exp %sub3A_48 : vector<2000x8xf32>
    %reduce_sum3A = arith.constant dense<0.000000e+00> : vector<2000xf32>
    %reduce_sum3A_49 = vector.multi_reduction <add>, %exp3A, %reduce_sum3A [1] : vector<2000x8xf32> to vector<2000xf32>
    %broadcast_in_dim3A_50 = vector.shape_cast %reduce_sum3A_49 : vector<2000xf32> to vector<2000x1xf32>
    %div3A = vector.broadcast %broadcast_in_dim3A_50 : vector<2000x1xf32> to vector<2000x8xf32>
    %div3A_51 = arith.divf %exp3A, %div3A : vector<2000x8xf32>
    %dot_general3A_52 = arith.constant dense<0.000000e+00> : vector<2000x128xf32>
    %dot_general3A_53 = tpu.matmul %div3A_51, %get3A_44, %dot_general3A_52 {dimension_numbers = #tpu.dot_dimension_numbers<[1], [0], [0], [1], [0, 0, 1, 1], [], []>, transpose_lhs_hint = false} : vector<2000x8xf32>, vector<8x128xf32>, vector<2000x128xf32> -> vector<2000x128xf32>
    %get3A_54 = arith.constant 0 : index
    %get3A_55 = arith.constant 0 : index
    %get3A_56 = vector.load %arg8[%get3A_54, %get3A_55] : memref<256x40xf32, #tpu.memory_space<vmem>>, vector<128x40xf32>
    %dot_general3A_57 = arith.constant dense<0.000000e+00> : vector<2000x40xf32>
    %dot_general3A_58 = tpu.matmul %get3A_1, %get3A_56, %dot_general3A_57 {dimension_numbers = #tpu.dot_dimension_numbers<[1], [0], [0], [1], [0, 0, 1, 1], [], []>, transpose_lhs_hint = false} : vector<2000x128xf32>, vector<128x40xf32>, vector<2000x40xf32> -> vector<2000x40xf32>
    %get3A_59 = arith.constant 128 : index
    %get3A_60 = arith.constant 0 : index
    %get3A_61 = vector.load %arg8[%get3A_59, %get3A_60] : memref<256x40xf32, #tpu.memory_space<vmem>>, vector<128x40xf32>
    %dot_general3A_62 = arith.constant dense<0.000000e+00> : vector<2000x40xf32>
    %dot_general3A_63 = tpu.matmul %dot_general3A_53, %get3A_61, %dot_general3A_62 {dimension_numbers = #tpu.dot_dimension_numbers<[1], [0], [0], [1], [0, 0, 1, 1], [], []>, transpose_lhs_hint = false} : vector<2000x128xf32>, vector<128x40xf32>, vector<2000x40xf32> -> vector<2000x40xf32>
    %add3A_64 = arith.addf %dot_general3A_58, %dot_general3A_63 : vector<2000x40xf32>
    %get3A_65 = arith.constant 0 : index
    %get3A_66 = arith.constant 0 : index
    %get3A_67 = vector.load %arg9[%get3A_65, %get3A_66] : memref<1x40xf32, #tpu.memory_space<vmem>>, vector<1x40xf32>
    %add3A_68 = vector.broadcast %get3A_67 : vector<1x40xf32> to vector<2000x40xf32>
    %add3A_69 = arith.addf %add3A_64, %add3A_68 : vector<2000x40xf32>
    %reduce_max3A_70 = arith.constant dense<0xFF800000> : vector<2000xf32>
    %reduce_max3A_71 = vector.multi_reduction <maximumf>, %add3A_69, %reduce_max3A_70 [1] : vector<2000x40xf32> to vector<2000xf32>
    %broadcast_in_dim3A_72 = vector.shape_cast %reduce_max3A_71 : vector<2000xf32> to vector<2000x1xf32>
    %sub3A_73 = vector.broadcast %broadcast_in_dim3A_72 : vector<2000x1xf32> to vector<2000x40xf32>
    %sub3A_74 = arith.subf %add3A_69, %sub3A_73 : vector<2000x40xf32>
    %exp3A_75 = math.exp %sub3A_74 : vector<2000x40xf32>
    %reduce_sum3A_76 = arith.constant dense<0.000000e+00> : vector<2000xf32>
    %reduce_sum3A_77 = vector.multi_reduction <add>, %exp3A_75, %reduce_sum3A_76 [1] : vector<2000x40xf32> to vector<2000xf32>
    %broadcast_in_dim3A_78 = vector.shape_cast %reduce_sum3A_77 : vector<2000xf32> to vector<2000x1xf32>
    %log3A = math.log %broadcast_in_dim3A_78 : vector<2000x1xf32>
    %sub3A_79 = vector.broadcast %log3A : vector<2000x1xf32> to vector<2000x40xf32>
    %sub3A_80 = arith.subf %sub3A_74, %sub3A_79 : vector<2000x40xf32>
    %swap3A = arith.constant 0 : index
    %swap3A_81 = arith.constant 0 : index
    %swap3A_82 = vector.load %arg10[%swap3A, %swap3A_81] : memref<2000x40xf32, #tpu.memory_space<vmem>>, vector<2000x40xf32>
    tpu.vector_store %arg10[%swap3A, %swap3A_81], %sub3A_80 {strides = array<i32>} : memref<2000x40xf32, #tpu.memory_space<vmem>>, vector<2000x40xf32>,
    return
  }
  func.func @transform_0(%arg0: i32) -> (i32, i32) {
    %c0_i32 = arith.constant 0 : i32
    %c0_i32_0 = arith.constant 0 : i32
    return %arg0, %c0_i32 : i32, i32
  }
  func.func @transform_1(%arg0: i32) -> (i32, i32, i32) {
    %c0_i32 = arith.constant 0 : i32
    %c0_i32_0 = arith.constant 0 : i32
    %c0_i32_1 = arith.constant 0 : i32
    return %c0_i32, %arg0, %c0_i32_0 : i32, i32, i32
  }
  func.func @transform_2(%arg0: i32) -> (i32, i32) {
    %c0_i32 = arith.constant 0 : i32
    %c0_i32_0 = arith.constant 0 : i32
    %c0_i32_1 = arith.constant 0 : i32
    return %c0_i32, %c0_i32_0 : i32, i32
  }
  func.func @transform_3(%arg0: i32) -> (i32, i32) {
    %c0_i32 = arith.constant 0 : i32
    %c0_i32_0 = arith.constant 0 : i32
    %c0_i32_1 = arith.constant 0 : i32
    return %c0_i32, %c0_i32_0 : i32, i32
  }
  func.func @transform_4(%arg0: i32) -> (i32, i32) {
    %c0_i32 = arith.constant 0 : i32
    %c0_i32_0 = arith.constant 0 : i32
    %c0_i32_1 = arith.constant 0 : i32
    return %c0_i32, %c0_i32_0 : i32, i32
  }
  func.func @transform_5(%arg0: i32) -> (i32, i32) {
    %c0_i32 = arith.constant 0 : i32
    %c0_i32_0 = arith.constant 0 : i32
    %c0_i32_1 = arith.constant 0 : i32
    return %c0_i32, %c0_i32_0 : i32, i32
  }
  func.func @transform_6(%arg0: i32) -> (i32, i32) {
    %c0_i32 = arith.constant 0 : i32
    %c0_i32_0 = arith.constant 0 : i32
    %c0_i32_1 = arith.constant 0 : i32
    return %c0_i32, %c0_i32_0 : i32, i32
  }
  func.func @transform_7(%arg0: i32) -> (i32, i32) {
    %c0_i32 = arith.constant 0 : i32
    %c0_i32_0 = arith.constant 0 : i32
    %c0_i32_1 = arith.constant 0 : i32
    return %c0_i32, %c0_i32_0 : i32, i32
  }
  func.func @transform_8(%arg0: i32) -> (i32, i32) {
    %c0_i32 = arith.constant 0 : i32
    %c0_i32_0 = arith.constant 0 : i32
    %c0_i32_1 = arith.constant 0 : i32
    return %c0_i32, %c0_i32_0 : i32, i32
  }
  func.func @transform_9(%arg0: i32) -> (i32, i32) {
    %c0_i32 = arith.constant 0 : i32
    %c0_i32_0 = arith.constant 0 : i32
    return %arg0, %c0_i32 : i32, i32
  }
}

</mosaic_0001>

<sc_bundles>
// kernel: kernel.10.cloned.1.call-start
scs
__scs_entry_jumppad:
0x0: {  	(pc) =	sbr.rel $0x88, $3  }
0x1: {  	(tag) =	ssettag $0x0;
	lr =	simm.s32 $0x1  }
0x2: {  	[smem:$0x3F91] =	sst lr;
	_ =	strace $0xD0000000  }
0x3: {  	_ = 	snop  }
0x4: {  	_ = 	snop  }
0x5: {  	_ = 	snop  }
0x6: {  	_ = 	snop  }
0x7: {  	_ = 	snop  }
__scs_overlays_trampoline_lowered:
0x8: {  	[smem:$0x3FA0] =	sst s0  }
0x9: {  	[smem:$0x3FA1] =	sst s1  }
0xa: {  	[smem:$0x3FA2] =	sst s2  }
0xb: {  	[smem:$0x3FA3] =	sst s3  }
0xc: {  	[smem:$0x3FA4] =	sst s4  }
0xd: {  	[smem:$0x3FA5] =	sst s5  }
0xe: {  	[smem:$0x3FA6] =	sst s6  }
0xf: {  	[smem:$0x3FA7] =	sst s7  }
0x10: {  	[smem:$0x3FA8] =	sst s8  }
0x11: {  	[smem:$0x3FA9] =	sst s9;
	s0 =	simm.s32 @!p0 $0x0  }
0x12: {  	s1 =	sld [smem:$0x3F8F];
	s0 =	simm.s32 @p0 $0x1  }
0x13: {  	[smem:$0x3FAA] =	sst s0;
	s0 =	simm.s32 @!p1 $0x0  }
0x14: {  	s2 =	sld [smem:$0x3F8E];
	s0 =	simm.s32 @p1 $0x1  }
0x15: {  	[smem:$0x3FAB] =	sst s0;
	s0 =	simm.s32 @!p2 $0x0  }
0x16: {  	s3 =	sld [smem:$0x3FDB];
	s0 =	simm.s32 @p2 $0x1  }
0x17: {  	s4 =	simm.s32 $0x1BF5;
	[smem:$0x3FAD] =	sst s0  }
0x18: {  	s0 =	sld [smem:$0x3F90];
	_ =	swait.ge [sflag:s4], $0x0  }
0x19: {  	s7 =	sld [smem:$0x3F91]  }
0x1a: {  	s8 =	sadd.s32 $0xFFFFE003, lr  }
0x1b: {  	s9 =	sadd.s32 $0xFFFFFEF7, lr;
	s5 =	simm.s32 $0xFFFFFFFF;
	p2 =	slt.u32 s8, $0xFFFFF086  }
0x1c: {  	p1 =	slt.u32 s9, $0xF7A;
	s5 =	simm.s32 @!p2 $0x0  }
0x1d: {  	s5 =	simm.s32 @p1 $0x1;
	p0 =	seq.s32 s7, s2  }
0x1e: {  	s7 =	smul.u32 @!p0 $0xF7A, s2;
	p2 =	seq.s32 @!p0 s5, $0x0  }
0x1f: {  	s9 =	smul.u32 $0xF7A, s1;
	s8 =	simm.s32 @!p0 $0x1BF5;
	p2 =	por !p2, p0  }
0x20: {  	[sflag:s8] =	ssyncset.s32 @!p0 $0xFFFFF086;
	s6 =	sadd.s32 @!p0 s3, s7;
	s7 =	simm.s32 @!p0 $0x108  }
0x21: {  	s3 =	sadd.s32 s3, s9;
	s6 =	sadd.s32 @!p0 $0x88, s6;
	s7 =	simm.s32 @p2 $0x1082  }
0x22: {  	[simem:s7], [sflag:s8] =	dma.local @!p0 [hbm:s6], $0xF7A  }
0x23: {  	s9 =	sor.u32 $0xD0000000, s2;
	s6 =	simm.s32 $0x108;
	_ =	swait.ge @!p0 [sflag:s8], $0x0  }
0x24: {  	s3 =	sadd.s32 $0x88, s3;
	s6 =	simm.s32 @!p1 $0x1082;
	[sflag:s4] =	ssyncset.s32 $0xFFFFF086  }
0x25: {  	[simem:s6], [sflag:s4] =	dma.local [hbm:s3], $0xF7A  }
0x26: {  	[smem:$0x3F91] =	sst s1;
	(tag) =	ssettag s2;
	_ =	strace s9  }
0x27: {  	s1 =	sld [smem:$0x3FA1]  }
0x28: {  	s2 =	sld [smem:$0x3FA2]  }
0x29: {  	s4 =	sld [smem:$0x3FA4]  }
0x2a: {  	p0 =	seq.s32 s5, $0x0;
	s5 =	sld [smem:$0x3FA5]  }
0x2b: {  	s6 =	sld [smem:$0x3FA6]  }
0x2c: {  	s7 =	sld [smem:$0x3FA7]  }
0x2d: {  	s3 =	simm.s32 $0x108;
	s8 =	sld [smem:$0x3FA8]  }
0x2e: {  	s3 =	simm.s32 @!p0 $0x1082;
	s9 =	sld [smem:$0x3FA9]  }
0x2f: {  	lr =	sadd.s32 s0, s3;
	s0 =	sld [smem:$0x3FA0]  }
0x30: {  	s3 =	sld [smem:$0x3FA3]  }
0x31: {  	[smem:$0x3FAC] =	sst s10  }
0x32: {  	s10 =	sld [smem:$0x3FAA];
	_ =	sdelay $0x3  }
0x33: {  	p0 =	seq.s32 s10, $0x1;
	s10 =	sld [smem:$0x3FAC];
	_ =	sdelay $0x3  }
0x34: {  	[smem:$0x3FAC] =	sst s10  }
0x35: {  	s10 =	sld [smem:$0x3FAB];
	_ =	sdelay $0x3  }
0x36: {  	p1 =	seq.s32 s10, $0x1;
	s10 =	sld [smem:$0x3FAC];
	_ =	sdelay $0x3  }
0x37: {  	[smem:$0x3FAC] =	sst s10  }
0x38: {  	s10 =	sld [smem:$0x3FAD]  }
0x39: {  	_ = 	snop;
	(pc) =	sbr.ind lr, $3  }
0x3a: {  	_ = 	snop  }
0x3b: {  	_ = 	snop  }
0x3c: {  	p2 =	seq.s32 s10, $0x1;
	s10 =	sld [smem:$0x3FAC]  }
0x3d: {  	_ =	shalt  }
0x3e: {  	_ =	shalt  }
0x3f: {  	_ =	shalt  }
0x40: {  	_ =	shalt  }
0x41: {  	_ =	shalt  }
0x42: {  	_ =	shalt  }
0x43: {  	_ =	shalt  }
0x44: {  	_ =	shalt  }
0x45: {  	_ =	shalt  }
0x46: {  	_ =	shalt  }
0x47: {  	_ =	shalt  }
0x48: {  	_ =	shalt  }
0x49: {  	_ =	shalt  }
0x4a: {  	_ =	shalt  }
0x4b: {  	_ =	shalt  }
0x4c: {  	_ =	shalt  }
0x4d: {  	_ =	shalt  }
0x4e: {  	_ =	shalt  }
0x4f: {  	_ =	shalt  }
0x50: {  	_ =	shalt  }
0x51: {  	_ =	shalt  }
0x52: {  	_ =	shalt  }
0x53: {  	_ =	shalt  }
0x54: {  	_ =	shalt  }
0x55: {  	_ =	shalt  }
0x56: {  	_ =	shalt  }
0x57: {  	_ =	shalt  }
0x58: {  	_ =	shalt  }
0x59: {  	_ =	shalt  }
0x5a: {  	_ =	shalt  }
0x5b: {  	_ =	shalt  }
0x5c: {  	_ =	shalt  }
0x5d: {  	_ =	shalt  }
0x5e: {  	_ =	shalt  }
0x5f: {  	_ =	shalt  }
0x60: {  	_ =	shalt  }
0x61: {  	_ =	shalt  }
0x62: {  	_ =	shalt  }
0x63: {  	_ =	shalt  }
0x64: {  	_ =	shalt  }
0x65: {  	_ =	shalt  }
0x66: {  	_ =	shalt  }
0x67: {  	_ =	shalt  }
0x68: {  	_ =	shalt  }
0x69: {  	_ =	shalt  }
0x6a: {  	_ =	shalt  }
0x6b: {  	_ =	shalt  }
0x6c: {  	_ =	shalt  }
0x6d: {  	_ =	shalt  }
0x6e: {  	_ =	shalt  }
0x6f: {  	_ =	shalt  }
0x70: {  	_ =	shalt  }
0x71: {  	_ =	shalt  }
0x72: {  	_ =	shalt  }
0x73: {  	_ =	shalt  }
0x74: {  	_ =	shalt  }
0x75: {  	_ =	shalt  }
0x76: {  	_ =	shalt  }
0x77: {  	_ =	shalt  }
0x78: {  	_ =	shalt  }
0x79: {  	_ =	shalt  }
0x7a: {  	_ =	shalt  }
0x7b: {  	_ =	shalt  }
0x7c: {  	_ =	shalt  }
0x7d: {  	_ =	shalt  }
0x7e: {  	_ =	shalt  }
0x7f: {  	_ =	shalt  }
0x80: {  	_ =	shalt  }
0x81: {  	_ =	shalt  }
0x82: {  	_ =	shalt  }
0x83: {  	_ =	shalt  }
0x84: {  	_ =	shalt  }
0x85: {  	_ =	shalt  }
0x86: {  	_ =	shalt  }
0x87: {  	_ =	shalt  }
.Lfunc_end0:
.L_simem_size_0:
called_computation.1_lowered:
.L_overlay_start_0:
0x88: {  	s2 =	sld [smem:$0x3FD9]  }
0x89: {  	s3 =	sld [smem:$0x3FFE];
	_ =	sdelay $0x1  }
0x8a: {  	s1 =	srdreg.scid  }
0x8b: {  	s0 =	sand.u32 $0x1, s1  }
0x8c: {  	s16 =	sshll.u32 s0, $0xA;
	s2 =	sadd.s32 s3, s2  }
0x8d: {  	s2 =	sadd.s32 s2, s16  }
0x8e: {  	[smem:$0x3FB8] =	sst s2  }
0x8f: {  	_ = 	snop  }
0x90: {  	(tm) =	ssettm $0x1  }
0x91: {  	s17 =	sld [smem:$0x3FFB];
	_ =	sdelay $0x3  }
0x92: {  	_ =	strace s17  }
0x93: {  	s2 =	sld [smem:$0x3FFC];
	_ =	sdelay $0x3  }
0x94: {  	_ =	strace s2  }
0x95: {  	s2 =	sld [smem:$0x3FFD];
	_ =	sdelay $0x3  }
0x96: {  	_ =	strace s2  }
0x97: {  	_ =	strace $0x8FFFFFFF  }
0x98: {  	s18 =	sld [smem:$0x3FDB];
	_ =	sdelay $0x1  }
0x99: {  	s19 =	simm.s32 $_scs_section_size  }
0x9a: {  	s4 =	simm.s32 $_size__tile_overlayer_lowered;
	s5 =	simm.s32 $_tile_overlayer_lowered  }
0x9b: {  	s22 =	simm.s32 $0x1BFF;
	s21 =	sshll.u32 s5, $0x1;
	s2 =	sadd.s32 s19, s18  }
0x9c: {  	s6 =	simm.s32 $0x0;
	s20 =	sshll.u32 s4, $0x1;
	s4 =	sadd.s32 s21, s2  }
0x9d: {  	[timem:s6], [sflag:s22] =	dma.local [hbm:s4], s20  }
0x9e: {  	_ =	swait.ge [sflag:s22], s20  }
0x9f: {  	s3 =	ssub.s32 $0x0, s20;
	[sflag:s22] =	ssyncset.done $0x0  }
0xa0: {  	[sflag:s22] =	ssyncadd.s32 s3;
	_ =	sdelay $0x1  }
0xa1: {  	s23 =	simm.s32 $0x1B8B  }
0xa2: {  	_ =	swait.ge [sflag:s23], $0x1  }
0xa3: {  	[sflag:s23] =	ssyncset.done $0x0  }
0xa4: {  	s25 =	simm.s32 $0x1B8E;
	s24 =	sld [smem:$0x3FFE];
	[sflag:s23] =	ssyncadd.s32 $0xFFFFFFFF  }
0xa5: {  	s26 =	simm.s32 $execute0_lowered;
	[smem:$0x3FD2] =	sst s25  }
0xa6: {  	s4 =	sshll.u32 s26, $0x1;
	_ =	strace $0x80000049;
	[dreg:$0x1] =	wrdreg $0xFFFFFFFF  }
0xa7: {  	s28 =	simm.s32 $_size_execute0_lowered;
	s2 =	sadd.s32 s2, s4;
	[dreg:$0x0] =	wrdreg $0x0  }
0xa8: {  	s4 =	sshll.u32 s28, $0x1;
	[dreg:$0x2] =	wrdreg s2  }
0xa9: {  	[dreg:$0x3] =	wrdreg s4  }
0xaa: {  	[dreg:$0x4] =	wrdreg $0xC0  }
0xab: {  	_ =	task [dreg:s6], $0x5FFFF  }
0xac: {  	[dreg:$0x1] =	wrdreg $0xFFFFFFFF  }
0xad: {  	[dreg:$0x0] =	wrdreg $0x60  }
0xae: {  	[dreg:$0x2] =	wrdreg s24  }
0xaf: {  	[dreg:$0x3] =	wrdreg $0xB8000  }
0xb0: {  	[dreg:$0x4] =	wrdreg $0x9  }
0xb1: {  	_ =	task.clear_ibuf [dreg:s6], $0x5FFFF;
	_ =	strace $0x90000049  }
0xb2: {  	s29 =	simm.s32 $0x9;
	_ =	strace $0x8000004B  }
0xb3: {  	_ =	swait.ge [sflag:s29], $0x1  }
0xb4: {  	[sflag:s29] =	ssyncadd.s32 $0xFFFFFFFF  }
0xb5: {  	_ =	strace $0x9000004B  }
0xb6: {  	_ =	sfence  }
0xb7: {  	s30 =	sld [smem:$0x0];
	_ =	sdelay $0x2  }
0xb8: {  	s31 =	sshll.u32 s1, $0xD;
	s1 =	sshrl.u32 s1, $0x2  }
0xb9: {  	s3 =	sand.u32 $0x4000, s31;
	s1 =	sadd.s32 s1, s30  }
0xba: {  	s0 =	sor.u32 s3, s0;
	s1 =	sshll.u32 s1, $0x11  }
0xbb: {  	s0 =	sor.u32 s1, s0  }
0xbc: {  	s0 =	sadd.s32 $0x8F2B, s0  }
0xbd: {  	[sflag:s0] =	ssyncadd.remote.s32 $0x1  }
0xbe: {  	_ =	sfence.sel $0xFFFF  }
0xbf: {  	[dreg:$0x0] =	wrdreg $0xFFFFFFFF;
	(pc) =	sbr.abs _section_cstart, $3  }
0xc0: {  	[dreg:$0x1] =	wrdreg $0xFFFFFFFF  }
0xc1: {  	_ =	task.clear_ibuf [dreg:s6], $0x2FFFF;
	_ =	strace $0x9FFFFFFF  }
0xc2: {  	(tm) =	ssettm $0x7FFFFFFF  }
0xc3: {  	_ =	shalt  }
tec
execute0_lowered:
.L_overlay_start_1:
0x0: {  	(tag) =	ssettag $0x1  }
0x1: {  	s0 =	rddreg [dreg:$0x0]  }
0x2: {  	s1 =	rddreg [dreg:$0x1]  }
0x3: {  	s3 =	simm.s32 $0x0;
	s2 =	srdreg.scid;
	s15 =	stileid.u32  }
0x4: {  	s17 =	simm.s32 $0x4;
	s18 =	simm.s32 $0x2000;
	s19 =	simm.s32 $0x50  }
0x5: {  	s20 =	simm.s32 $0x4000;
	s21 =	simm.s32 $0x80;
	s22 =	simm.s32 $0x6800  }
0x6: {  	s28 =	simm.s32 $0x3;
	s29 =	simm.s32 $0x3E00;
	s30 =	simm.s32 $0x0  }
0x7: {  	[smem:$0x7FF] =	sst s3;
	s2 =	sand.u32 $0x1, s2;
	s23 =	smul.u32 $0x2700, s15  }
0x8: {  	s6 =	sshll.u32 s15, $0xB;
	s4 =	sadd.s32 $0x4A600, s0;
	s7 =	smul.u32 $0x4E000, s15  }
0x9: {  	s12 =	sadd.s32 $0x71800, s0;
	s11 =	smul.u32 $0x13800, s15;
	s14 =	sadd.s32 $0x124800, s1  }
0xa: {  	p0 =	seq.s32 s15, $0xF;
	_ =	strace $0x8000004A;
	s5 =	sshll.u32 s2, $0xF  }
0xb: {  	s24 =	ssub.s32 $0x2, s2;
	s2 =	smul.u32 $0x138800, s2;
	s14 =	sshrl.u32 @p0 s14, $0x3  }
0xc: {  	s5 =	sor.u32 s6, s5;
	s6 =	sadd.s32 s23, s0;
	s8 =	sshrl.u32 s24, $0x1  }
0xd: {  	s25 =	sshrl.u32 s7, $0x2;
	s23 =	simm.s32 $0x100;
	s10 =	sadd.s32 s5, s0  }
0xe: {  	s13 =	ssub.s32 s24, s8;
	s16 =	sadd.s32 s25, s1;
	s5 =	sadd.s32 $0x23400, s6  }
0xf: {  	s6 =	sadd.s32 $0x47D00, s0;
	s26 =	sadd.s32 s11, s2;
	s2 =	sshrl.u32 s2, $0x3  }
0x10: {  	s24 =	simm.s32 $0x9000;
	s25 =	simm.s32 $0x1;
	s7 =	sadd.s32 $0x3400, s10  }
0x11: {  	s8 =	sadd.s32 $0x13400, s10;
	s9 =	sadd.s32 $0x3800, s10;
	s10 =	sadd.s32 $0x13800, s10  }
0x12: {  	s0 =	sshrl.u32 s26, $0x3;
	s31 =	sadd.s32 s12, s2;
	s13 =	smax.u32 s13, $0x1  }
0x13: {  	s16 =	sshrl.u32 @!p0 s16, $0x3;
	s11 =	sadd.s32 s12, s0;
	s0 =	sshll.u32 @!p0 s15, $0x6  }
0x14: {  	s26 =	simm.s32 $0x2;
	s12 =	sadd.s32 $0x24900, s31;
	s15 =	sor.u32 @!p0 $0x1C04, s0  }
.LBB2_1:
0x15: {  	s0 =	simm.s32 @p0 $0x1FC4  }
0x16: {  	[spmem:s14], [sflag:s0] =	dma.local @p0 [hbm:s6], $0x2800  }
0x17: {  	s0 =	simm.s32 @p0 $0x4  }
0x18: {  	_ =	swait.ge @p0 [sflag:s0], $0x2800  }
0x19: {  	[sflag:s0] =	ssyncset.done @p0 $0x0  }
0x1a: {  	[sflag:s0] =	ssyncadd.s32 @p0 $0xFFFFD800;
	s0 =	simm.s32 @!p0 $0x4  }
0x1b: {  	[spmem:s16], [sflag:s15] =	dma.local @!p0 [hbm:s5], $0x2700  }
0x1c: {  	_ =	swait.ge @!p0 [sflag:s0], $0x2700  }
0x1d: {  	[sflag:s0] =	ssyncset.done @!p0 $0x0  }
0x1e: {  	[sflag:s0] =	ssyncadd.s32 @!p0 $0xFFFFD900  }
0x1f: {  	[bflag:$0x0] =	sbarrier.arrive $0xFFFF  }
0x20: {  	[tilespmem:s3], [sflag:$0x4] =	stream.linear.gather [hbm4b:s7+s3], $0x2000, $0x38;
	[tilespmem:$0x1F080] =	vst v63  }
0x21: {  	_ =	swait.ge [sflag:s17], $0x2000  }
0x22: {  	[sflag:s17] =	ssyncset.done $0x0  }
0x23: {  	[sflag:s17] =	ssyncadd.s32 $0xFFFFE000  }
0x24: {  	[tilespmem:s18], [sflag:$0x4] =	stream.linear.gather [hbm4b:s8+s3], $0x2000, $0x38;
	[tilespmem:$0x1F080] =	vst v63  }
0x25: {  	_ =	swait.ge [sflag:s17], $0x2000  }
0x26: {  	[sflag:s17] =	ssyncset.done $0x0  }
0x27: {  	[sflag:s17] =	ssyncadd.s32 $0xFFFFE000  }
0x28: {  	[tilespmem:s20], [sflag:$0x1] =	stream.indirect.gather [hbm4b:s4+s19], $0x80, s3, s19, $0xb8;
	[tilespmem:$0x1F080] =	vst v63  }
0x29: {  	_ = 	snop  }
0x2a: {  	[tilespmem:s22], [sflag:$0x2] =	stream.indirect.gather [hbm4b:s4+s19], $0x80, s21, s19, $0xb8;
	[tilespmem:$0x1F080] =	vst v63  }
0x2b: {  	_ = 	snop  }
0x2c: {  	[tilespmem:s24], [sflag:$0x3] =	stream.indirect.gather [hbm4b:s4+s19], $0x80, s23, s19, $0xb8;
	[tilespmem:$0x1F080] =	vst v63  }
0x2d: {  	_ =	swait.ge [sflag:s25], $0x2800  }
0x2e: {  	[sflag:s25] =	ssyncset.done $0x0  }
0x2f: {  	s2 =	simm.s32 $0x2000;
	[sflag:s25] =	ssyncadd.s32 $0xFFFFD800  }
0x30: {  	[spmem:s1] =	stream.indirect.scatter.add.f32 [tilespmem:s20], [sflag:$0x4], $0x80, s2, s19, $0xb8;
	[tilespmem:$0x1F080] =	vst v63  }
0x31: {  	_ =	swait.ge [sflag:s17], $0x2800  }
0x32: {  	[sflag:s17] =	ssyncset.done $0x0  }
0x33: {  	s2 =	simm.s32 $0x180;
	[sflag:s17] =	ssyncadd.s32 $0xFFFFD800  }
0x34: {  	[tilespmem:s20], [sflag:$0x1] =	stream.indirect.gather [hbm4b:s4+s19], $0x80, s2, s19, $0xb8;
	[tilespmem:$0x1F080] =	vst v63  }
0x35: {  	_ =	swait.ge [sflag:s26], $0x2800  }
0x36: {  	[sflag:s26] =	ssyncset.done $0x0  }
0x37: {  	s2 =	simm.s32 $0x2080;
	[sflag:s26] =	ssyncadd.s32 $0xFFFFD800  }
0x38: {  	[spmem:s1] =	stream.indirect.scatter.add.f32 [tilespmem:s22], [sflag:$0x4], $0x80, s2, s19, $0xb8;
	[tilespmem:$0x1F080] =	vst v63  }
0x39: {  	_ =	swait.ge [sflag:s17], $0x2800  }
0x3a: {  	[sflag:s17] =	ssyncset.done $0x0  }
0x3b: {  	s2 =	simm.s32 $0x200;
	[sflag:s17] =	ssyncadd.s32 $0xFFFFD800  }
0x3c: {  	[tilespmem:s22], [sflag:$0x2] =	stream.indirect.gather [hbm4b:s4+s19], $0x80, s2, s19, $0xb8;
	[tilespmem:$0x1F080] =	vst v63  }
0x3d: {  	_ =	swait.ge [sflag:s28], $0x2800  }
0x3e: {  	[sflag:s28] =	ssyncset.done $0x0  }
0x3f: {  	s2 =	simm.s32 $0x2100;
	[sflag:s28] =	ssyncadd.s32 $0xFFFFD800  }
0x40: {  	[spmem:s1] =	stream.indirect.scatter.add.f32 [tilespmem:s24], [sflag:$0x4], $0x80, s2, s19, $0xb8;
	[tilespmem:$0x1F080] =	vst v63  }
0x41: {  	_ =	swait.ge [sflag:s17], $0x2800  }
0x42: {  	[sflag:s17] =	ssyncset.done $0x0  }
0x43: {  	s31 =	simm.s32 $0x600;
	s0 =	simm.s32 $0x280;
	[sflag:s17] =	ssyncadd.s32 $0xFFFFD800  }
.LBB2_2:
0x44: {  	[tilespmem:s24], [sflag:$0x3] =	stream.indirect.gather [hbm4b:s4+s19], $0x80, s0, s19, $0xb8;
	[tilespmem:$0x1F080] =	vst v63  }
0x45: {  	s0 =	smov.u32 s31  }
0x46: {  	p1 =	sne.s32 s31, $0x7200;
	s31 =	sadd.s32 $0x600, s31;
	_ =	swait.ge [sflag:s25], $0x2800  }
0x47: {  	s0 =	sshra.s32 s0, $0x2;
	[sflag:s25] =	ssyncset.done $0x0  }
0x48: {  	s2 =	sadd.s32 $0x2000, s0;
	[sflag:s25] =	ssyncadd.s32 $0xFFFFD800  }
0x49: {  	[spmem:s1] =	stream.indirect.scatter.add.f32 [tilespmem:s20], [sflag:$0x4], $0x80, s2, s19, $0xb8;
	[tilespmem:$0x1F080] =	vst v63  }
0x4a: {  	_ =	swait.ge [sflag:s17], $0x2800  }
0x4b: {  	[sflag:s17] =	ssyncset.done $0x0  }
0x4c: {  	s2 =	sadd.s32 $0x180, s0;
	[sflag:s17] =	ssyncadd.s32 $0xFFFFD800  }
0x4d: {  	[tilespmem:s20], [sflag:$0x1] =	stream.indirect.gather [hbm4b:s4+s19], $0x80, s2, s19, $0xb8;
	[tilespmem:$0x1F080] =	vst v63  }
0x4e: {  	_ =	swait.ge [sflag:s26], $0x2800  }
0x4f: {  	[sflag:s26] =	ssyncset.done $0x0  }
0x50: {  	s2 =	sadd.s32 $0x2080, s0;
	[sflag:s26] =	ssyncadd.s32 $0xFFFFD800  }
0x51: {  	[spmem:s1] =	stream.indirect.scatter.add.f32 [tilespmem:s22], [sflag:$0x4], $0x80, s2, s19, $0xb8;
	[tilespmem:$0x1F080] =	vst v63  }
0x52: {  	_ =	swait.ge [sflag:s17], $0x2800  }
0x53: {  	[sflag:s17] =	ssyncset.done $0x0  }
0x54: {  	s2 =	sadd.s32 $0x200, s0;
	[sflag:s17] =	ssyncadd.s32 $0xFFFFD800  }
0x55: {  	[tilespmem:s22], [sflag:$0x2] =	stream.indirect.gather [hbm4b:s4+s19], $0x80, s2, s19, $0xb8;
	[tilespmem:$0x1F080] =	vst v63  }
0x56: {  	_ =	swait.ge [sflag:s28], $0x2800  }
0x57: {  	[sflag:s28] =	ssyncset.done $0x0  }
.Ltmp0:
0x58: {  	s2 =	sadd.s32 $0x2100, s0;
	[sflag:s28] =	ssyncadd.s32 $0xFFFFD800;
	(pc) =	sbr.rel @p1 .LBB2_2-.Ltmp0, $4  }
0x59: {  	[spmem:s1] =	stream.indirect.scatter.add.f32 [tilespmem:s24], [sflag:$0x4], $0x80, s2, s19, $0xb8;
	[tilespmem:$0x1F080] =	vst v63  }
0x5a: {  	_ =	swait.ge [sflag:s17], $0x2800  }
0x5b: {  	[sflag:s17] =	ssyncset.done $0x0  }
0x5c: {  	s0 =	sadd.s32 $0x280, s0;
	[sflag:s17] =	ssyncadd.s32 $0xFFFFD800  }
0x5d: {  	[tilespmem:s24], [sflag:$0x3] =	stream.indirect.gather [hbm4b:s4+s19], $0x80, s0, s19, $0xb8;
	[tilespmem:$0x1F080] =	vst v63  }
0x5e: {  	_ =	swait.ge [sflag:s25], $0x2800  }
0x5f: {  	[sflag:s25] =	ssyncset.done $0x0  }
0x60: {  	[sflag:s25] =	ssyncadd.s32 $0xFFFFD800  }
0x61: {  	[spmem:s1] =	stream.indirect.scatter.add.f32 [tilespmem:s20], [sflag:$0x4], $0x80, s29, s19, $0xb8;
	[tilespmem:$0x1F080] =	vst v63  }
0x62: {  	_ =	swait.ge [sflag:s17], $0x2800  }
0x63: {  	[sflag:s17] =	ssyncset.done $0x0  }
0x64: {  	s2 =	simm.s32 $0x1F80;
	[sflag:s17] =	ssyncadd.s32 $0xFFFFD800  }
0x65: {  	[tilespmem:s20], [sflag:$0x1] =	stream.indirect.gather [hbm4b:s4+s19], $0x80, s2, s19, $0xb8;
	[tilespmem:$0x1F080] =	vst v63  }
0x66: {  	_ =	swait.ge [sflag:s26], $0x2800  }
0x67: {  	[sflag:s26] =	ssyncset.done $0x0  }
0x68: {  	s2 =	simm.s32 $0x3E80;
	[sflag:s26] =	ssyncadd.s32 $0xFFFFD800  }
0x69: {  	[spmem:s1] =	stream.indirect.scatter.add.f32 [tilespmem:s22], [sflag:$0x4], $0x80, s2, s19, $0xb8;
	[tilespmem:$0x1F080] =	vst v63  }
0x6a: {  	_ =	swait.ge [sflag:s17], $0x2800  }
0x6b: {  	[sflag:s17] =	ssyncset.done $0x0  }
0x6c: {  	[sflag:s17] =	ssyncadd.s32 $0xFFFFD800  }
0x6d: {  	_ =	swait.ge [sflag:s28], $0x2800  }
0x6e: {  	[sflag:s28] =	ssyncset.done $0x0  }
0x6f: {  	s2 =	simm.s32 $0x3F00;
	[sflag:s28] =	ssyncadd.s32 $0xFFFFD800  }
0x70: {  	[spmem:s1] =	stream.indirect.scatter.add.f32 [tilespmem:s24], [sflag:$0x4], $0x80, s2, s19, $0xb8;
	[tilespmem:$0x1F080] =	vst v63  }
0x71: {  	_ =	swait.ge [sflag:s17], $0x2800  }
0x72: {  	[sflag:s17] =	ssyncset.done $0x0  }
0x73: {  	[sflag:s17] =	ssyncadd.s32 $0xFFFFD800  }
0x74: {  	_ =	swait.ge [sflag:s25], $0x2800  }
0x75: {  	[sflag:s25] =	ssyncset.done $0x0  }
0x76: {  	s2 =	simm.s32 $0x3F80;
	[sflag:s25] =	ssyncadd.s32 $0xFFFFD800  }
0x77: {  	[spmem:s1] =	stream.indirect.scatter.add.f32 [tilespmem:s20], [sflag:$0x4], $0x80, s2, s19, $0xb8;
	[tilespmem:$0x1F080] =	vst v63  }
0x78: {  	_ =	swait.ge [sflag:s17], $0x2800  }
0x79: {  	[sflag:s17] =	ssyncset.done $0x0  }
0x7a: {  	s2 =	simm.s32 $0x0;
	[sflag:s17] =	ssyncadd.s32 $0xFFFFD800  }
0x7b: {  	[tilespmem:s2], [sflag:$0x4] =	stream.linear.gather [hbm4b:s9+s2], $0x1E80, $0x38;
	[tilespmem:$0x1F080] =	vst v63  }
0x7c: {  	_ =	swait.ge [sflag:s17], $0x1E80  }
0x7d: {  	[sflag:s17] =	ssyncset.done $0x0  }
0x7e: {  	[sflag:s17] =	ssyncadd.s32 $0xFFFFE180  }
0x7f: {  	[tilespmem:s18], [sflag:$0x4] =	stream.linear.gather [hbm4b:s10+s2], $0x1E80, $0x38;
	[tilespmem:$0x1F080] =	vst v63  }
0x80: {  	_ =	swait.ge [sflag:s17], $0x1E80  }
0x81: {  	[sflag:s17] =	ssyncset.done $0x0  }
0x82: {  	[sflag:s17] =	ssyncadd.s32 $0xFFFFE180  }
0x83: {  	[tilespmem:s20], [sflag:$0x1] =	stream.indirect.gather [hbm4b:s4+s19], $0x80, s2, s19, $0xb8;
	[tilespmem:$0x1F080] =	vst v63  }
0x84: {  	_ = 	snop  }
0x85: {  	[tilespmem:s22], [sflag:$0x2] =	stream.indirect.gather [hbm4b:s4+s19], $0x80, s21, s19, $0xb8;
	[tilespmem:$0x1F080] =	vst v63  }
0x86: {  	_ = 	snop  }
0x87: {  	[tilespmem:s24], [sflag:$0x3] =	stream.indirect.gather [hbm4b:s4+s19], $0x80, s23, s19, $0xb8;
	[tilespmem:$0x1F080] =	vst v63  }
0x88: {  	_ =	swait.ge [sflag:s25], $0x2800  }
0x89: {  	[sflag:s25] =	ssyncset.done $0x0  }
0x8a: {  	s2 =	simm.s32 $0x2000;
	[sflag:s25] =	ssyncadd.s32 $0xFFFFD800  }
0x8b: {  	[spmem:s1] =	stream.indirect.scatter.add.f32 [tilespmem:s20], [sflag:$0x4], $0x80, s2, s19, $0xb8;
	[tilespmem:$0x1F080] =	vst v63  }
0x8c: {  	_ =	swait.ge [sflag:s17], $0x2800  }
0x8d: {  	[sflag:s17] =	ssyncset.done $0x0  }
0x8e: {  	s2 =	simm.s32 $0x180;
	[sflag:s17] =	ssyncadd.s32 $0xFFFFD800  }
0x8f: {  	[tilespmem:s20], [sflag:$0x1] =	stream.indirect.gather [hbm4b:s4+s19], $0x80, s2, s19, $0xb8;
	[tilespmem:$0x1F080] =	vst v63  }
0x90: {  	_ =	swait.ge [sflag:s26], $0x2800  }
0x91: {  	[sflag:s26] =	ssyncset.done $0x0  }
0x92: {  	s2 =	simm.s32 $0x2080;
	[sflag:s26] =	ssyncadd.s32 $0xFFFFD800  }
0x93: {  	[spmem:s1] =	stream.indirect.scatter.add.f32 [tilespmem:s22], [sflag:$0x4], $0x80, s2, s19, $0xb8;
	[tilespmem:$0x1F080] =	vst v63  }
0x94: {  	_ =	swait.ge [sflag:s17], $0x2800  }
0x95: {  	[sflag:s17] =	ssyncset.done $0x0  }
0x96: {  	s2 =	simm.s32 $0x200;
	[sflag:s17] =	ssyncadd.s32 $0xFFFFD800  }
0x97: {  	[tilespmem:s22], [sflag:$0x2] =	stream.indirect.gather [hbm4b:s4+s19], $0x80, s2, s19, $0xb8;
	[tilespmem:$0x1F080] =	vst v63  }
0x98: {  	_ =	swait.ge [sflag:s28], $0x2800  }
0x99: {  	[sflag:s28] =	ssyncset.done $0x0  }
0x9a: {  	s2 =	simm.s32 $0x2100;
	[sflag:s28] =	ssyncadd.s32 $0xFFFFD800  }
0x9b: {  	[spmem:s1] =	stream.indirect.scatter.add.f32 [tilespmem:s24], [sflag:$0x4], $0x80, s2, s19, $0xb8;
	[tilespmem:$0x1F080] =	vst v63  }
0x9c: {  	_ =	swait.ge [sflag:s17], $0x2800  }
0x9d: {  	[sflag:s17] =	ssyncset.done $0x0  }
0x9e: {  	s31 =	simm.s32 $0x600;
	s0 =	simm.s32 $0x280;
	[sflag:s17] =	ssyncadd.s32 $0xFFFFD800  }
.LBB2_4:
0x9f: {  	[tilespmem:s24], [sflag:$0x3] =	stream.indirect.gather [hbm4b:s4+s19], $0x80, s0, s19, $0xb8;
	[tilespmem:$0x1F080] =	vst v63  }
0xa0: {  	s0 =	smov.u32 s31  }
0xa1: {  	p1 =	sne.s32 s31, $0x6C00;
	s31 =	sadd.s32 $0x600, s31;
	_ =	swait.ge [sflag:s25], $0x2800  }
0xa2: {  	s0 =	sshra.s32 s0, $0x2;
	[sflag:s25] =	ssyncset.done $0x0  }
0xa3: {  	s2 =	sadd.s32 $0x2000, s0;
	[sflag:s25] =	ssyncadd.s32 $0xFFFFD800  }
0xa4: {  	[spmem:s1] =	stream.indirect.scatter.add.f32 [tilespmem:s20], [sflag:$0x4], $0x80, s2, s19, $0xb8;
	[tilespmem:$0x1F080] =	vst v63  }
0xa5: {  	_ =	swait.ge [sflag:s17], $0x2800  }
0xa6: {  	[sflag:s17] =	ssyncset.done $0x0  }
0xa7: {  	s2 =	sadd.s32 $0x180, s0;
	[sflag:s17] =	ssyncadd.s32 $0xFFFFD800  }
0xa8: {  	[tilespmem:s20], [sflag:$0x1] =	stream.indirect.gather [hbm4b:s4+s19], $0x80, s2, s19, $0xb8;
	[tilespmem:$0x1F080] =	vst v63  }
0xa9: {  	_ =	swait.ge [sflag:s26], $0x2800  }
0xaa: {  	[sflag:s26] =	ssyncset.done $0x0  }
0xab: {  	s2 =	sadd.s32 $0x2080, s0;
	[sflag:s26] =	ssyncadd.s32 $0xFFFFD800  }
0xac: {  	[spmem:s1] =	stream.indirect.scatter.add.f32 [tilespmem:s22], [sflag:$0x4], $0x80, s2, s19, $0xb8;
	[tilespmem:$0x1F080] =	vst v63  }
0xad: {  	_ =	swait.ge [sflag:s17], $0x2800  }
0xae: {  	[sflag:s17] =	ssyncset.done $0x0  }
0xaf: {  	s2 =	sadd.s32 $0x200, s0;
	[sflag:s17] =	ssyncadd.s32 $0xFFFFD800  }
0xb0: {  	[tilespmem:s22], [sflag:$0x2] =	stream.indirect.gather [hbm4b:s4+s19], $0x80, s2, s19, $0xb8;
	[tilespmem:$0x1F080] =	vst v63  }
0xb1: {  	_ =	swait.ge [sflag:s28], $0x2800  }
0xb2: {  	[sflag:s28] =	ssyncset.done $0x0  }
.Ltmp1:
0xb3: {  	s2 =	sadd.s32 $0x2100, s0;
	[sflag:s28] =	ssyncadd.s32 $0xFFFFD800;
	(pc) =	sbr.rel @p1 .LBB2_4-.Ltmp1, $4  }
0xb4: {  	[spmem:s1] =	stream.indirect.scatter.add.f32 [tilespmem:s24], [sflag:$0x4], $0x80, s2, s19, $0xb8;
	[tilespmem:$0x1F080] =	vst v63  }
0xb5: {  	_ =	swait.ge [sflag:s17], $0x2800  }
0xb6: {  	[sflag:s17] =	ssyncset.done $0x0  }
0xb7: {  	s0 =	sadd.s32 $0x280, s0;
	[sflag:s17] =	ssyncadd.s32 $0xFFFFD800  }
0xb8: {  	[tilespmem:s24], [sflag:$0x3] =	stream.indirect.gather [hbm4b:s4+s19], $0x80, s0, s19, $0xb8;
	[tilespmem:$0x1F080] =	vst v63  }
0xb9: {  	_ =	swait.ge [sflag:s25], $0x2800  }
0xba: {  	[sflag:s25] =	ssyncset.done $0x0  }
0xbb: {  	s2 =	simm.s32 $0x3C80;
	[sflag:s25] =	ssyncadd.s32 $0xFFFFD800  }
0xbc: {  	[spmem:s1] =	stream.indirect.scatter.add.f32 [tilespmem:s20], [sflag:$0x4], $0x80, s2, s19, $0xb8;
	[tilespmem:$0x1F080] =	vst v63  }
0xbd: {  	_ =	swait.ge [sflag:s17], $0x2800  }
0xbe: {  	[sflag:s17] =	ssyncset.done $0x0  }
0xbf: {  	s31 =	simm.s32 $0x1E00;
	[sflag:s17] =	ssyncadd.s32 $0xFFFFD800  }
0xc0: {  	[tilespmem:s20], [sflag:$0x1] =	stream.indirect.gather [hbm4b:s4+s19], $0x80, s31, s19, $0xb8;
	[tilespmem:$0x1F080] =	vst v63  }
0xc1: {  	_ =	swait.ge [sflag:s26], $0x2800  }
0xc2: {  	[sflag:s26] =	ssyncset.done $0x0  }
0xc3: {  	s2 =	simm.s32 $0x3D00;
	[sflag:s26] =	ssyncadd.s32 $0xFFFFD800  }
0xc4: {  	[spmem:s1] =	stream.indirect.scatter.add.f32 [tilespmem:s22], [sflag:$0x4], $0x80, s2, s19, $0xb8;
	[tilespmem:$0x1F080] =	vst v63  }
0xc5: {  	_ =	swait.ge [sflag:s17], $0x2800  }
0xc6: {  	[sflag:s17] =	ssyncset.done $0x0  }
0xc7: {  	[sflag:s17] =	ssyncadd.s32 $0xFFFFD800  }
0xc8: {  	_ =	swait.ge [sflag:s28], $0x2800  }
0xc9: {  	[sflag:s28] =	ssyncset.done $0x0  }
0xca: {  	s31 =	simm.s32 $0x3D80;
	[sflag:s28] =	ssyncadd.s32 $0xFFFFD800  }
0xcb: {  	[spmem:s1] =	stream.indirect.scatter.add.f32 [tilespmem:s24], [sflag:$0x4], $0x80, s31, s19, $0xb8;
	[tilespmem:$0x1F080] =	vst v63  }
0xcc: {  	_ =	swait.ge [sflag:s17], $0x2800  }
0xcd: {  	[sflag:s17] =	ssyncset.done $0x0  }
0xce: {  	[sflag:s17] =	ssyncadd.s32 $0xFFFFD800  }
0xcf: {  	_ =	swait.ge [sflag:s25], $0x2800  }
0xd0: {  	[sflag:s25] =	ssyncset.done $0x0  }
0xd1: {  	[sflag:s25] =	ssyncadd.s32 $0xFFFFD800  }
0xd2: {  	[spmem:s1] =	stream.indirect.scatter.add.f32 [tilespmem:s20], [sflag:$0x4], $0x80, s29, s19, $0xb8;
	[tilespmem:$0x1F080] =	vst v63  }
0xd3: {  	_ =	swait.ge [sflag:s17], $0x2800  }
0xd4: {  	[sflag:s17] =	ssyncset.done $0x0  }
0xd5: {  	[sflag:s17] =	ssyncadd.s32 $0xFFFFD800  }
0xd6: {  	s0 =	simm.s32 @p0 $0x1FC4;
	[bflag:$0x0] =	sbarrier.arrive $0xFFFF  }
0xd7: {  	[hbm:s12], [sflag:s0] =	dma.local @p0 [spmem:s14], $0x2800  }
0xd8: {  	s0 =	simm.s32 @p0 $0x4  }
0xd9: {  	s30 =	sadd.s32 $0x1, s30;
	_ =	swait.ge @p0 [sflag:s0], $0x2800  }
0xda: {  	p1 =	sne.s32 s30, s13;
	[sflag:s0] =	ssyncset.done @p0 $0x0  }
.Ltmp2:
0xdb: {  	[sflag:s0] =	ssyncadd.s32 @p0 $0xFFFFD800;
	s0 =	simm.s32 @!p0 $0x4;
	(pc) =	sbr.rel @p1 .LBB2_1-.Ltmp2, $4  }
0xdc: {  	[hbm:s11], [sflag:s15] =	dma.local @!p0 [spmem:s16], $0x2700  }
0xdd: {  	_ =	swait.ge @!p0 [sflag:s0], $0x2700  }
0xde: {  	[sflag:s0] =	ssyncset.done @!p0 $0x0  }
0xdf: {  	[sflag:s0] =	ssyncadd.s32 @!p0 $0xFFFFD900  }
0xe0: {  	_ =	sfence.sel $0x180000  }
0xe1: {  	[bflag:$0x0] =	sbarrier.arrive $0xFFFF  }
0xe2: {  	_ =	strace $0x9000004A  }
0xe3: {  	s0 =	stileid.u32;
	[bflag:$0x2] =	sbarrier.arrive $0xFFFF  }
0xe4: {  	p0 =	sne.s32 s0, $0x0;
	s0 =	rddreg [dreg:$0x2]  }
0xe5: {  	s0 =	sadd.s32 @!p0 $0x100000, s0  }
0xe6: {  	[sflag:s0] =	ssyncadd.tile.s32 @!p0 $0x1;
	_ =	shalt  }
.Lfunc_end2:
_tile_overlayer_lowered:
.L_overlay_start_2:
0xe7: {  	(tag) =	ssettag $0x2  }
0xe8: {  	s0 =	rddreg [dreg:$0x0];
	s2 =	stileid.u32  }
0xe9: {  	s1 =	rddreg [dreg:$0x1];
	p0 =	sne.s32 s2, $0x0  }
0xea: {  	s3 =	rddreg [dreg:$0x2];
	[bflag:$0x3] =	sbarrier.arrive $0xFFFF;
	s2 =	simm.s32 @!p0 $0x1C04  }
0xeb: {  	[timem:s3], [sflag:s2] =	dma.local @!p0 [hbm:s0], s1  }
0xec: {  	s0 =	simm.s32 @!p0 $0x4  }
0xed: {  	_ =	swait.ge @!p0 [sflag:s0], s1  }
0xee: {  	s1 =	ssub.s32 @!p0 $0x0, s1;
	[sflag:s0] =	ssyncset.done @!p0 $0x0  }
0xef: {  	[sflag:s0] =	ssyncadd.s32 @!p0 s1  }
0xf0: {  	[bflag:$0x3] =	sbarrier.arrive $0xFFFF  }
0xf1: {  	_ =	shalt  }

// kernel: kernel.7.cloned.1.call-start
scs
__scs_entry_jumppad:
0x0: {  	(pc) =	sbr.rel $0x88, $3  }
0x1: {  	(tag) =	ssettag $0x0;
	lr =	simm.s32 $0x1  }
0x2: {  	[smem:$0x3F91] =	sst lr;
	_ =	strace $0xD0000000  }
0x3: {  	_ = 	snop  }
0x4: {  	_ = 	snop  }
0x5: {  	_ = 	snop  }
0x6: {  	_ = 	snop  }
0x7: {  	_ = 	snop  }
__scs_overlays_trampoline_lowered:
0x8: {  	[smem:$0x3FA0] =	sst s0  }
0x9: {  	[smem:$0x3FA1] =	sst s1  }
0xa: {  	[smem:$0x3FA2] =	sst s2  }
0xb: {  	[smem:$0x3FA3] =	sst s3  }
0xc: {  	[smem:$0x3FA4] =	sst s4  }
0xd: {  	[smem:$0x3FA5] =	sst s5  }
0xe: {  	[smem:$0x3FA6] =	sst s6  }
0xf: {  	[smem:$0x3FA7] =	sst s7  }
0x10: {  	[smem:$0x3FA8] =	sst s8  }
0x11: {  	[smem:$0x3FA9] =	sst s9;
	s0 =	simm.s32 @!p0 $0x0  }
0x12: {  	s1 =	sld [smem:$0x3F8F];
	s0 =	simm.s32 @p0 $0x1  }
0x13: {  	[smem:$0x3FAA] =	sst s0;
	s0 =	simm.s32 @!p1 $0x0  }
0x14: {  	s2 =	sld [smem:$0x3F8E];
	s0 =	simm.s32 @p1 $0x1  }
0x15: {  	[smem:$0x3FAB] =	sst s0;
	s0 =	simm.s32 @!p2 $0x0  }
0x16: {  	s3 =	sld [smem:$0x3FDB];
	s0 =	simm.s32 @p2 $0x1  }
0x17: {  	s4 =	simm.s32 $0x1BF5;
	[smem:$0x3FAD] =	sst s0  }
0x18: {  	s0 =	sld [smem:$0x3F90];
	_ =	swait.ge [sflag:s4], $0x0  }
0x19: {  	s7 =	sld [smem:$0x3F91]  }
0x1a: {  	s8 =	sadd.s32 $0xFFFFE003, lr  }
0x1b: {  	s9 =	sadd.s32 $0xFFFFFEF7, lr;
	s5 =	simm.s32 $0xFFFFFFFF;
	p2 =	slt.u32 s8, $0xFFFFF086  }
0x1c: {  	p1 =	slt.u32 s9, $0xF7A;
	s5 =	simm.s32 @!p2 $0x0  }
0x1d: {  	s5 =	simm.s32 @p1 $0x1;
	p0 =	seq.s32 s7, s2  }
0x1e: {  	s7 =	smul.u32 @!p0 $0xF7A, s2;
	p2 =	seq.s32 @!p0 s5, $0x0  }
0x1f: {  	s9 =	smul.u32 $0xF7A, s1;
	s8 =	simm.s32 @!p0 $0x1BF5;
	p2 =	por !p2, p0  }
0x20: {  	[sflag:s8] =	ssyncset.s32 @!p0 $0xFFFFF086;
	s6 =	sadd.s32 @!p0 s3, s7;
	s7 =	simm.s32 @!p0 $0x108  }
0x21: {  	s3 =	sadd.s32 s3, s9;
	s6 =	sadd.s32 @!p0 $0x88, s6;
	s7 =	simm.s32 @p2 $0x1082  }
0x22: {  	[simem:s7], [sflag:s8] =	dma.local @!p0 [hbm:s6], $0xF7A  }
0x23: {  	s9 =	sor.u32 $0xD0000000, s2;
	s6 =	simm.s32 $0x108;
	_ =	swait.ge @!p0 [sflag:s8], $0x0  }
0x24: {  	s3 =	sadd.s32 $0x88, s3;
	s6 =	simm.s32 @!p1 $0x1082;
	[sflag:s4] =	ssyncset.s32 $0xFFFFF086  }
0x25: {  	[simem:s6], [sflag:s4] =	dma.local [hbm:s3], $0xF7A  }
0x26: {  	[smem:$0x3F91] =	sst s1;
	(tag) =	ssettag s2;
	_ =	strace s9  }
0x27: {  	s1 =	sld [smem:$0x3FA1]  }
0x28: {  	s2 =	sld [smem:$0x3FA2]  }
0x29: {  	s4 =	sld [smem:$0x3FA4]  }
0x2a: {  	p0 =	seq.s32 s5, $0x0;
	s5 =	sld [smem:$0x3FA5]  }
0x2b: {  	s6 =	sld [smem:$0x3FA6]  }
0x2c: {  	s7 =	sld [smem:$0x3FA7]  }
0x2d: {  	s3 =	simm.s32 $0x108;
	s8 =	sld [smem:$0x3FA8]  }
0x2e: {  	s3 =	simm.s32 @!p0 $0x1082;
	s9 =	sld [smem:$0x3FA9]  }
0x2f: {  	lr =	sadd.s32 s0, s3;
	s0 =	sld [smem:$0x3FA0]  }
0x30: {  	s3 =	sld [smem:$0x3FA3]  }
0x31: {  	[smem:$0x3FAC] =	sst s10  }
0x32: {  	s10 =	sld [smem:$0x3FAA];
	_ =	sdelay $0x3  }
0x33: {  	p0 =	seq.s32 s10, $0x1;
	s10 =	sld [smem:$0x3FAC];
	_ =	sdelay $0x3  }
0x34: {  	[smem:$0x3FAC] =	sst s10  }
0x35: {  	s10 =	sld [smem:$0x3FAB];
	_ =	sdelay $0x3  }
0x36: {  	p1 =	seq.s32 s10, $0x1;
	s10 =	sld [smem:$0x3FAC];
	_ =	sdelay $0x3  }
0x37: {  	[smem:$0x3FAC] =	sst s10  }
0x38: {  	s10 =	sld [smem:$0x3FAD]  }
0x39: {  	_ = 	snop;
	(pc) =	sbr.ind lr, $3  }
0x3a: {  	_ = 	snop  }
0x3b: {  	_ = 	snop  }
0x3c: {  	p2 =	seq.s32 s10, $0x1;
	s10 =	sld [smem:$0x3FAC]  }
0x3d: {  	_ =	shalt  }
0x3e: {  	_ =	shalt  }
0x3f: {  	_ =	shalt  }
0x40: {  	_ =	shalt  }
0x41: {  	_ =	shalt  }
0x42: {  	_ =	shalt  }
0x43: {  	_ =	shalt  }
0x44: {  	_ =	shalt  }
0x45: {  	_ =	shalt  }
0x46: {  	_ =	shalt  }
0x47: {  	_ =	shalt  }
0x48: {  	_ =	shalt  }
0x49: {  	_ =	shalt  }
0x4a: {  	_ =	shalt  }
0x4b: {  	_ =	shalt  }
0x4c: {  	_ =	shalt  }
0x4d: {  	_ =	shalt  }
0x4e: {  	_ =	shalt  }
0x4f: {  	_ =	shalt  }
0x50: {  	_ =	shalt  }
0x51: {  	_ =	shalt  }
0x52: {  	_ =	shalt  }
0x53: {  	_ =	shalt  }
0x54: {  	_ =	shalt  }
0x55: {  	_ =	shalt  }
0x56: {  	_ =	shalt  }
0x57: {  	_ =	shalt  }
0x58: {  	_ =	shalt  }
0x59: {  	_ =	shalt  }
0x5a: {  	_ =	shalt  }
0x5b: {  	_ =	shalt  }
0x5c: {  	_ =	shalt  }
0x5d: {  	_ =	shalt  }
0x5e: {  	_ =	shalt  }
0x5f: {  	_ =	shalt  }
0x60: {  	_ =	shalt  }
0x61: {  	_ =	shalt  }
0x62: {  	_ =	shalt  }
0x63: {  	_ =	shalt  }
0x64: {  	_ =	shalt  }
0x65: {  	_ =	shalt  }
0x66: {  	_ =	shalt  }
0x67: {  	_ =	shalt  }
0x68: {  	_ =	shalt  }
0x69: {  	_ =	shalt  }
0x6a: {  	_ =	shalt  }
0x6b: {  	_ =	shalt  }
0x6c: {  	_ =	shalt  }
0x6d: {  	_ =	shalt  }
0x6e: {  	_ =	shalt  }
0x6f: {  	_ =	shalt  }
0x70: {  	_ =	shalt  }
0x71: {  	_ =	shalt  }
0x72: {  	_ =	shalt  }
0x73: {  	_ =	shalt  }
0x74: {  	_ =	shalt  }
0x75: {  	_ =	shalt  }
0x76: {  	_ =	shalt  }
0x77: {  	_ =	shalt  }
0x78: {  	_ =	shalt  }
0x79: {  	_ =	shalt  }
0x7a: {  	_ =	shalt  }
0x7b: {  	_ =	shalt  }
0x7c: {  	_ =	shalt  }
0x7d: {  	_ =	shalt  }
0x7e: {  	_ =	shalt  }
0x7f: {  	_ =	shalt  }
0x80: {  	_ =	shalt  }
0x81: {  	_ =	shalt  }
0x82: {  	_ =	shalt  }
0x83: {  	_ =	shalt  }
0x84: {  	_ =	shalt  }
0x85: {  	_ =	shalt  }
0x86: {  	_ =	shalt  }
0x87: {  	_ =	shalt  }
.Lfunc_end0:
.L_simem_size_0:
called_computation_lowered:
.L_overlay_start_0:
0x88: {  	s2 =	sld [smem:$0x3FD9]  }
0x89: {  	s3 =	sld [smem:$0x3FFE];
	_ =	sdelay $0x1  }
0x8a: {  	s1 =	srdreg.scid  }
0x8b: {  	s0 =	sand.u32 $0x1, s1  }
0x8c: {  	s17 =	sshll.u32 s0, $0xA;
	s2 =	sadd.s32 s3, s2  }
0x8d: {  	s2 =	sadd.s32 s2, s17  }
0x8e: {  	[smem:$0x3FB8] =	sst s2  }
0x8f: {  	_ = 	snop  }
0x90: {  	s2 =	sld [smem:$0x3FC9];
	(tm) =	ssettm $0x1  }
0x91: {  	s18 =	sld [smem:$0x3FFB];
	_ =	sdelay $0x3  }
0x92: {  	_ =	strace s18  }
0x93: {  	s3 =	sld [smem:$0x3FFC];
	_ =	sdelay $0x3  }
0x94: {  	_ =	strace s3  }
0x95: {  	s3 =	sld [smem:$0x3FFD];
	_ =	sdelay $0x3  }
0x96: {  	_ =	strace s3  }
0x97: {  	_ =	strace $0x8FFFFFFF  }
0x98: {  	s19 =	sld [smem:$0x3FDB];
	_ =	sdelay $0x1  }
0x99: {  	s4 =	simm.s32 $_scs_section_size  }
0x9a: {  	s5 =	simm.s32 $_size__tile_overlayer_lowered;
	s6 =	simm.s32 $_tile_overlayer_lowered  }
0x9b: {  	s22 =	simm.s32 $0x1BFF;
	s21 =	sshll.u32 s6, $0x1;
	s3 =	sadd.s32 s4, s19  }
0x9c: {  	s7 =	simm.s32 $0x0;
	s20 =	sshll.u32 s5, $0x1;
	s5 =	sadd.s32 s21, s3  }
0x9d: {  	[timem:s7], [sflag:s22] =	dma.local [hbm:s5], s20  }
0x9e: {  	_ =	swait.ge [sflag:s22], s20  }
0x9f: {  	s4 =	ssub.s32 $0x0, s20;
	[sflag:s22] =	ssyncset.done $0x0  }
0xa0: {  	[sflag:s22] =	ssyncadd.s32 s4;
	_ =	sdelay $0x1  }
0xa1: {  	s23 =	simm.s32 $0x1B8B  }
0xa2: {  	_ =	swait.ge [sflag:s23], $0x1  }
0xa3: {  	[sflag:s23] =	ssyncset.done $0x0  }
0xa4: {  	s25 =	simm.s32 $0x1B8E;
	s24 =	sld [smem:$0x3FFE];
	[sflag:s23] =	ssyncadd.s32 $0xFFFFFFFF  }
0xa5: {  	s26 =	simm.s32 $execute0_lowered;
	[smem:$0x3FD2] =	sst s25  }
0xa6: {  	s5 =	sshll.u32 s26, $0x1;
	_ =	strace $0x80000046;
	[dreg:$0x1] =	wrdreg $0xFFFFFFFF  }
0xa7: {  	s28 =	simm.s32 $_size_execute0_lowered;
	s3 =	sadd.s32 s3, s5;
	[dreg:$0x0] =	wrdreg $0x0  }
0xa8: {  	s5 =	sshll.u32 s28, $0x1;
	[dreg:$0x2] =	wrdreg s3  }
0xa9: {  	[dreg:$0x3] =	wrdreg s5  }
0xaa: {  	[dreg:$0x4] =	wrdreg $0xC0  }
0xab: {  	_ =	task [dreg:s7], $0x5FFFF  }
0xac: {  	[dreg:$0x1] =	wrdreg $0xFFFFFFFF  }
0xad: {  	[dreg:$0x0] =	wrdreg $0x60  }
0xae: {  	[dreg:$0x2] =	wrdreg s2  }
0xaf: {  	[dreg:$0x3] =	wrdreg s24  }
0xb0: {  	[dreg:$0x4] =	wrdreg $0xB8000  }
0xb1: {  	[dreg:$0x5] =	wrdreg $0x9  }
0xb2: {  	_ =	task.clear_ibuf [dreg:s7], $0x6FFFF;
	_ =	strace $0x90000046  }
0xb3: {  	s29 =	simm.s32 $0x9;
	_ =	strace $0x80000048  }
0xb4: {  	_ =	swait.ge [sflag:s29], $0x1  }
0xb5: {  	[sflag:s29] =	ssyncadd.s32 $0xFFFFFFFF  }
0xb6: {  	_ =	strace $0x90000048  }
0xb7: {  	_ =	sfence  }
0xb8: {  	s30 =	sld [smem:$0x0];
	_ =	sdelay $0x2  }
0xb9: {  	s31 =	sshll.u32 s1, $0xD;
	s1 =	sshrl.u32 s1, $0x2  }
0xba: {  	s3 =	sand.u32 $0x4000, s31;
	s1 =	sadd.s32 s1, s30  }
0xbb: {  	s0 =	sor.u32 s3, s0;
	s1 =	sshll.u32 s1, $0x11  }
0xbc: {  	s0 =	sor.u32 s1, s0  }
0xbd: {  	s0 =	sadd.s32 $0x8F2B, s0  }
0xbe: {  	[sflag:s0] =	ssyncadd.remote.s32 $0x1  }
0xbf: {  	_ =	sfence.sel $0xFFFF  }
0xc0: {  	[dreg:$0x0] =	wrdreg $0xFFFFFFFF;
	(pc) =	sbr.abs _section_cstart, $3  }
0xc1: {  	[dreg:$0x1] =	wrdreg $0xFFFFFFFF  }
0xc2: {  	_ =	task.clear_ibuf [dreg:s7], $0x2FFFF;
	_ =	strace $0x9FFFFFFF  }
0xc3: {  	(tm) =	ssettm $0x7FFFFFFF  }
tec
execute0_lowered:
.L_overlay_start_1:
0x0: {  	(tag) =	ssettag $0x1  }
0x1: {  	s1 =	rddreg [dreg:$0x0]  }
0x2: {  	s0 =	rddreg [dreg:$0x1]  }
0x3: {  	s3 =	rddreg [dreg:$0x2];
	s2 =	srdreg.scid;
	s4 =	simm.s32 $0x0  }
0x4: {  	s15 =	stileid.u32;
	s17 =	simm.s32 $0x4;
	s18 =	simm.s32 $0x2000  }
0x5: {  	s19 =	simm.s32 $0x50;
	s20 =	simm.s32 $0x4000;
	s21 =	simm.s32 $0x80  }
0x6: {  	s22 =	simm.s32 $0x6800;
	s28 =	simm.s32 $0x3;
	s29 =	simm.s32 $0x3E00  }
0x7: {  	s30 =	simm.s32 $0x0;
	s2 =	sand.u32 $0x1, s2;
	s23 =	smul.u32 $0x2700, s15  }
0x8: {  	[smem:$0x7FF] =	sst s4;
	s6 =	sshll.u32 s15, $0xB;
	s7 =	smul.u32 $0x4E000, s15  }
0x9: {  	s12 =	sadd.s32 $0x4A600, s0;
	s11 =	smul.u32 $0x13800, s15;
	s14 =	sadd.s32 $0x124800, s3  }
0xa: {  	p0 =	seq.s32 s15, $0xF;
	s5 =	sshll.u32 s2, $0xF;
	_ =	strace $0x80000047  }
0xb: {  	s24 =	ssub.s32 $0x2, s2;
	s2 =	smul.u32 $0x138800, s2;
	s14 =	sshrl.u32 @p0 s14, $0x3  }
0xc: {  	s5 =	sor.u32 s6, s5;
	s6 =	sadd.s32 s23, s0;
	s8 =	sshrl.u32 s24, $0x1  }
0xd: {  	s25 =	sshrl.u32 s7, $0x2;
	s23 =	simm.s32 $0x100;
	s10 =	sadd.s32 s5, s0  }
0xe: {  	s13 =	ssub.s32 s24, s8;
	s16 =	sadd.s32 s25, s3;
	s5 =	sadd.s32 $0x23400, s6  }
0xf: {  	s6 =	sadd.s32 $0x47D00, s0;
	s26 =	sadd.s32 s11, s2;
	s2 =	sshrl.u32 s2, $0x3  }
0x10: {  	s24 =	simm.s32 $0x9000;
	s25 =	simm.s32 $0x1;
	s7 =	sadd.s32 $0x3400, s10  }
0x11: {  	s8 =	sadd.s32 $0x13400, s10;
	s9 =	sadd.s32 $0x3800, s10;
	s10 =	sadd.s32 $0x13800, s10  }
0x12: {  	s0 =	sshrl.u32 s26, $0x3;
	s31 =	sadd.s32 s12, s2;
	s13 =	smax.u32 s13, $0x1  }
0x13: {  	s16 =	sshrl.u32 @!p0 s16, $0x3;
	s11 =	sadd.s32 s12, s0;
	s0 =	sshll.u32 @!p0 s15, $0x6  }
0x14: {  	s26 =	simm.s32 $0x2;
	s12 =	sadd.s32 $0x24900, s31;
	s15 =	sor.u32 @!p0 $0x1C04, s0  }
.LBB2_1:
0x15: {  	s0 =	simm.s32 @p0 $0x1FC4  }
0x16: {  	[spmem:s14], [sflag:s0] =	dma.local @p0 [hbm:s6], $0x2800  }
0x17: {  	s0 =	simm.s32 @p0 $0x4  }
0x18: {  	_ =	swait.ge @p0 [sflag:s0], $0x2800  }
0x19: {  	[sflag:s0] =	ssyncset.done @p0 $0x0  }
0x1a: {  	[sflag:s0] =	ssyncadd.s32 @p0 $0xFFFFD800;
	s0 =	simm.s32 @!p0 $0x4  }
0x1b: {  	[spmem:s16], [sflag:s15] =	dma.local @!p0 [hbm:s5], $0x2700  }
0x1c: {  	_ =	swait.ge @!p0 [sflag:s0], $0x2700  }
0x1d: {  	[sflag:s0] =	ssyncset.done @!p0 $0x0  }
0x1e: {  	[sflag:s0] =	ssyncadd.s32 @!p0 $0xFFFFD900  }
0x1f: {  	[bflag:$0x0] =	sbarrier.arrive $0xFFFF  }
0x20: {  	[tilespmem:s4], [sflag:$0x4] =	stream.linear.gather [hbm4b:s7+s4], $0x2000, $0x38;
	[tilespmem:$0x1F080] =	vst v63  }
0x21: {  	_ =	swait.ge [sflag:s17], $0x2000  }
0x22: {  	[sflag:s17] =	ssyncset.done $0x0  }
0x23: {  	[sflag:s17] =	ssyncadd.s32 $0xFFFFE000  }
0x24: {  	[tilespmem:s18], [sflag:$0x4] =	stream.linear.gather [hbm4b:s8+s4], $0x2000, $0x38;
	[tilespmem:$0x1F080] =	vst v63  }
0x25: {  	_ =	swait.ge [sflag:s17], $0x2000  }
0x26: {  	[sflag:s17] =	ssyncset.done $0x0  }
0x27: {  	[sflag:s17] =	ssyncadd.s32 $0xFFFFE000  }
0x28: {  	[tilespmem:s20], [sflag:$0x1] =	stream.indirect.gather [hbm4b:s1+s19], $0x80, s4, s19, $0xb8;
	[tilespmem:$0x1F080] =	vst v63  }
0x29: {  	_ = 	snop  }
0x2a: {  	[tilespmem:s22], [sflag:$0x2] =	stream.indirect.gather [hbm4b:s1+s19], $0x80, s21, s19, $0xb8;
	[tilespmem:$0x1F080] =	vst v63  }
0x2b: {  	_ = 	snop  }
0x2c: {  	[tilespmem:s24], [sflag:$0x3] =	stream.indirect.gather [hbm4b:s1+s19], $0x80, s23, s19, $0xb8;
	[tilespmem:$0x1F080] =	vst v63  }
0x2d: {  	_ =	swait.ge [sflag:s25], $0x2800  }
0x2e: {  	[sflag:s25] =	ssyncset.done $0x0  }
0x2f: {  	s2 =	simm.s32 $0x2000;
	[sflag:s25] =	ssyncadd.s32 $0xFFFFD800  }
0x30: {  	[spmem:s3] =	stream.indirect.scatter.add.f32 [tilespmem:s20], [sflag:$0x4], $0x80, s2, s19, $0xb8;
	[tilespmem:$0x1F080] =	vst v63  }
0x31: {  	_ =	swait.ge [sflag:s17], $0x2800  }
0x32: {  	[sflag:s17] =	ssyncset.done $0x0  }
0x33: {  	s2 =	simm.s32 $0x180;
	[sflag:s17] =	ssyncadd.s32 $0xFFFFD800  }
0x34: {  	[tilespmem:s20], [sflag:$0x1] =	stream.indirect.gather [hbm4b:s1+s19], $0x80, s2, s19, $0xb8;
	[tilespmem:$0x1F080] =	vst v63  }
0x35: {  	_ =	swait.ge [sflag:s26], $0x2800  }
0x36: {  	[sflag:s26] =	ssyncset.done $0x0  }
0x37: {  	s2 =	simm.s32 $0x2080;
	[sflag:s26] =	ssyncadd.s32 $0xFFFFD800  }
0x38: {  	[spmem:s3] =	stream.indirect.scatter.add.f32 [tilespmem:s22], [sflag:$0x4], $0x80, s2, s19, $0xb8;
	[tilespmem:$0x1F080] =	vst v63  }
0x39: {  	_ =	swait.ge [sflag:s17], $0x2800  }
0x3a: {  	[sflag:s17] =	ssyncset.done $0x0  }
0x3b: {  	s2 =	simm.s32 $0x200;
	[sflag:s17] =	ssyncadd.s32 $0xFFFFD800  }
0x3c: {  	[tilespmem:s22], [sflag:$0x2] =	stream.indirect.gather [hbm4b:s1+s19], $0x80, s2, s19, $0xb8;
	[tilespmem:$0x1F080] =	vst v63  }
0x3d: {  	_ =	swait.ge [sflag:s28], $0x2800  }
0x3e: {  	[sflag:s28] =	ssyncset.done $0x0  }
0x3f: {  	s2 =	simm.s32 $0x2100;
	[sflag:s28] =	ssyncadd.s32 $0xFFFFD800  }
0x40: {  	[spmem:s3] =	stream.indirect.scatter.add.f32 [tilespmem:s24], [sflag:$0x4], $0x80, s2, s19, $0xb8;
	[tilespmem:$0x1F080] =	vst v63  }
0x41: {  	_ =	swait.ge [sflag:s17], $0x2800  }
0x42: {  	[sflag:s17] =	ssyncset.done $0x0  }
0x43: {  	s31 =	simm.s32 $0x600;
	s0 =	simm.s32 $0x280;
	[sflag:s17] =	ssyncadd.s32 $0xFFFFD800  }
.LBB2_2:
0x44: {  	[tilespmem:s24], [sflag:$0x3] =	stream.indirect.gather [hbm4b:s1+s19], $0x80, s0, s19, $0xb8;
	[tilespmem:$0x1F080] =	vst v63  }
0x45: {  	s0 =	smov.u32 s31  }
0x46: {  	p1 =	sne.s32 s31, $0x7200;
	s31 =	sadd.s32 $0x600, s31;
	_ =	swait.ge [sflag:s25], $0x2800  }
0x47: {  	s0 =	sshra.s32 s0, $0x2;
	[sflag:s25] =	ssyncset.done $0x0  }
0x48: {  	s2 =	sadd.s32 $0x2000, s0;
	[sflag:s25] =	ssyncadd.s32 $0xFFFFD800  }
0x49: {  	[spmem:s3] =	stream.indirect.scatter.add.f32 [tilespmem:s20], [sflag:$0x4], $0x80, s2, s19, $0xb8;
	[tilespmem:$0x1F080] =	vst v63  }
0x4a: {  	_ =	swait.ge [sflag:s17], $0x2800  }
0x4b: {  	[sflag:s17] =	ssyncset.done $0x0  }
0x4c: {  	s2 =	sadd.s32 $0x180, s0;
	[sflag:s17] =	ssyncadd.s32 $0xFFFFD800  }
0x4d: {  	[tilespmem:s20], [sflag:$0x1] =	stream.indirect.gather [hbm4b:s1+s19], $0x80, s2, s19, $0xb8;
	[tilespmem:$0x1F080] =	vst v63  }
0x4e: {  	_ =	swait.ge [sflag:s26], $0x2800  }
0x4f: {  	[sflag:s26] =	ssyncset.done $0x0  }
0x50: {  	s2 =	sadd.s32 $0x2080, s0;
	[sflag:s26] =	ssyncadd.s32 $0xFFFFD800  }
0x51: {  	[spmem:s3] =	stream.indirect.scatter.add.f32 [tilespmem:s22], [sflag:$0x4], $0x80, s2, s19, $0xb8;
	[tilespmem:$0x1F080] =	vst v63  }
0x52: {  	_ =	swait.ge [sflag:s17], $0x2800  }
0x53: {  	[sflag:s17] =	ssyncset.done $0x0  }
0x54: {  	s2 =	sadd.s32 $0x200, s0;
	[sflag:s17] =	ssyncadd.s32 $0xFFFFD800  }
0x55: {  	[tilespmem:s22], [sflag:$0x2] =	stream.indirect.gather [hbm4b:s1+s19], $0x80, s2, s19, $0xb8;
	[tilespmem:$0x1F080] =	vst v63  }
0x56: {  	_ =	swait.ge [sflag:s28], $0x2800  }
0x57: {  	[sflag:s28] =	ssyncset.done $0x0  }
.Ltmp0:
0x58: {  	s2 =	sadd.s32 $0x2100, s0;
	[sflag:s28] =	ssyncadd.s32 $0xFFFFD800;
	(pc) =	sbr.rel @p1 .LBB2_2-.Ltmp0, $4  }
0x59: {  	[spmem:s3] =	stream.indirect.scatter.add.f32 [tilespmem:s24], [sflag:$0x4], $0x80, s2, s19, $0xb8;
	[tilespmem:$0x1F080] =	vst v63  }
0x5a: {  	_ =	swait.ge [sflag:s17], $0x2800  }
0x5b: {  	[sflag:s17] =	ssyncset.done $0x0  }
0x5c: {  	s0 =	sadd.s32 $0x280, s0;
	[sflag:s17] =	ssyncadd.s32 $0xFFFFD800  }
0x5d: {  	[tilespmem:s24], [sflag:$0x3] =	stream.indirect.gather [hbm4b:s1+s19], $0x80, s0, s19, $0xb8;
	[tilespmem:$0x1F080] =	vst v63  }
0x5e: {  	_ =	swait.ge [sflag:s25], $0x2800  }
0x5f: {  	[sflag:s25] =	ssyncset.done $0x0  }
0x60: {  	[sflag:s25] =	ssyncadd.s32 $0xFFFFD800  }
0x61: {  	[spmem:s3] =	stream.indirect.scatter.add.f32 [tilespmem:s20], [sflag:$0x4], $0x80, s29, s19, $0xb8;
	[tilespmem:$0x1F080] =	vst v63  }
0x62: {  	_ =	swait.ge [sflag:s17], $0x2800  }
0x63: {  	[sflag:s17] =	ssyncset.done $0x0  }
0x64: {  	s2 =	simm.s32 $0x1F80;
	[sflag:s17] =	ssyncadd.s32 $0xFFFFD800  }
0x65: {  	[tilespmem:s20], [sflag:$0x1] =	stream.indirect.gather [hbm4b:s1+s19], $0x80, s2, s19, $0xb8;
	[tilespmem:$0x1F080] =	vst v63  }
0x66: {  	_ =	swait.ge [sflag:s26], $0x2800  }
0x67: {  	[sflag:s26] =	ssyncset.done $0x0  }
0x68: {  	s2 =	simm.s32 $0x3E80;
	[sflag:s26] =	ssyncadd.s32 $0xFFFFD800  }
0x69: {  	[spmem:s3] =	stream.indirect.scatter.add.f32 [tilespmem:s22], [sflag:$0x4], $0x80, s2, s19, $0xb8;
	[tilespmem:$0x1F080] =	vst v63  }
0x6a: {  	_ =	swait.ge [sflag:s17], $0x2800  }
0x6b: {  	[sflag:s17] =	ssyncset.done $0x0  }
0x6c: {  	[sflag:s17] =	ssyncadd.s32 $0xFFFFD800  }
0x6d: {  	_ =	swait.ge [sflag:s28], $0x2800  }
0x6e: {  	[sflag:s28] =	ssyncset.done $0x0  }
0x6f: {  	s2 =	simm.s32 $0x3F00;
	[sflag:s28] =	ssyncadd.s32 $0xFFFFD800  }
0x70: {  	[spmem:s3] =	stream.indirect.scatter.add.f32 [tilespmem:s24], [sflag:$0x4], $0x80, s2, s19, $0xb8;
	[tilespmem:$0x1F080] =	vst v63  }
0x71: {  	_ =	swait.ge [sflag:s17], $0x2800  }
0x72: {  	[sflag:s17] =	ssyncset.done $0x0  }
0x73: {  	[sflag:s17] =	ssyncadd.s32 $0xFFFFD800  }
0x74: {  	_ =	swait.ge [sflag:s25], $0x2800  }
0x75: {  	[sflag:s25] =	ssyncset.done $0x0  }
0x76: {  	s2 =	simm.s32 $0x3F80;
	[sflag:s25] =	ssyncadd.s32 $0xFFFFD800  }
0x77: {  	[spmem:s3] =	stream.indirect.scatter.add.f32 [tilespmem:s20], [sflag:$0x4], $0x80, s2, s19, $0xb8;
	[tilespmem:$0x1F080] =	vst v63  }
0x78: {  	_ =	swait.ge [sflag:s17], $0x2800  }
0x79: {  	[sflag:s17] =	ssyncset.done $0x0  }
0x7a: {  	s2 =	simm.s32 $0x0;
	[sflag:s17] =	ssyncadd.s32 $0xFFFFD800  }
0x7b: {  	[tilespmem:s2], [sflag:$0x4] =	stream.linear.gather [hbm4b:s9+s2], $0x1E80, $0x38;
	[tilespmem:$0x1F080] =	vst v63  }
0x7c: {  	_ =	swait.ge [sflag:s17], $0x1E80  }
0x7d: {  	[sflag:s17] =	ssyncset.done $0x0  }
0x7e: {  	[sflag:s17] =	ssyncadd.s32 $0xFFFFE180  }
0x7f: {  	[tilespmem:s18], [sflag:$0x4] =	stream.linear.gather [hbm4b:s10+s2], $0x1E80, $0x38;
	[tilespmem:$0x1F080] =	vst v63  }
0x80: {  	_ =	swait.ge [sflag:s17], $0x1E80  }
0x81: {  	[sflag:s17] =	ssyncset.done $0x0  }
0x82: {  	[sflag:s17] =	ssyncadd.s32 $0xFFFFE180  }
0x83: {  	[tilespmem:s20], [sflag:$0x1] =	stream.indirect.gather [hbm4b:s1+s19], $0x80, s2, s19, $0xb8;
	[tilespmem:$0x1F080] =	vst v63  }
0x84: {  	_ = 	snop  }
0x85: {  	[tilespmem:s22], [sflag:$0x2] =	stream.indirect.gather [hbm4b:s1+s19], $0x80, s21, s19, $0xb8;
	[tilespmem:$0x1F080] =	vst v63  }
0x86: {  	_ = 	snop  }
0x87: {  	[tilespmem:s24], [sflag:$0x3] =	stream.indirect.gather [hbm4b:s1+s19], $0x80, s23, s19, $0xb8;
	[tilespmem:$0x1F080] =	vst v63  }
0x88: {  	_ =	swait.ge [sflag:s25], $0x2800  }
0x89: {  	[sflag:s25] =	ssyncset.done $0x0  }
0x8a: {  	s2 =	simm.s32 $0x2000;
	[sflag:s25] =	ssyncadd.s32 $0xFFFFD800  }
0x8b: {  	[spmem:s3] =	stream.indirect.scatter.add.f32 [tilespmem:s20], [sflag:$0x4], $0x80, s2, s19, $0xb8;
	[tilespmem:$0x1F080] =	vst v63  }
0x8c: {  	_ =	swait.ge [sflag:s17], $0x2800  }
0x8d: {  	[sflag:s17] =	ssyncset.done $0x0  }
0x8e: {  	s2 =	simm.s32 $0x180;
	[sflag:s17] =	ssyncadd.s32 $0xFFFFD800  }
0x8f: {  	[tilespmem:s20], [sflag:$0x1] =	stream.indirect.gather [hbm4b:s1+s19], $0x80, s2, s19, $0xb8;
	[tilespmem:$0x1F080] =	vst v63  }
0x90: {  	_ =	swait.ge [sflag:s26], $0x2800  }
0x91: {  	[sflag:s26] =	ssyncset.done $0x0  }
0x92: {  	s2 =	simm.s32 $0x2080;
	[sflag:s26] =	ssyncadd.s32 $0xFFFFD800  }
0x93: {  	[spmem:s3] =	stream.indirect.scatter.add.f32 [tilespmem:s22], [sflag:$0x4], $0x80, s2, s19, $0xb8;
	[tilespmem:$0x1F080] =	vst v63  }
0x94: {  	_ =	swait.ge [sflag:s17], $0x2800  }
0x95: {  	[sflag:s17] =	ssyncset.done $0x0  }
0x96: {  	s2 =	simm.s32 $0x200;
	[sflag:s17] =	ssyncadd.s32 $0xFFFFD800  }
0x97: {  	[tilespmem:s22], [sflag:$0x2] =	stream.indirect.gather [hbm4b:s1+s19], $0x80, s2, s19, $0xb8;
	[tilespmem:$0x1F080] =	vst v63  }
0x98: {  	_ =	swait.ge [sflag:s28], $0x2800  }
0x99: {  	[sflag:s28] =	ssyncset.done $0x0  }
0x9a: {  	s2 =	simm.s32 $0x2100;
	[sflag:s28] =	ssyncadd.s32 $0xFFFFD800  }
0x9b: {  	[spmem:s3] =	stream.indirect.scatter.add.f32 [tilespmem:s24], [sflag:$0x4], $0x80, s2, s19, $0xb8;
	[tilespmem:$0x1F080] =	vst v63  }
0x9c: {  	_ =	swait.ge [sflag:s17], $0x2800  }
0x9d: {  	[sflag:s17] =	ssyncset.done $0x0  }
0x9e: {  	s31 =	simm.s32 $0x600;
	s0 =	simm.s32 $0x280;
	[sflag:s17] =	ssyncadd.s32 $0xFFFFD800  }
.LBB2_4:
0x9f: {  	[tilespmem:s24], [sflag:$0x3] =	stream.indirect.gather [hbm4b:s1+s19], $0x80, s0, s19, $0xb8;
	[tilespmem:$0x1F080] =	vst v63  }
0xa0: {  	s0 =	smov.u32 s31  }
0xa1: {  	p1 =	sne.s32 s31, $0x6C00;
	s31 =	sadd.s32 $0x600, s31;
	_ =	swait.ge [sflag:s25], $0x2800  }
0xa2: {  	s0 =	sshra.s32 s0, $0x2;
	[sflag:s25] =	ssyncset.done $0x0  }
0xa3: {  	s2 =	sadd.s32 $0x2000, s0;
	[sflag:s25] =	ssyncadd.s32 $0xFFFFD800  }
0xa4: {  	[spmem:s3] =	stream.indirect.scatter.add.f32 [tilespmem:s20], [sflag:$0x4], $0x80, s2, s19, $0xb8;
	[tilespmem:$0x1F080] =	vst v63  }
0xa5: {  	_ =	swait.ge [sflag:s17], $0x2800  }
0xa6: {  	[sflag:s17] =	ssyncset.done $0x0  }
0xa7: {  	s2 =	sadd.s32 $0x180, s0;
	[sflag:s17] =	ssyncadd.s32 $0xFFFFD800  }
0xa8: {  	[tilespmem:s20], [sflag:$0x1] =	stream.indirect.gather [hbm4b:s1+s19], $0x80, s2, s19, $0xb8;
	[tilespmem:$0x1F080] =	vst v63  }
0xa9: {  	_ =	swait.ge [sflag:s26], $0x2800  }
0xaa: {  	[sflag:s26] =	ssyncset.done $0x0  }
0xab: {  	s2 =	sadd.s32 $0x2080, s0;
	[sflag:s26] =	ssyncadd.s32 $0xFFFFD800  }
0xac: {  	[spmem:s3] =	stream.indirect.scatter.add.f32 [tilespmem:s22], [sflag:$0x4], $0x80, s2, s19, $0xb8;
	[tilespmem:$0x1F080] =	vst v63  }
0xad: {  	_ =	swait.ge [sflag:s17], $0x2800  }
0xae: {  	[sflag:s17] =	ssyncset.done $0x0  }
0xaf: {  	s2 =	sadd.s32 $0x200, s0;
	[sflag:s17] =	ssyncadd.s32 $0xFFFFD800  }
0xb0: {  	[tilespmem:s22], [sflag:$0x2] =	stream.indirect.gather [hbm4b:s1+s19], $0x80, s2, s19, $0xb8;
	[tilespmem:$0x1F080] =	vst v63  }
0xb1: {  	_ =	swait.ge [sflag:s28], $0x2800  }
0xb2: {  	[sflag:s28] =	ssyncset.done $0x0  }
.Ltmp1:
0xb3: {  	s2 =	sadd.s32 $0x2100, s0;
	[sflag:s28] =	ssyncadd.s32 $0xFFFFD800;
	(pc) =	sbr.rel @p1 .LBB2_4-.Ltmp1, $4  }
0xb4: {  	[spmem:s3] =	stream.indirect.scatter.add.f32 [tilespmem:s24], [sflag:$0x4], $0x80, s2, s19, $0xb8;
	[tilespmem:$0x1F080] =	vst v63  }
0xb5: {  	_ =	swait.ge [sflag:s17], $0x2800  }
0xb6: {  	[sflag:s17] =	ssyncset.done $0x0  }
0xb7: {  	s0 =	sadd.s32 $0x280, s0;
	[sflag:s17] =	ssyncadd.s32 $0xFFFFD800  }
0xb8: {  	[tilespmem:s24], [sflag:$0x3] =	stream.indirect.gather [hbm4b:s1+s19], $0x80, s0, s19, $0xb8;
	[tilespmem:$0x1F080] =	vst v63  }
0xb9: {  	_ =	swait.ge [sflag:s25], $0x2800  }
0xba: {  	[sflag:s25] =	ssyncset.done $0x0  }
0xbb: {  	s2 =	simm.s32 $0x3C80;
	[sflag:s25] =	ssyncadd.s32 $0xFFFFD800  }
0xbc: {  	[spmem:s3] =	stream.indirect.scatter.add.f32 [tilespmem:s20], [sflag:$0x4], $0x80, s2, s19, $0xb8;
	[tilespmem:$0x1F080] =	vst v63  }
0xbd: {  	_ =	swait.ge [sflag:s17], $0x2800  }
0xbe: {  	[sflag:s17] =	ssyncset.done $0x0  }
0xbf: {  	s31 =	simm.s32 $0x1E00;
	[sflag:s17] =	ssyncadd.s32 $0xFFFFD800  }
0xc0: {  	[tilespmem:s20], [sflag:$0x1] =	stream.indirect.gather [hbm4b:s1+s19], $0x80, s31, s19, $0xb8;
	[tilespmem:$0x1F080] =	vst v63  }
0xc1: {  	_ =	swait.ge [sflag:s26], $0x2800  }
0xc2: {  	[sflag:s26] =	ssyncset.done $0x0  }
0xc3: {  	s2 =	simm.s32 $0x3D00;
	[sflag:s26] =	ssyncadd.s32 $0xFFFFD800  }
0xc4: {  	[spmem:s3] =	stream.indirect.scatter.add.f32 [tilespmem:s22], [sflag:$0x4], $0x80, s2, s19, $0xb8;
	[tilespmem:$0x1F080] =	vst v63  }
0xc5: {  	_ =	swait.ge [sflag:s17], $0x2800  }
0xc6: {  	[sflag:s17] =	ssyncset.done $0x0  }
0xc7: {  	[sflag:s17] =	ssyncadd.s32 $0xFFFFD800  }
0xc8: {  	_ =	swait.ge [sflag:s28], $0x2800  }
0xc9: {  	[sflag:s28] =	ssyncset.done $0x0  }
0xca: {  	s31 =	simm.s32 $0x3D80;
	[sflag:s28] =	ssyncadd.s32 $0xFFFFD800  }
0xcb: {  	[spmem:s3] =	stream.indirect.scatter.add.f32 [tilespmem:s24], [sflag:$0x4], $0x80, s31, s19, $0xb8;
	[tilespmem:$0x1F080] =	vst v63  }
0xcc: {  	_ =	swait.ge [sflag:s17], $0x2800  }
0xcd: {  	[sflag:s17] =	ssyncset.done $0x0  }
0xce: {  	[sflag:s17] =	ssyncadd.s32 $0xFFFFD800  }
0xcf: {  	_ =	swait.ge [sflag:s25], $0x2800  }
0xd0: {  	[sflag:s25] =	ssyncset.done $0x0  }
0xd1: {  	[sflag:s25] =	ssyncadd.s32 $0xFFFFD800  }
0xd2: {  	[spmem:s3] =	stream.indirect.scatter.add.f32 [tilespmem:s20], [sflag:$0x4], $0x80, s29, s19, $0xb8;
	[tilespmem:$0x1F080] =	vst v63  }
0xd3: {  	_ =	swait.ge [sflag:s17], $0x2800  }
0xd4: {  	[sflag:s17] =	ssyncset.done $0x0  }
0xd5: {  	[sflag:s17] =	ssyncadd.s32 $0xFFFFD800  }
0xd6: {  	s0 =	simm.s32 @p0 $0x1FC4;
	[bflag:$0x0] =	sbarrier.arrive $0xFFFF  }
0xd7: {  	[hbm:s12], [sflag:s0] =	dma.local @p0 [spmem:s14], $0x2800  }
0xd8: {  	s0 =	simm.s32 @p0 $0x4  }
0xd9: {  	s30 =	sadd.s32 $0x1, s30;
	_ =	swait.ge @p0 [sflag:s0], $0x2800  }
0xda: {  	p1 =	sne.s32 s30, s13;
	[sflag:s0] =	ssyncset.done @p0 $0x0  }
.Ltmp2:
0xdb: {  	[sflag:s0] =	ssyncadd.s32 @p0 $0xFFFFD800;
	s0 =	simm.s32 @!p0 $0x4;
	(pc) =	sbr.rel @p1 .LBB2_1-.Ltmp2, $4  }
0xdc: {  	[hbm:s11], [sflag:s15] =	dma.local @!p0 [spmem:s16], $0x2700  }
0xdd: {  	_ =	swait.ge @!p0 [sflag:s0], $0x2700  }
0xde: {  	[sflag:s0] =	ssyncset.done @!p0 $0x0  }
0xdf: {  	[sflag:s0] =	ssyncadd.s32 @!p0 $0xFFFFD900  }
0xe0: {  	_ =	sfence.sel $0x180000  }
0xe1: {  	[bflag:$0x0] =	sbarrier.arrive $0xFFFF  }
0xe2: {  	_ =	strace $0x90000047  }
0xe3: {  	s0 =	stileid.u32;
	[bflag:$0x2] =	sbarrier.arrive $0xFFFF  }
0xe4: {  	p0 =	sne.s32 s0, $0x0;
	s0 =	rddreg [dreg:$0x3]  }
0xe5: {  	s0 =	sadd.s32 @!p0 $0x100000, s0  }
0xe6: {  	[sflag:s0] =	ssyncadd.tile.s32 @!p0 $0x1;
	_ =	shalt  }
.Lfunc_end2:
_tile_overlayer_lowered:
.L_overlay_start_2:
0xe7: {  	(tag) =	ssettag $0x2  }
0xe8: {  	s0 =	rddreg [dreg:$0x0];
	s2 =	stileid.u32  }
0xe9: {  	s1 =	rddreg [dreg:$0x1];
	p0 =	sne.s32 s2, $0x0  }
0xea: {  	s3 =	rddreg [dreg:$0x2];
	[bflag:$0x3] =	sbarrier.arrive $0xFFFF;
	s2 =	simm.s32 @!p0 $0x1C04  }
0xeb: {  	[timem:s3], [sflag:s2] =	dma.local @!p0 [hbm:s0], s1  }
0xec: {  	s0 =	simm.s32 @!p0 $0x4  }
0xed: {  	_ =	swait.ge @!p0 [sflag:s0], s1  }
0xee: {  	s1 =	ssub.s32 @!p0 $0x0, s1;
	[sflag:s0] =	ssyncset.done @!p0 $0x0  }
0xef: {  	[sflag:s0] =	ssyncadd.s32 @!p0 s1  }
0xf0: {  	[bflag:$0x3] =	sbarrier.arrive $0xFFFF  }
0xf1: {  	_ =	shalt  }

</sc_bundles>
